<compile_context>
chip_gen: v7x
topology: tpu7x:2x2x1
jax: 0.10.2.dev20260603
libtpu: 0.0.44.dev20260713+nightly
codegen_flags: <defaults>
</compile_context>

<pallas_src>
import functools

import jax
import jax.numpy as jnp
from jax import lax
from jax.experimental import pallas as pl
from jax.experimental.pallas import tpu as pltpu
from jax.experimental.pallas import tpu_sc as plsc

B, R, D, MAXPOS = 1024, 50, 256, 1000
NLOOK = B * R
NC, NS, L = 2, 16, 16
NW = NC * NS

BSC = 128
NSC = BSC * R
WPT = NW // 4
LOOK_PER = NSC // WPT
CHUNK = 80
NCHUNKS = LOOK_PER // CHUNK
SUBV = CHUNK // L
NBUF = 2

_mesh = plsc.VectorSubcoreMesh(
    core_axis_name="c", subcore_axis_name="s", num_cores=NC, num_subcores=NS
)


@functools.partial(
    pl.kernel,
    out_type=jax.ShapeDtypeStruct((4, NSC, D), jnp.float32),
    mesh=_mesh,
    scratch_types=[
        pltpu.VMEM((LOOK_PER,), jnp.float32),
        pltpu.VMEM((LOOK_PER,), jnp.float32),
        pltpu.VMEM((LOOK_PER,), jnp.float32),
        pltpu.VMEM((LOOK_PER,), jnp.float32),
        pltpu.VMEM((16,), jnp.float32),
        pltpu.VMEM((NCHUNKS, CHUNK), jnp.int32),
        pltpu.VMEM((NBUF, CHUNK, D), jnp.float32),
        pltpu.SemaphoreType.DMA,
        pltpu.SemaphoreType.DMA,
    ],
)
def _sc_kernel(cx1_hbm, cy1_hbm, cx2_hbm, cy2_hbm, scale_hbm, table_hbm,
               out_hbm, c0_v, c1_v, c2_v, c3_v, scale_v, idx_v, rows_v,
               gsem, ssem):
    sid = lax.axis_index("s")
    wid = sid * NC + lax.axis_index("c")
    t = wid % 4
    w8 = wid // 4
    look0 = w8 * LOOK_PER

    coords = (c0_v, c1_v, c2_v, c3_v)
    for src, dst in zip((cx1_hbm, cy1_hbm, cx2_hbm, cy2_hbm), coords):
        pltpu.sync_copy(src.at[pl.ds(look0, LOOK_PER)], dst)
    pltpu.sync_copy(scale_hbm, scale_v)

    scale = scale_v[...]
    toff = t * MAXPOS

    def compute_chunk(c, _):
        for k in range(SUBV):
            o = c * CHUNK + k * L
            a1 = jnp.clip(c0_v[pl.ds(o, L)] * scale,
                          0.0, 999.0).astype(jnp.int32)
            b1 = jnp.clip(c1_v[pl.ds(o, L)] * scale,
                          0.0, 999.0).astype(jnp.int32)
            a2 = jnp.clip(c2_v[pl.ds(o, L)] * scale,
                          0.0, 999.0).astype(jnp.int32)
            b2 = jnp.clip(c3_v[pl.ds(o, L)] * scale,
                          0.0, 999.0).astype(jnp.int32)
            wv = jnp.clip(a2 - a1, 0, 999)
            hv = jnp.clip(b2 - b1, 0, 999)
            val = jnp.where(t == 0, a1,
                            jnp.where(t == 1, b1,
                                      jnp.where(t == 2, wv, hv)))
            idx_v[c, pl.ds(k * L, L)] = val + toff
        return 0

    lax.fori_loop(0, NCHUNKS, compute_chunk, 0)

    def rows_of(c):
        return out_hbm.at[t, pl.ds(look0 + c * CHUNK, CHUNK)]

    def gstart(c, b):
        pltpu.async_copy(table_hbm.at[idx_v.at[c]], rows_v.at[b], gsem)

    def gwait(c, b):
        pltpu.make_async_copy(table_hbm.at[idx_v.at[c]], rows_v.at[b],
                              gsem).wait()

    def sstart(c, b):
        pltpu.async_copy(rows_v.at[b], rows_of(c), ssem)

    def swait(c, b):
        pltpu.make_async_copy(rows_v.at[b], rows_of(c), ssem).wait()

    def step(g, _):
        for b in range(NBUF):
            c = g * NBUF + b

            @pl.when(c >= NBUF)
            def _free():
                swait(c - NBUF, b)

            gstart(c, b)
            gwait(c, b)
            sstart(c, b)
        return 0

    lax.fori_loop(0, NCHUNKS // NBUF, step, 0)
    for c in range(NCHUNKS - NBUF, NCHUNKS):
        swait(c, c % NBUF)


NBTC = B - BSC
BB = 16
RP = 56


def _tc_body(scale_ref, bbox_ref, xt_ref, yt_ref, wt_ref, ht_ref, out_ref):
    bb = bbox_ref[...] * scale_ref[0]
    bi = jnp.clip(bb, 0.0, 999.0).astype(jnp.int32)
    x1 = bi[:, :, 0:1]
    y1 = bi[:, :, 1:2]
    w = jnp.clip(bi[:, :, 2:3] - x1, 0, 999)
    h = jnp.clip(bi[:, :, 3:4] - y1, 0, 999)
    classes = jax.lax.broadcasted_iota(jnp.int32, (BB, RP, MAXPOS), 2)
    ipad = jnp.full((BB, RP - R, 1), -1, jnp.int32)

    def emb(idx, tbl):
        idx_p = jnp.concatenate([idx, ipad], axis=1)
        onehot = (idx_p == classes).astype(jnp.bfloat16)
        return jnp.dot(onehot.reshape(BB * RP, MAXPOS), tbl[...],
                       preferred_element_type=jnp.float32)

    for t, (idx, tbl) in enumerate(
            ((x1, xt_ref), (y1, yt_ref), (w, wt_ref), (h, ht_ref))):
        e = emb(idx, tbl)
        for b in range(BB):
            out_ref[b, :, t * D:(t + 1) * D] = e[b * RP:b * RP + R, :]


def _tc_gather(scale_vec, bbox, xt, yt, wt, ht):
    tbl_spec = pl.BlockSpec((MAXPOS, D), lambda i: (0, 0))
    return pl.pallas_call(
        _tc_body,
        grid=(NBTC // BB,),
        in_specs=[
            pl.BlockSpec(memory_space=pltpu.SMEM),
            pl.BlockSpec((BB, R, 4), lambda i: (i + BSC // BB, 0, 0)),
            tbl_spec, tbl_spec, tbl_spec, tbl_spec,
        ],
        out_specs=pl.BlockSpec((BB, R, 4 * D), lambda i: (i + BSC // BB, 0, 0)),
        out_shape=jax.ShapeDtypeStruct((B, R, 4 * D), jnp.float32),
    )(scale_vec, bbox, xt, yt, wt, ht)


def _merge_body(sc_ref, bg_ref, out_ref):
    del bg_ref
    for b in range(BB):
        for t in range(4):
            out_ref[b, :, t * D:(t + 1) * D] = sc_ref[t, b * R:(b + 1) * R, :]


def _merge(sc_out, background):
    return pl.pallas_call(
        _merge_body,
        grid=(BSC // BB,),
        in_specs=[
            pl.BlockSpec((4, BB * R, D), lambda i: (0, i, 0)),
            pl.BlockSpec(memory_space=pl.ANY),
        ],
        out_specs=pl.BlockSpec((BB, R, 4 * D), lambda i: (i, 0, 0)),
        out_shape=jax.ShapeDtypeStruct((B, R, 4 * D), jnp.float32),
        input_output_aliases={1: 0},
    )(sc_out, background)


def kernel(bbox, x_table, y_table, w_table, h_table):
    scale = jnp.where(jnp.max(bbox) <= 1.0, 999.0, 1.0).astype(jnp.float32)
    table = jnp.concatenate([x_table, y_table, w_table, h_table], axis=0)
    flat = bbox.reshape(NLOOK, 4)
    planar = [flat[:NSC, q].reshape(NSC) for q in range(4)]
    out_sc = _sc_kernel(planar[0], planar[1], planar[2], planar[3],
                        jnp.broadcast_to(scale, (16,)), table)
    out_tc = _tc_gather(scale.reshape(1), bbox,
                        x_table.astype(jnp.bfloat16),
                        y_table.astype(jnp.bfloat16),
                        w_table.astype(jnp.bfloat16),
                        h_table.astype(jnp.bfloat16))
    return _merge(out_sc, out_tc)

# --- scband reference (transcript-rebuilt; emitter-appended) ---
"""Pipeline reference for scband-positional-embedding2-d-51926154609363 (READ-ONLY COPY).

The authoritative reference and input builder live on the scoring server;
editing this copy changes nothing except your own understanding.
"""

import jax, jax.numpy as jnp
import numpy as np

HIDDEN = 1024
MAXPOS = 1000
B, R = 1024, 50

def setup_inputs(seed: int = 0) -> dict:
    key = jax.random.key(seed)
    k1, k2, k3, k4, k5 = jax.random.split(key, 5)
    bbox = jax.random.uniform(k1, (B, R, 4), dtype=jnp.float32)
    d = HIDDEN // 4
    x_table = jax.random.normal(k2, (MAXPOS, d), dtype=jnp.float32) * 0.02
    y_table = jax.random.normal(k3, (MAXPOS, d), dtype=jnp.float32) * 0.02
    w_table = jax.random.normal(k4, (MAXPOS, d), dtype=jnp.float32) * 0.02
    h_table = jax.random.normal(k5, (MAXPOS, d), dtype=jnp.float32) * 0.02
    return {"bbox": bbox, "x_table": x_table, "y_table": y_table, "w_table": w_table, "h_table": h_table}

def reference(bbox, x_table, y_table, w_table, h_table):
    # scale to [0, 999] if normalized coords
    b = jnp.where(jnp.max(bbox) <= 1.0, bbox * 999.0, bbox)
    x1 = jnp.clip(b[..., 0], 0, 999).astype(jnp.int32)
    y1 = jnp.clip(b[..., 1], 0, 999).astype(jnp.int32)
    x2 = jnp.clip(b[..., 2], 0, 999).astype(jnp.int32)
    y2 = jnp.clip(b[..., 3], 0, 999).astype(jnp.int32)
    w = jnp.clip(x2 - x1, 0, 999)
    h = jnp.clip(y2 - y1, 0, 999)
    x_emb = jnp.take(x_table, x1, axis=0)
    y_emb = jnp.take(y_table, y1, axis=0)
    w_emb = jnp.take(w_table, w, axis=0)
    h_emb = jnp.take(h_table, h, axis=0)
    return jnp.concatenate([x_emb, y_emb, w_emb, h_emb], axis=-1)

if __name__ == "__main__":
    import jax
    _d = setup_inputs()
    print(jax.jit(kernel)(*tuple(_d.values())))

</pallas_src>

<mosaic_0001>
#map = affine_map<(d0, d1) -> (0)>
#map1 = affine_map<(d0, d1) -> (0, 0)>
#map2 = affine_map<(d0, d1) -> (0, 0, 0)>
module attributes {stable_mosaic.version = 14 : i64} {
  func.func @_sc_kernel(%arg0: i32, %arg1: i32, %arg2: memref<6400xf32, #tpu.memory_space<hbm>>, %arg3: memref<6400xf32, #tpu.memory_space<hbm>>, %arg4: memref<6400xf32, #tpu.memory_space<hbm>>, %arg5: memref<6400xf32, #tpu.memory_space<hbm>>, %arg6: memref<16xf32, #tpu.memory_space<hbm>>, %arg7: memref<4000x256xf32, #tpu.memory_space<hbm>>, %arg8: memref<4x6400x256xf32, #tpu.memory_space<hbm>>, %arg9: memref<800xf32, #tpu.memory_space<vmem>>, %arg10: memref<800xf32, #tpu.memory_space<vmem>>, %arg11: memref<800xf32, #tpu.memory_space<vmem>>, %arg12: memref<800xf32, #tpu.memory_space<vmem>>, %arg13: memref<16xf32, #tpu.memory_space<vmem>>, %arg14: memref<10x80xi32, #tpu.memory_space<vmem>>, %arg15: memref<2x80x256xf32, #tpu.memory_space<vmem>>, %arg16: memref<!tpu.dma_semaphore, #tpu.memory_space<semaphore_mem>>, %arg17: memref<!tpu.dma_semaphore, #tpu.memory_space<semaphore_mem>>) attributes {dimension_semantics = [#tpu.dimension_semantics<core_parallel>, #tpu.dimension_semantics<subcore_parallel>], iteration_bounds = array<i64: 2, 16>, scalar_prefetch = 0 : i64, scratch_operands = 9 : i64, tpu.core_type = #tpu.core_type<sc_vector_subcore>, window_params = [{transform_indices = #map}, {transform_indices = #map}, {transform_indices = #map}, {transform_indices = #map}, {transform_indices = #map}, {transform_indices = #map1}, {transform_indices = #map2}]} {
    %mul3A = arith.constant 2 : i32
    %mul3A_0 = arith.muli %arg1, %mul3A : i32
    %add3A = arith.addi %mul3A_0, %arg0 : i32
    %jit3A = arith.constant 4 : i32
    %eq3A = arith.constant 0 : i32
    %eq3A_1 = arith.cmpi eq, %jit3A, %eq3A : i32
    %jit3A_2 = arith.constant 1 : i32
    %select_n3A = arith.select %eq3A_1, %jit3A_2, %jit3A : i32
    %rem3A = arith.remsi %add3A, %select_n3A : i32
    %ne3A = arith.constant 0 : i32
    %ne3A_3 = arith.cmpi ne, %rem3A, %ne3A : i32
    %lt3A = arith.constant 0 : i32
    %lt3A_4 = arith.cmpi slt, %rem3A, %lt3A : i32
    %lt3A_5 = arith.constant 0 : i32
    %lt3A_6 = arith.cmpi slt, %select_n3A, %lt3A_5 : i32
    %ne3A_7 = arith.xori %lt3A_4, %lt3A_6 : i1
    %and3A = arith.andi %ne3A_7, %ne3A_3 : i1
    %add3A_8 = arith.addi %rem3A, %select_n3A : i32
    %select_n3A_9 = arith.select %and3A, %add3A_8, %rem3A : i32
    %jit3A_10 = arith.constant 4 : i32
    %div3A = arith.divsi %add3A, %jit3A_10 : i32
    %sign3A = arith.constant 0 : i32
    %sign3A_11 = arith.cmpi sgt, %add3A, %sign3A : i32
    %sign3A_12 = arith.extui %sign3A_11 : i1 to i32
    %sign3A_13 = arith.constant 0 : i32
    %sign3A_14 = arith.cmpi slt, %add3A, %sign3A_13 : i32
    %sign3A_15 = arith.extui %sign3A_14 : i1 to i32
    %sign3A_16 = arith.subi %sign3A_12, %sign3A_15 : i32
    %sign3A_17 = arith.constant 0 : i32
    %sign3A_18 = arith.cmpi sgt, %jit3A_10, %sign3A_17 : i32
    %sign3A_19 = arith.extui %sign3A_18 : i1 to i32
    %sign3A_20 = arith.constant 0 : i32
    %sign3A_21 = arith.cmpi slt, %jit3A_10, %sign3A_20 : i32
    %sign3A_22 = arith.extui %sign3A_21 : i1 to i32
    %sign3A_23 = arith.subi %sign3A_19, %sign3A_22 : i32
    %ne3A_24 = arith.cmpi ne, %sign3A_16, %sign3A_23 : i32
    %rem3A_25 = arith.remsi %add3A, %jit3A_10 : i32
    %ne3A_26 = arith.constant 0 : i32
    %ne3A_27 = arith.cmpi ne, %rem3A_25, %ne3A_26 : i32
    %and3A_28 = arith.andi %ne3A_24, %ne3A_27 : i1
    %sub3A = arith.constant 1 : i32
    %sub3A_29 = arith.subi %div3A, %sub3A : i32
    %select_n3A_30 = arith.select %and3A_28, %sub3A_29, %div3A : i32
    %mul3A_31 = arith.constant 800 : i32
    %mul3A_32 = arith.muli %select_n3A_30, %mul3A_31 : i32
    "tpu.region"() ({
      %run_scoped3A = tpu.sem_alloc : memref<!tpu.dma_semaphore, #tpu.memory_space<semaphore_mem>>
      %dma_start3A = tpu.memref_slice %arg2[%mul3A_32] : memref<6400xf32, #tpu.memory_space<hbm>> -> memref<800xf32, #tpu.memory_space<hbm>>
      %dma_start3A_83 = tpu.memref_slice %arg2[%mul3A_32] : memref<6400xf32, #tpu.memory_space<hbm>> -> memref<800xf32, #tpu.memory_space<hbm>>
      tpu.enqueue_dma source(%dma_start3A_83 : memref<800xf32, #tpu.memory_space<hbm>>) target(%arg9 : memref<800xf32, #tpu.memory_space<vmem>>) target_semaphore(%run_scoped3A : memref<!tpu.dma_semaphore, #tpu.memory_space<semaphore_mem>>)
      %dma_wait3A_84 = tpu.memref_slice %arg2[%mul3A_32] : memref<6400xf32, #tpu.memory_space<hbm>> -> memref<800xf32, #tpu.memory_space<hbm>>
      %dma_wait3A_85 = tpu.memref_slice %arg2[%mul3A_32] : memref<6400xf32, #tpu.memory_space<hbm>> -> memref<800xf32, #tpu.memory_space<hbm>>
      tpu.wait_dma2 semaphore(%run_scoped3A : memref<!tpu.dma_semaphore, #tpu.memory_space<semaphore_mem>>) src(%dma_wait3A_85 : memref<800xf32, #tpu.memory_space<hbm>>) dst(%arg9 : memref<800xf32, #tpu.memory_space<vmem>>)
      tpu.yield
    }) : () -> ()
    "tpu.region"() ({
      %run_scoped3A = tpu.sem_alloc : memref<!tpu.dma_semaphore, #tpu.memory_space<semaphore_mem>>
      %dma_start3A = tpu.memref_slice %arg3[%mul3A_32] : memref<6400xf32, #tpu.memory_space<hbm>> -> memref<800xf32, #tpu.memory_space<hbm>>
      %dma_start3A_83 = tpu.memref_slice %arg3[%mul3A_32] : memref<6400xf32, #tpu.memory_space<hbm>> -> memref<800xf32, #tpu.memory_space<hbm>>
      tpu.enqueue_dma source(%dma_start3A_83 : memref<800xf32, #tpu.memory_space<hbm>>) target(%arg10 : memref<800xf32, #tpu.memory_space<vmem>>) target_semaphore(%run_scoped3A : memref<!tpu.dma_semaphore, #tpu.memory_space<semaphore_mem>>)
      %dma_wait3A_84 = tpu.memref_slice %arg3[%mul3A_32] : memref<6400xf32, #tpu.memory_space<hbm>> -> memref<800xf32, #tpu.memory_space<hbm>>
      %dma_wait3A_85 = tpu.memref_slice %arg3[%mul3A_32] : memref<6400xf32, #tpu.memory_space<hbm>> -> memref<800xf32, #tpu.memory_space<hbm>>
      tpu.wait_dma2 semaphore(%run_scoped3A : memref<!tpu.dma_semaphore, #tpu.memory_space<semaphore_mem>>) src(%dma_wait3A_85 : memref<800xf32, #tpu.memory_space<hbm>>) dst(%arg10 : memref<800xf32, #tpu.memory_space<vmem>>)
      tpu.yield
    }) : () -> ()
    "tpu.region"() ({
      %run_scoped3A = tpu.sem_alloc : memref<!tpu.dma_semaphore, #tpu.memory_space<semaphore_mem>>
      %dma_start3A = tpu.memref_slice %arg4[%mul3A_32] : memref<6400xf32, #tpu.memory_space<hbm>> -> memref<800xf32, #tpu.memory_space<hbm>>
      %dma_start3A_83 = tpu.memref_slice %arg4[%mul3A_32] : memref<6400xf32, #tpu.memory_space<hbm>> -> memref<800xf32, #tpu.memory_space<hbm>>
      tpu.enqueue_dma source(%dma_start3A_83 : memref<800xf32, #tpu.memory_space<hbm>>) target(%arg11 : memref<800xf32, #tpu.memory_space<vmem>>) target_semaphore(%run_scoped3A : memref<!tpu.dma_semaphore, #tpu.memory_space<semaphore_mem>>)
      %dma_wait3A_84 = tpu.memref_slice %arg4[%mul3A_32] : memref<6400xf32, #tpu.memory_space<hbm>> -> memref<800xf32, #tpu.memory_space<hbm>>
      %dma_wait3A_85 = tpu.memref_slice %arg4[%mul3A_32] : memref<6400xf32, #tpu.memory_space<hbm>> -> memref<800xf32, #tpu.memory_space<hbm>>
      tpu.wait_dma2 semaphore(%run_scoped3A : memref<!tpu.dma_semaphore, #tpu.memory_space<semaphore_mem>>) src(%dma_wait3A_85 : memref<800xf32, #tpu.memory_space<hbm>>) dst(%arg11 : memref<800xf32, #tpu.memory_space<vmem>>)
      tpu.yield
    }) : () -> ()
    "tpu.region"() ({
      %run_scoped3A = tpu.sem_alloc : memref<!tpu.dma_semaphore, #tpu.memory_space<semaphore_mem>>
      %dma_start3A = tpu.memref_slice %arg5[%mul3A_32] : memref<6400xf32, #tpu.memory_space<hbm>> -> memref<800xf32, #tpu.memory_space<hbm>>
      %dma_start3A_83 = tpu.memref_slice %arg5[%mul3A_32] : memref<6400xf32, #tpu.memory_space<hbm>> -> memref<800xf32, #tpu.memory_space<hbm>>
      tpu.enqueue_dma source(%dma_start3A_83 : memref<800xf32, #tpu.memory_space<hbm>>) target(%arg12 : memref<800xf32, #tpu.memory_space<vmem>>) target_semaphore(%run_scoped3A : memref<!tpu.dma_semaphore, #tpu.memory_space<semaphore_mem>>)
      %dma_wait3A_84 = tpu.memref_slice %arg5[%mul3A_32] : memref<6400xf32, #tpu.memory_space<hbm>> -> memref<800xf32, #tpu.memory_space<hbm>>
      %dma_wait3A_85 = tpu.memref_slice %arg5[%mul3A_32] : memref<6400xf32, #tpu.memory_space<hbm>> -> memref<800xf32, #tpu.memory_space<hbm>>
      tpu.wait_dma2 semaphore(%run_scoped3A : memref<!tpu.dma_semaphore, #tpu.memory_space<semaphore_mem>>) src(%dma_wait3A_85 : memref<800xf32, #tpu.memory_space<hbm>>) dst(%arg12 : memref<800xf32, #tpu.memory_space<vmem>>)
      tpu.yield
    }) : () -> ()
    "tpu.region"() ({
      %run_scoped3A = tpu.sem_alloc : memref<!tpu.dma_semaphore, #tpu.memory_space<semaphore_mem>>
      tpu.enqueue_dma source(%arg6 : memref<16xf32, #tpu.memory_space<hbm>>) target(%arg13 : memref<16xf32, #tpu.memory_space<vmem>>) target_semaphore(%run_scoped3A : memref<!tpu.dma_semaphore, #tpu.memory_space<semaphore_mem>>)
      tpu.wait_dma2 semaphore(%run_scoped3A : memref<!tpu.dma_semaphore, #tpu.memory_space<semaphore_mem>>) src(%arg6 : memref<16xf32, #tpu.memory_space<hbm>>) dst(%arg13 : memref<16xf32, #tpu.memory_space<vmem>>)
      tpu.yield
    }) : () -> ()
    %get3A = arith.constant 0 : index
    %get3A_33 = tpu.vector_load %arg13[%get3A] {strides = array<i32>} : memref<16xf32, #tpu.memory_space<vmem>>, vector<16xf32>,
    %get3A_34 = vector.shape_cast %get3A_33 : vector<16xf32> to vector<16xf32>
    %mul3A_35 = arith.constant 1000 : i32
    %mul3A_36 = arith.muli %select_n3A_9, %mul3A_35 : i32
    %scan3A = arith.constant 0 : i32
    %scan3A_37 = arith.constant 0 : i32
    %scan3A_38 = arith.constant 10 : i32
    %scan3A_39 = arith.addi %scan3A_37, %scan3A_38 : i32
    %scan3A_40 = arith.constant 1 : i32
    %scan3A_41 = scf.for %scan3A_83 = %scan3A_37 to %scan3A_39 step %scan3A_40 iter_args(%scan3A_84 = %scan3A) -> (i32)  : i32 {
      %mul3A_85 = arith.constant 80 : i32
      %mul3A_86 = arith.muli %scan3A_83, %mul3A_85 : i32
      %add3A_87 = arith.constant 0 : i32
      %add3A_88 = arith.addi %mul3A_86, %add3A_87 : i32
      %get3A_89 = arith.index_cast %add3A_88 : i32 to index
      %get3A_90 = tpu.vector_load %arg9[%get3A_89] {strides = array<i32>} : memref<800xf32, #tpu.memory_space<vmem>>, vector<16xf32>,
      %get3A_91 = vector.shape_cast %get3A_90 : vector<16xf32> to vector<16xf32>
      %mul3A_92 = arith.mulf %get3A_91, %get3A_34 : vector<16xf32>
      %jit3A_93 = arith.constant 0.000000e+00 : f32
      %jit3A_94 = arith.constant 9.990000e+02 : f32
      %max3A = vector.broadcast %jit3A_93 : f32 to vector<16xf32>
      %max3A_95 = arith.maximumf %max3A, %mul3A_92 : vector<16xf32>
      %min3A = vector.broadcast %jit3A_94 : f32 to vector<16xf32>
      %min3A_96 = arith.minimumf %min3A, %max3A_95 : vector<16xf32>
      %convert_element_type3A = arith.fptosi %min3A_96 : vector<16xf32> to vector<16xi32>
      %get3A_97 = arith.index_cast %add3A_88 : i32 to index
      %get3A_98 = tpu.vector_load %arg10[%get3A_97] {strides = array<i32>} : memref<800xf32, #tpu.memory_space<vmem>>, vector<16xf32>,
      %get3A_99 = vector.shape_cast %get3A_98 : vector<16xf32> to vector<16xf32>
      %mul3A_100 = arith.mulf %get3A_99, %get3A_34 : vector<16xf32>
      %jit3A_101 = arith.constant 0.000000e+00 : f32
      %jit3A_102 = arith.constant 9.990000e+02 : f32
      %max3A_103 = vector.broadcast %jit3A_101 : f32 to vector<16xf32>
      %max3A_104 = arith.maximumf %max3A_103, %mul3A_100 : vector<16xf32>
      %min3A_105 = vector.broadcast %jit3A_102 : f32 to vector<16xf32>
      %min3A_106 = arith.minimumf %min3A_105, %max3A_104 : vector<16xf32>
      %convert_element_type3A_107 = arith.fptosi %min3A_106 : vector<16xf32> to vector<16xi32>
      %get3A_108 = arith.index_cast %add3A_88 : i32 to index
      %get3A_109 = tpu.vector_load %arg11[%get3A_108] {strides = array<i32>} : memref<800xf32, #tpu.memory_space<vmem>>, vector<16xf32>,
      %get3A_110 = vector.shape_cast %get3A_109 : vector<16xf32> to vector<16xf32>
      %mul3A_111 = arith.mulf %get3A_110, %get3A_34 : vector<16xf32>
      %jit3A_112 = arith.constant 0.000000e+00 : f32
      %jit3A_113 = arith.constant 9.990000e+02 : f32
      %max3A_114 = vector.broadcast %jit3A_112 : f32 to vector<16xf32>
      %max3A_115 = arith.maximumf %max3A_114, %mul3A_111 : vector<16xf32>
      %min3A_116 = vector.broadcast %jit3A_113 : f32 to vector<16xf32>
      %min3A_117 = arith.minimumf %min3A_116, %max3A_115 : vector<16xf32>
      %convert_element_type3A_118 = arith.fptosi %min3A_117 : vector<16xf32> to vector<16xi32>
      %get3A_119 = arith.index_cast %add3A_88 : i32 to index
      %get3A_120 = tpu.vector_load %arg12[%get3A_119] {strides = array<i32>} : memref<800xf32, #tpu.memory_space<vmem>>, vector<16xf32>,
      %get3A_121 = vector.shape_cast %get3A_120 : vector<16xf32> to vector<16xf32>
      %mul3A_122 = arith.mulf %get3A_121, %get3A_34 : vector<16xf32>
      %jit3A_123 = arith.constant 0.000000e+00 : f32
      %jit3A_124 = arith.constant 9.990000e+02 : f32
      %max3A_125 = vector.broadcast %jit3A_123 : f32 to vector<16xf32>
      %max3A_126 = arith.maximumf %max3A_125, %mul3A_122 : vector<16xf32>
      %min3A_127 = vector.broadcast %jit3A_124 : f32 to vector<16xf32>
      %min3A_128 = arith.minimumf %min3A_127, %max3A_126 : vector<16xf32>
      %convert_element_type3A_129 = arith.fptosi %min3A_128 : vector<16xf32> to vector<16xi32>
      %sub3A_130 = arith.subi %convert_element_type3A_118, %convert_element_type3A : vector<16xi32>
      %jit3A_131 = arith.constant 0 : i32
      %jit3A_132 = arith.constant 999 : i32
      %max3A_133 = vector.broadcast %jit3A_131 : i32 to vector<16xi32>
      %max3A_134 = arith.maxsi %max3A_133, %sub3A_130 : vector<16xi32>
      %min3A_135 = vector.broadcast %jit3A_132 : i32 to vector<16xi32>
      %min3A_136 = arith.minsi %min3A_135, %max3A_134 : vector<16xi32>
      %sub3A_137 = arith.subi %convert_element_type3A_129, %convert_element_type3A_107 : vector<16xi32>
      %jit3A_138 = arith.constant 0 : i32
      %jit3A_139 = arith.constant 999 : i32
      %max3A_140 = vector.broadcast %jit3A_138 : i32 to vector<16xi32>
      %max3A_141 = arith.maxsi %max3A_140, %sub3A_137 : vector<16xi32>
      %min3A_142 = vector.broadcast %jit3A_139 : i32 to vector<16xi32>
      %min3A_143 = arith.minsi %min3A_142, %max3A_141 : vector<16xi32>
      %eq3A_144 = arith.constant 0 : i32
      %eq3A_145 = arith.cmpi eq, %select_n3A_9, %eq3A_144 : i32
      %eq3A_146 = arith.constant 1 : i32
      %eq3A_147 = arith.cmpi eq, %select_n3A_9, %eq3A_146 : i32
      %eq3A_148 = arith.constant 2 : i32
      %eq3A_149 = arith.cmpi eq, %select_n3A_9, %eq3A_148 : i32
      %select_n3A_150 = arith.select %eq3A_149, %min3A_136, %min3A_143 : vector<16xi32>
      %select_n3A_151 = arith.select %eq3A_147, %convert_element_type3A_107, %select_n3A_150 : vector<16xi32>
      %select_n3A_152 = arith.select %eq3A_145, %convert_element_type3A, %select_n3A_151 : vector<16xi32>
      %add3A_153 = vector.broadcast %mul3A_36 : i32 to vector<16xi32>
      %add3A_154 = arith.addi %select_n3A_152, %add3A_153 : vector<16xi32>
      %swap3A = arith.index_cast %scan3A_83 : i32 to index
      %swap3A_155 = arith.constant 0 : index
      %swap3A_156 = tpu.vector_load %arg14[%swap3A, %swap3A_155] {strides = array<i32>} : memref<10x80xi32, #tpu.memory_space<vmem>>, vector<1x16xi32>,
      %swap3A_157 = vector.shape_cast %swap3A_156 : vector<1x16xi32> to vector<16xi32>
      %swap3A_158 = vector.shape_cast %add3A_154 : vector<16xi32> to vector<1x16xi32>
      tpu.vector_store %arg14[%swap3A, %swap3A_155], %swap3A_158 {strides = array<i32>} : memref<10x80xi32, #tpu.memory_space<vmem>>, vector<1x16xi32>,
      %mul3A_159 = arith.constant 80 : i32
      %mul3A_160 = arith.muli %scan3A_83, %mul3A_159 : i32
      %add3A_161 = arith.constant 16 : i32
      %add3A_162 = arith.addi %mul3A_160, %add3A_161 : i32
      %get3A_163 = arith.index_cast %add3A_162 : i32 to index
      %get3A_164 = tpu.vector_load %arg9[%get3A_163] {strides = array<i32>} : memref<800xf32, #tpu.memory_space<vmem>>, vector<16xf32>,
      %get3A_165 = vector.shape_cast %get3A_164 : vector<16xf32> to vector<16xf32>
      %mul3A_166 = arith.mulf %get3A_165, %get3A_34 : vector<16xf32>
      %jit3A_167 = arith.constant 0.000000e+00 : f32
      %jit3A_168 = arith.constant 9.990000e+02 : f32
      %max3A_169 = vector.broadcast %jit3A_167 : f32 to vector<16xf32>
      %max3A_170 = arith.maximumf %max3A_169, %mul3A_166 : vector<16xf32>
      %min3A_171 = vector.broadcast %jit3A_168 : f32 to vector<16xf32>
      %min3A_172 = arith.minimumf %min3A_171, %max3A_170 : vector<16xf32>
      %convert_element_type3A_173 = arith.fptosi %min3A_172 : vector<16xf32> to vector<16xi32>
      %get3A_174 = arith.index_cast %add3A_162 : i32 to index
      %get3A_175 = tpu.vector_load %arg10[%get3A_174] {strides = array<i32>} : memref<800xf32, #tpu.memory_space<vmem>>, vector<16xf32>,
      %get3A_176 = vector.shape_cast %get3A_175 : vector<16xf32> to vector<16xf32>
      %mul3A_177 = arith.mulf %get3A_176, %get3A_34 : vector<16xf32>
      %jit3A_178 = arith.constant 0.000000e+00 : f32
      %jit3A_179 = arith.constant 9.990000e+02 : f32
      %max3A_180 = vector.broadcast %jit3A_178 : f32 to vector<16xf32>
      %max3A_181 = arith.maximumf %max3A_180, %mul3A_177 : vector<16xf32>
      %min3A_182 = vector.broadcast %jit3A_179 : f32 to vector<16xf32>
      %min3A_183 = arith.minimumf %min3A_182, %max3A_181 : vector<16xf32>
      %convert_element_type3A_184 = arith.fptosi %min3A_183 : vector<16xf32> to vector<16xi32>
      %get3A_185 = arith.index_cast %add3A_162 : i32 to index
      %get3A_186 = tpu.vector_load %arg11[%get3A_185] {strides = array<i32>} : memref<800xf32, #tpu.memory_space<vmem>>, vector<16xf32>,
      %get3A_187 = vector.shape_cast %get3A_186 : vector<16xf32> to vector<16xf32>
      %mul3A_188 = arith.mulf %get3A_187, %get3A_34 : vector<16xf32>
      %jit3A_189 = arith.constant 0.000000e+00 : f32
      %jit3A_190 = arith.constant 9.990000e+02 : f32
      %max3A_191 = vector.broadcast %jit3A_189 : f32 to vector<16xf32>
      %max3A_192 = arith.maximumf %max3A_191, %mul3A_188 : vector<16xf32>
      %min3A_193 = vector.broadcast %jit3A_190 : f32 to vector<16xf32>
      %min3A_194 = arith.minimumf %min3A_193, %max3A_192 : vector<16xf32>
      %convert_element_type3A_195 = arith.fptosi %min3A_194 : vector<16xf32> to vector<16xi32>
      %get3A_196 = arith.index_cast %add3A_162 : i32 to index
      %get3A_197 = tpu.vector_load %arg12[%get3A_196] {strides = array<i32>} : memref<800xf32, #tpu.memory_space<vmem>>, vector<16xf32>,
      %get3A_198 = vector.shape_cast %get3A_197 : vector<16xf32> to vector<16xf32>
      %mul3A_199 = arith.mulf %get3A_198, %get3A_34 : vector<16xf32>
      %jit3A_200 = arith.constant 0.000000e+00 : f32
      %jit3A_201 = arith.constant 9.990000e+02 : f32
      %max3A_202 = vector.broadcast %jit3A_200 : f32 to vector<16xf32>
      %max3A_203 = arith.maximumf %max3A_202, %mul3A_199 : vector<16xf32>
      %min3A_204 = vector.broadcast %jit3A_201 : f32 to vector<16xf32>
      %min3A_205 = arith.minimumf %min3A_204, %max3A_203 : vector<16xf32>
      %convert_element_type3A_206 = arith.fptosi %min3A_205 : vector<16xf32> to vector<16xi32>
      %sub3A_207 = arith.subi %convert_element_type3A_195, %convert_element_type3A_173 : vector<16xi32>
      %jit3A_208 = arith.constant 0 : i32
      %jit3A_209 = arith.constant 999 : i32
      %max3A_210 = vector.broadcast %jit3A_208 : i32 to vector<16xi32>
      %max3A_211 = arith.maxsi %max3A_210, %sub3A_207 : vector<16xi32>
      %min3A_212 = vector.broadcast %jit3A_209 : i32 to vector<16xi32>
      %min3A_213 = arith.minsi %min3A_212, %max3A_211 : vector<16xi32>
      %sub3A_214 = arith.subi %convert_element_type3A_206, %convert_element_type3A_184 : vector<16xi32>
      %jit3A_215 = arith.constant 0 : i32
      %jit3A_216 = arith.constant 999 : i32
      %max3A_217 = vector.broadcast %jit3A_215 : i32 to vector<16xi32>
      %max3A_218 = arith.maxsi %max3A_217, %sub3A_214 : vector<16xi32>
      %min3A_219 = vector.broadcast %jit3A_216 : i32 to vector<16xi32>
      %min3A_220 = arith.minsi %min3A_219, %max3A_218 : vector<16xi32>
      %eq3A_221 = arith.constant 0 : i32
      %eq3A_222 = arith.cmpi eq, %select_n3A_9, %eq3A_221 : i32
      %eq3A_223 = arith.constant 1 : i32
      %eq3A_224 = arith.cmpi eq, %select_n3A_9, %eq3A_223 : i32
      %eq3A_225 = arith.constant 2 : i32
      %eq3A_226 = arith.cmpi eq, %select_n3A_9, %eq3A_225 : i32
      %select_n3A_227 = arith.select %eq3A_226, %min3A_213, %min3A_220 : vector<16xi32>
      %select_n3A_228 = arith.select %eq3A_224, %convert_element_type3A_184, %select_n3A_227 : vector<16xi32>
      %select_n3A_229 = arith.select %eq3A_222, %convert_element_type3A_173, %select_n3A_228 : vector<16xi32>
      %add3A_230 = vector.broadcast %mul3A_36 : i32 to vector<16xi32>
      %add3A_231 = arith.addi %select_n3A_229, %add3A_230 : vector<16xi32>
      %swap3A_232 = arith.index_cast %scan3A_83 : i32 to index
      %swap3A_233 = arith.constant 16 : index
      %swap3A_234 = tpu.vector_load %arg14[%swap3A_232, %swap3A_233] {strides = array<i32>} : memref<10x80xi32, #tpu.memory_space<vmem>>, vector<1x16xi32>,
      %swap3A_235 = vector.shape_cast %swap3A_234 : vector<1x16xi32> to vector<16xi32>
      %swap3A_236 = vector.shape_cast %add3A_231 : vector<16xi32> to vector<1x16xi32>
      tpu.vector_store %arg14[%swap3A_232, %swap3A_233], %swap3A_236 {strides = array<i32>} : memref<10x80xi32, #tpu.memory_space<vmem>>, vector<1x16xi32>,
      %mul3A_237 = arith.constant 80 : i32
      %mul3A_238 = arith.muli %scan3A_83, %mul3A_237 : i32
      %add3A_239 = arith.constant 32 : i32
      %add3A_240 = arith.addi %mul3A_238, %add3A_239 : i32
      %get3A_241 = arith.index_cast %add3A_240 : i32 to index
      %get3A_242 = tpu.vector_load %arg9[%get3A_241] {strides = array<i32>} : memref<800xf32, #tpu.memory_space<vmem>>, vector<16xf32>,
      %get3A_243 = vector.shape_cast %get3A_242 : vector<16xf32> to vector<16xf32>
      %mul3A_244 = arith.mulf %get3A_243, %get3A_34 : vector<16xf32>
      %jit3A_245 = arith.constant 0.000000e+00 : f32
      %jit3A_246 = arith.constant 9.990000e+02 : f32
      %max3A_247 = vector.broadcast %jit3A_245 : f32 to vector<16xf32>
      %max3A_248 = arith.maximumf %max3A_247, %mul3A_244 : vector<16xf32>
      %min3A_249 = vector.broadcast %jit3A_246 : f32 to vector<16xf32>
      %min3A_250 = arith.minimumf %min3A_249, %max3A_248 : vector<16xf32>
      %convert_element_type3A_251 = arith.fptosi %min3A_250 : vector<16xf32> to vector<16xi32>
      %get3A_252 = arith.index_cast %add3A_240 : i32 to index
      %get3A_253 = tpu.vector_load %arg10[%get3A_252] {strides = array<i32>} : memref<800xf32, #tpu.memory_space<vmem>>, vector<16xf32>,
      %get3A_254 = vector.shape_cast %get3A_253 : vector<16xf32> to vector<16xf32>
      %mul3A_255 = arith.mulf %get3A_254, %get3A_34 : vector<16xf32>
      %jit3A_256 = arith.constant 0.000000e+00 : f32
      %jit3A_257 = arith.constant 9.990000e+02 : f32
      %max3A_258 = vector.broadcast %jit3A_256 : f32 to vector<16xf32>
      %max3A_259 = arith.maximumf %max3A_258, %mul3A_255 : vector<16xf32>
      %min3A_260 = vector.broadcast %jit3A_257 : f32 to vector<16xf32>
      %min3A_261 = arith.minimumf %min3A_260, %max3A_259 : vector<16xf32>
      %convert_element_type3A_262 = arith.fptosi %min3A_261 : vector<16xf32> to vector<16xi32>
      %get3A_263 = arith.index_cast %add3A_240 : i32 to index
      %get3A_264 = tpu.vector_load %arg11[%get3A_263] {strides = array<i32>} : memref<800xf32, #tpu.memory_space<vmem>>, vector<16xf32>,
      %get3A_265 = vector.shape_cast %get3A_264 : vector<16xf32> to vector<16xf32>
      %mul3A_266 = arith.mulf %get3A_265, %get3A_34 : vector<16xf32>
      %jit3A_267 = arith.constant 0.000000e+00 : f32
      %jit3A_268 = arith.constant 9.990000e+02 : f32
      %max3A_269 = vector.broadcast %jit3A_267 : f32 to vector<16xf32>
      %max3A_270 = arith.maximumf %max3A_269, %mul3A_266 : vector<16xf32>
      %min3A_271 = vector.broadcast %jit3A_268 : f32 to vector<16xf32>
      %min3A_272 = arith.minimumf %min3A_271, %max3A_270 : vector<16xf32>
      %convert_element_type3A_273 = arith.fptosi %min3A_272 : vector<16xf32> to vector<16xi32>
      %get3A_274 = arith.index_cast %add3A_240 : i32 to index
      %get3A_275 = tpu.vector_load %arg12[%get3A_274] {strides = array<i32>} : memref<800xf32, #tpu.memory_space<vmem>>, vector<16xf32>,
      %get3A_276 = vector.shape_cast %get3A_275 : vector<16xf32> to vector<16xf32>
      %mul3A_277 = arith.mulf %get3A_276, %get3A_34 : vector<16xf32>
      %jit3A_278 = arith.constant 0.000000e+00 : f32
      %jit3A_279 = arith.constant 9.990000e+02 : f32
      %max3A_280 = vector.broadcast %jit3A_278 : f32 to vector<16xf32>
      %max3A_281 = arith.maximumf %max3A_280, %mul3A_277 : vector<16xf32>
      %min3A_282 = vector.broadcast %jit3A_279 : f32 to vector<16xf32>
      %min3A_283 = arith.minimumf %min3A_282, %max3A_281 : vector<16xf32>
      %convert_element_type3A_284 = arith.fptosi %min3A_283 : vector<16xf32> to vector<16xi32>
      %sub3A_285 = arith.subi %convert_element_type3A_273, %convert_element_type3A_251 : vector<16xi32>
      %jit3A_286 = arith.constant 0 : i32
      %jit3A_287 = arith.constant 999 : i32
      %max3A_288 = vector.broadcast %jit3A_286 : i32 to vector<16xi32>
      %max3A_289 = arith.maxsi %max3A_288, %sub3A_285 : vector<16xi32>
      %min3A_290 = vector.broadcast %jit3A_287 : i32 to vector<16xi32>
      %min3A_291 = arith.minsi %min3A_290, %max3A_289 : vector<16xi32>
      %sub3A_292 = arith.subi %convert_element_type3A_284, %convert_element_type3A_262 : vector<16xi32>
      %jit3A_293 = arith.constant 0 : i32
      %jit3A_294 = arith.constant 999 : i32
      %max3A_295 = vector.broadcast %jit3A_293 : i32 to vector<16xi32>
      %max3A_296 = arith.maxsi %max3A_295, %sub3A_292 : vector<16xi32>
      %min3A_297 = vector.broadcast %jit3A_294 : i32 to vector<16xi32>
      %min3A_298 = arith.minsi %min3A_297, %max3A_296 : vector<16xi32>
      %eq3A_299 = arith.constant 0 : i32
      %eq3A_300 = arith.cmpi eq, %select_n3A_9, %eq3A_299 : i32
      %eq3A_301 = arith.constant 1 : i32
      %eq3A_302 = arith.cmpi eq, %select_n3A_9, %eq3A_301 : i32
      %eq3A_303 = arith.constant 2 : i32
      %eq3A_304 = arith.cmpi eq, %select_n3A_9, %eq3A_303 : i32
      %select_n3A_305 = arith.select %eq3A_304, %min3A_291, %min3A_298 : vector<16xi32>
      %select_n3A_306 = arith.select %eq3A_302, %convert_element_type3A_262, %select_n3A_305 : vector<16xi32>
      %select_n3A_307 = arith.select %eq3A_300, %convert_element_type3A_251, %select_n3A_306 : vector<16xi32>
      %add3A_308 = vector.broadcast %mul3A_36 : i32 to vector<16xi32>
      %add3A_309 = arith.addi %select_n3A_307, %add3A_308 : vector<16xi32>
      %swap3A_310 = arith.index_cast %scan3A_83 : i32 to index
      %swap3A_311 = arith.constant 32 : index
      %swap3A_312 = tpu.vector_load %arg14[%swap3A_310, %swap3A_311] {strides = array<i32>} : memref<10x80xi32, #tpu.memory_space<vmem>>, vector<1x16xi32>,
      %swap3A_313 = vector.shape_cast %swap3A_312 : vector<1x16xi32> to vector<16xi32>
      %swap3A_314 = vector.shape_cast %add3A_309 : vector<16xi32> to vector<1x16xi32>
      tpu.vector_store %arg14[%swap3A_310, %swap3A_311], %swap3A_314 {strides = array<i32>} : memref<10x80xi32, #tpu.memory_space<vmem>>, vector<1x16xi32>,
      %mul3A_315 = arith.constant 80 : i32
      %mul3A_316 = arith.muli %scan3A_83, %mul3A_315 : i32
      %add3A_317 = arith.constant 48 : i32
      %add3A_318 = arith.addi %mul3A_316, %add3A_317 : i32
      %get3A_319 = arith.index_cast %add3A_318 : i32 to index
      %get3A_320 = tpu.vector_load %arg9[%get3A_319] {strides = array<i32>} : memref<800xf32, #tpu.memory_space<vmem>>, vector<16xf32>,
      %get3A_321 = vector.shape_cast %get3A_320 : vector<16xf32> to vector<16xf32>
      %mul3A_322 = arith.mulf %get3A_321, %get3A_34 : vector<16xf32>
      %jit3A_323 = arith.constant 0.000000e+00 : f32
      %jit3A_324 = arith.constant 9.990000e+02 : f32
      %max3A_325 = vector.broadcast %jit3A_323 : f32 to vector<16xf32>
      %max3A_326 = arith.maximumf %max3A_325, %mul3A_322 : vector<16xf32>
      %min3A_327 = vector.broadcast %jit3A_324 : f32 to vector<16xf32>
      %min3A_328 = arith.minimumf %min3A_327, %max3A_326 : vector<16xf32>
      %convert_element_type3A_329 = arith.fptosi %min3A_328 : vector<16xf32> to vector<16xi32>
      %get3A_330 = arith.index_cast %add3A_318 : i32 to index
      %get3A_331 = tpu.vector_load %arg10[%get3A_330] {strides = array<i32>} : memref<800xf32, #tpu.memory_space<vmem>>, vector<16xf32>,
      %get3A_332 = vector.shape_cast %get3A_331 : vector<16xf32> to vector<16xf32>
      %mul3A_333 = arith.mulf %get3A_332, %get3A_34 : vector<16xf32>
      %jit3A_334 = arith.constant 0.000000e+00 : f32
      %jit3A_335 = arith.constant 9.990000e+02 : f32
      %max3A_336 = vector.broadcast %jit3A_334 : f32 to vector<16xf32>
      %max3A_337 = arith.maximumf %max3A_336, %mul3A_333 : vector<16xf32>
      %min3A_338 = vector.broadcast %jit3A_335 : f32 to vector<16xf32>
      %min3A_339 = arith.minimumf %min3A_338, %max3A_337 : vector<16xf32>
      %convert_element_type3A_340 = arith.fptosi %min3A_339 : vector<16xf32> to vector<16xi32>
      %get3A_341 = arith.index_cast %add3A_318 : i32 to index
      %get3A_342 = tpu.vector_load %arg11[%get3A_341] {strides = array<i32>} : memref<800xf32, #tpu.memory_space<vmem>>, vector<16xf32>,
      %get3A_343 = vector.shape_cast %get3A_342 : vector<16xf32> to vector<16xf32>
      %mul3A_344 = arith.mulf %get3A_343, %get3A_34 : vector<16xf32>
      %jit3A_345 = arith.constant 0.000000e+00 : f32
      %jit3A_346 = arith.constant 9.990000e+02 : f32
      %max3A_347 = vector.broadcast %jit3A_345 : f32 to vector<16xf32>
      %max3A_348 = arith.maximumf %max3A_347, %mul3A_344 : vector<16xf32>
      %min3A_349 = vector.broadcast %jit3A_346 : f32 to vector<16xf32>
      %min3A_350 = arith.minimumf %min3A_349, %max3A_348 : vector<16xf32>
      %convert_element_type3A_351 = arith.fptosi %min3A_350 : vector<16xf32> to vector<16xi32>
      %get3A_352 = arith.index_cast %add3A_318 : i32 to index
      %get3A_353 = tpu.vector_load %arg12[%get3A_352] {strides = array<i32>} : memref<800xf32, #tpu.memory_space<vmem>>, vector<16xf32>,
      %get3A_354 = vector.shape_cast %get3A_353 : vector<16xf32> to vector<16xf32>
      %mul3A_355 = arith.mulf %get3A_354, %get3A_34 : vector<16xf32>
      %jit3A_356 = arith.constant 0.000000e+00 : f32
      %jit3A_357 = arith.constant 9.990000e+02 : f32
      %max3A_358 = vector.broadcast %jit3A_356 : f32 to vector<16xf32>
      %max3A_359 = arith.maximumf %max3A_358, %mul3A_355 : vector<16xf32>
      %min3A_360 = vector.broadcast %jit3A_357 : f32 to vector<16xf32>
      %min3A_361 = arith.minimumf %min3A_360, %max3A_359 : vector<16xf32>
      %convert_element_type3A_362 = arith.fptosi %min3A_361 : vector<16xf32> to vector<16xi32>
      %sub3A_363 = arith.subi %convert_element_type3A_351, %convert_element_type3A_329 : vector<16xi32>
      %jit3A_364 = arith.constant 0 : i32
      %jit3A_365 = arith.constant 999 : i32
      %max3A_366 = vector.broadcast %jit3A_364 : i32 to vector<16xi32>
      %max3A_367 = arith.maxsi %max3A_366, %sub3A_363 : vector<16xi32>
      %min3A_368 = vector.broadcast %jit3A_365 : i32 to vector<16xi32>
      %min3A_369 = arith.minsi %min3A_368, %max3A_367 : vector<16xi32>
      %sub3A_370 = arith.subi %convert_element_type3A_362, %convert_element_type3A_340 : vector<16xi32>
      %jit3A_371 = arith.constant 0 : i32
      %jit3A_372 = arith.constant 999 : i32
      %max3A_373 = vector.broadcast %jit3A_371 : i32 to vector<16xi32>
      %max3A_374 = arith.maxsi %max3A_373, %sub3A_370 : vector<16xi32>
      %min3A_375 = vector.broadcast %jit3A_372 : i32 to vector<16xi32>
      %min3A_376 = arith.minsi %min3A_375, %max3A_374 : vector<16xi32>
      %eq3A_377 = arith.constant 0 : i32
      %eq3A_378 = arith.cmpi eq, %select_n3A_9, %eq3A_377 : i32
      %eq3A_379 = arith.constant 1 : i32
      %eq3A_380 = arith.cmpi eq, %select_n3A_9, %eq3A_379 : i32
      %eq3A_381 = arith.constant 2 : i32
      %eq3A_382 = arith.cmpi eq, %select_n3A_9, %eq3A_381 : i32
      %select_n3A_383 = arith.select %eq3A_382, %min3A_369, %min3A_376 : vector<16xi32>
      %select_n3A_384 = arith.select %eq3A_380, %convert_element_type3A_340, %select_n3A_383 : vector<16xi32>
      %select_n3A_385 = arith.select %eq3A_378, %convert_element_type3A_329, %select_n3A_384 : vector<16xi32>
      %add3A_386 = vector.broadcast %mul3A_36 : i32 to vector<16xi32>
      %add3A_387 = arith.addi %select_n3A_385, %add3A_386 : vector<16xi32>
      %swap3A_388 = arith.index_cast %scan3A_83 : i32 to index
      %swap3A_389 = arith.constant 48 : index
      %swap3A_390 = tpu.vector_load %arg14[%swap3A_388, %swap3A_389] {strides = array<i32>} : memref<10x80xi32, #tpu.memory_space<vmem>>, vector<1x16xi32>,
      %swap3A_391 = vector.shape_cast %swap3A_390 : vector<1x16xi32> to vector<16xi32>
      %swap3A_392 = vector.shape_cast %add3A_387 : vector<16xi32> to vector<1x16xi32>
      tpu.vector_store %arg14[%swap3A_388, %swap3A_389], %swap3A_392 {strides = array<i32>} : memref<10x80xi32, #tpu.memory_space<vmem>>, vector<1x16xi32>,
      %mul3A_393 = arith.constant 80 : i32
      %mul3A_394 = arith.muli %scan3A_83, %mul3A_393 : i32
      %add3A_395 = arith.constant 64 : i32
      %add3A_396 = arith.addi %mul3A_394, %add3A_395 : i32
      %get3A_397 = arith.index_cast %add3A_396 : i32 to index
      %get3A_398 = tpu.vector_load %arg9[%get3A_397] {strides = array<i32>} : memref<800xf32, #tpu.memory_space<vmem>>, vector<16xf32>,
      %get3A_399 = vector.shape_cast %get3A_398 : vector<16xf32> to vector<16xf32>
      %mul3A_400 = arith.mulf %get3A_399, %get3A_34 : vector<16xf32>
      %jit3A_401 = arith.constant 0.000000e+00 : f32
      %jit3A_402 = arith.constant 9.990000e+02 : f32
      %max3A_403 = vector.broadcast %jit3A_401 : f32 to vector<16xf32>
      %max3A_404 = arith.maximumf %max3A_403, %mul3A_400 : vector<16xf32>
      %min3A_405 = vector.broadcast %jit3A_402 : f32 to vector<16xf32>
      %min3A_406 = arith.minimumf %min3A_405, %max3A_404 : vector<16xf32>
      %convert_element_type3A_407 = arith.fptosi %min3A_406 : vector<16xf32> to vector<16xi32>
      %get3A_408 = arith.index_cast %add3A_396 : i32 to index
      %get3A_409 = tpu.vector_load %arg10[%get3A_408] {strides = array<i32>} : memref<800xf32, #tpu.memory_space<vmem>>, vector<16xf32>,
      %get3A_410 = vector.shape_cast %get3A_409 : vector<16xf32> to vector<16xf32>
      %mul3A_411 = arith.mulf %get3A_410, %get3A_34 : vector<16xf32>
      %jit3A_412 = arith.constant 0.000000e+00 : f32
      %jit3A_413 = arith.constant 9.990000e+02 : f32
      %max3A_414 = vector.broadcast %jit3A_412 : f32 to vector<16xf32>
      %max3A_415 = arith.maximumf %max3A_414, %mul3A_411 : vector<16xf32>
      %min3A_416 = vector.broadcast %jit3A_413 : f32 to vector<16xf32>
      %min3A_417 = arith.minimumf %min3A_416, %max3A_415 : vector<16xf32>
      %convert_element_type3A_418 = arith.fptosi %min3A_417 : vector<16xf32> to vector<16xi32>
      %get3A_419 = arith.index_cast %add3A_396 : i32 to index
      %get3A_420 = tpu.vector_load %arg11[%get3A_419] {strides = array<i32>} : memref<800xf32, #tpu.memory_space<vmem>>, vector<16xf32>,
      %get3A_421 = vector.shape_cast %get3A_420 : vector<16xf32> to vector<16xf32>
      %mul3A_422 = arith.mulf %get3A_421, %get3A_34 : vector<16xf32>
      %jit3A_423 = arith.constant 0.000000e+00 : f32
      %jit3A_424 = arith.constant 9.990000e+02 : f32
      %max3A_425 = vector.broadcast %jit3A_423 : f32 to vector<16xf32>
      %max3A_426 = arith.maximumf %max3A_425, %mul3A_422 : vector<16xf32>
      %min3A_427 = vector.broadcast %jit3A_424 : f32 to vector<16xf32>
      %min3A_428 = arith.minimumf %min3A_427, %max3A_426 : vector<16xf32>
      %convert_element_type3A_429 = arith.fptosi %min3A_428 : vector<16xf32> to vector<16xi32>
      %get3A_430 = arith.index_cast %add3A_396 : i32 to index
      %get3A_431 = tpu.vector_load %arg12[%get3A_430] {strides = array<i32>} : memref<800xf32, #tpu.memory_space<vmem>>, vector<16xf32>,
      %get3A_432 = vector.shape_cast %get3A_431 : vector<16xf32> to vector<16xf32>
      %mul3A_433 = arith.mulf %get3A_432, %get3A_34 : vector<16xf32>
      %jit3A_434 = arith.constant 0.000000e+00 : f32
      %jit3A_435 = arith.constant 9.990000e+02 : f32
      %max3A_436 = vector.broadcast %jit3A_434 : f32 to vector<16xf32>
      %max3A_437 = arith.maximumf %max3A_436, %mul3A_433 : vector<16xf32>
      %min3A_438 = vector.broadcast %jit3A_435 : f32 to vector<16xf32>
      %min3A_439 = arith.minimumf %min3A_438, %max3A_437 : vector<16xf32>
      %convert_element_type3A_440 = arith.fptosi %min3A_439 : vector<16xf32> to vector<16xi32>
      %sub3A_441 = arith.subi %convert_element_type3A_429, %convert_element_type3A_407 : vector<16xi32>
      %jit3A_442 = arith.constant 0 : i32
      %jit3A_443 = arith.constant 999 : i32
      %max3A_444 = vector.broadcast %jit3A_442 : i32 to vector<16xi32>
      %max3A_445 = arith.maxsi %max3A_444, %sub3A_441 : vector<16xi32>
      %min3A_446 = vector.broadcast %jit3A_443 : i32 to vector<16xi32>
      %min3A_447 = arith.minsi %min3A_446, %max3A_445 : vector<16xi32>
      %sub3A_448 = arith.subi %convert_element_type3A_440, %convert_element_type3A_418 : vector<16xi32>
      %jit3A_449 = arith.constant 0 : i32
      %jit3A_450 = arith.constant 999 : i32
      %max3A_451 = vector.broadcast %jit3A_449 : i32 to vector<16xi32>
      %max3A_452 = arith.maxsi %max3A_451, %sub3A_448 : vector<16xi32>
      %min3A_453 = vector.broadcast %jit3A_450 : i32 to vector<16xi32>
      %min3A_454 = arith.minsi %min3A_453, %max3A_452 : vector<16xi32>
      %eq3A_455 = arith.constant 0 : i32
      %eq3A_456 = arith.cmpi eq, %select_n3A_9, %eq3A_455 : i32
      %eq3A_457 = arith.constant 1 : i32
      %eq3A_458 = arith.cmpi eq, %select_n3A_9, %eq3A_457 : i32
      %eq3A_459 = arith.constant 2 : i32
      %eq3A_460 = arith.cmpi eq, %select_n3A_9, %eq3A_459 : i32
      %select_n3A_461 = arith.select %eq3A_460, %min3A_447, %min3A_454 : vector<16xi32>
      %select_n3A_462 = arith.select %eq3A_458, %convert_element_type3A_418, %select_n3A_461 : vector<16xi32>
      %select_n3A_463 = arith.select %eq3A_456, %convert_element_type3A_407, %select_n3A_462 : vector<16xi32>
      %add3A_464 = vector.broadcast %mul3A_36 : i32 to vector<16xi32>
      %add3A_465 = arith.addi %select_n3A_463, %add3A_464 : vector<16xi32>
      %swap3A_466 = arith.index_cast %scan3A_83 : i32 to index
      %swap3A_467 = arith.constant 64 : index
      %swap3A_468 = tpu.vector_load %arg14[%swap3A_466, %swap3A_467] {strides = array<i32>} : memref<10x80xi32, #tpu.memory_space<vmem>>, vector<1x16xi32>,
      %swap3A_469 = vector.shape_cast %swap3A_468 : vector<1x16xi32> to vector<16xi32>
      %swap3A_470 = vector.shape_cast %add3A_465 : vector<16xi32> to vector<1x16xi32>
      tpu.vector_store %arg14[%swap3A_466, %swap3A_467], %swap3A_470 {strides = array<i32>} : memref<10x80xi32, #tpu.memory_space<vmem>>, vector<1x16xi32>,
      %scan3A_471 = arith.constant 0 : i32
      scf.yield %scan3A_471 : i32
    }
    %scan3A_42 = arith.constant 10 : i32
    %scan3A_43 = arith.constant 0 : i32
    %scan3A_44 = arith.constant 0 : i32
    %scan3A_45 = arith.constant 5 : i32
    %scan3A_46 = arith.addi %scan3A_44, %scan3A_45 : i32
    %scan3A_47 = arith.constant 1 : i32
    %scan3A_48 = scf.for %scan3A_83 = %scan3A_44 to %scan3A_46 step %scan3A_47 iter_args(%scan3A_84 = %scan3A_43) -> (i32)  : i32 {
      %mul3A_85 = arith.constant 2 : i32
      %mul3A_86 = arith.muli %scan3A_83, %mul3A_85 : i32
      %add3A_87 = arith.constant 0 : i32
      %add3A_88 = arith.addi %mul3A_86, %add3A_87 : i32
      %ge3A = arith.constant 2 : i32
      %ge3A_89 = arith.cmpi sge, %add3A_88, %ge3A : i32
      %convert_element_type3A = arith.extui %ge3A_89 : i1 to i32
      %cond3A = arith.constant 0 : i32
      %cond3A_90 = arith.cmpi ne, %convert_element_type3A, %cond3A : i32
      scf.if %cond3A_90 {
        %sub3A_180 = arith.constant 2 : i32
        %sub3A_181 = arith.subi %add3A_88, %sub3A_180 : i32
        %mul3A_182 = arith.constant 80 : i32
        %mul3A_183 = arith.muli %sub3A_181, %mul3A_182 : i32
        %add3A_184 = arith.addi %mul3A_32, %mul3A_183 : i32
        %dma_wait3A_185 = arith.constant 0 : i32
        %dma_wait3A_186 = arith.constant 0 : i32
        %dma_wait3A_187 = arith.constant 0 : i32
        %dma_wait3A_188 = tpu.memref_slice %arg15[%dma_wait3A_185, %dma_wait3A_186, %dma_wait3A_187] : memref<2x80x256xf32, #tpu.memory_space<vmem>> -> memref<1x80x256xf32, #tpu.memory_space<vmem>>
        %dma_wait3A_189 = tpu.memref_squeeze %dma_wait3A_188 : memref<1x80x256xf32, #tpu.memory_space<vmem>> -> memref<80x256xf32, #tpu.memory_space<vmem>>
        %dma_wait3A_190 = arith.constant 0 : i32
        %dma_wait3A_191 = tpu.memref_slice %arg8[%select_n3A_9, %add3A_184, %dma_wait3A_190] : memref<4x6400x256xf32, #tpu.memory_space<hbm>> -> memref<1x80x256xf32, #tpu.memory_space<hbm>>
        %dma_wait3A_192 = tpu.memref_squeeze %dma_wait3A_191 : memref<1x80x256xf32, #tpu.memory_space<hbm>> -> memref<80x256xf32, #tpu.memory_space<hbm>>
        %dma_wait3A_193 = arith.constant 0 : i32
        %dma_wait3A_194 = tpu.memref_slice %arg8[%select_n3A_9, %add3A_184, %dma_wait3A_193] : memref<4x6400x256xf32, #tpu.memory_space<hbm>> -> memref<1x80x256xf32, #tpu.memory_space<hbm>>
        %dma_wait3A_195 = tpu.memref_squeeze %dma_wait3A_194 : memref<1x80x256xf32, #tpu.memory_space<hbm>> -> memref<80x256xf32, #tpu.memory_space<hbm>>
        %dma_wait3A_196 = arith.constant 0 : i32
        %dma_wait3A_197 = arith.constant 0 : i32
        %dma_wait3A_198 = tpu.memref_slice %arg15[%dma_wait3A_185, %dma_wait3A_196, %dma_wait3A_197] : memref<2x80x256xf32, #tpu.memory_space<vmem>> -> memref<1x80x256xf32, #tpu.memory_space<vmem>>
        %dma_wait3A_199 = tpu.memref_squeeze %dma_wait3A_198 : memref<1x80x256xf32, #tpu.memory_space<vmem>> -> memref<80x256xf32, #tpu.memory_space<vmem>>
        tpu.wait_dma2 semaphore(%arg17 : memref<!tpu.dma_semaphore, #tpu.memory_space<semaphore_mem>>) src(%dma_wait3A_199 : memref<80x256xf32, #tpu.memory_space<vmem>>) dst(%dma_wait3A_195 : memref<80x256xf32, #tpu.memory_space<hbm>>)
      } else {
      }
      %dma_start3A = arith.constant 0 : i32
      %dma_start3A_91 = arith.constant 0 : i32
      %dma_start3A_92 = arith.constant 0 : i32
      %dma_start3A_93 = tpu.memref_slice %arg15[%dma_start3A, %dma_start3A_91, %dma_start3A_92] : memref<2x80x256xf32, #tpu.memory_space<vmem>> -> memref<1x80x256xf32, #tpu.memory_space<vmem>>
      %dma_start3A_94 = tpu.memref_squeeze %dma_start3A_93 : memref<1x80x256xf32, #tpu.memory_space<vmem>> -> memref<80x256xf32, #tpu.memory_space<vmem>>
      %dma_start3A_95 = arith.constant 0 : i32
      %dma_start3A_96 = tpu.memref_slice %arg14[%add3A_88, %dma_start3A_95] : memref<10x80xi32, #tpu.memory_space<vmem>> -> memref<1x80xi32, #tpu.memory_space<vmem>>
      %dma_start3A_97 = tpu.memref_squeeze %dma_start3A_96 : memref<1x80xi32, #tpu.memory_space<vmem>> -> memref<80xi32, #tpu.memory_space<vmem>>
      %dma_start3A_98 = arith.constant 0 : i32
      %dma_start3A_99 = arith.constant 0 : i32
      %dma_start3A_100 = tpu.memref_slice %arg7[%dma_start3A_98, %dma_start3A_99] : memref<4000x256xf32, #tpu.memory_space<hbm>> -> memref<4000x256xf32, #tpu.memory_space<hbm>>
      tpu.enqueue_indirect_dma source(%dma_start3A_100 : memref<4000x256xf32, #tpu.memory_space<hbm>>) target(%dma_start3A_94 : memref<80x256xf32, #tpu.memory_space<vmem>>) offsets(%dma_start3A_97 : memref<80xi32, #tpu.memory_space<vmem>>) semaphore(%arg16 : memref<!tpu.dma_semaphore, #tpu.memory_space<semaphore_mem>>)
      %dma_wait3A_101 = arith.constant 0 : i32
      %dma_wait3A_102 = arith.constant 0 : i32
      %dma_wait3A_103 = arith.constant 0 : i32
      %dma_wait3A_104 = tpu.memref_slice %arg15[%dma_wait3A_101, %dma_wait3A_102, %dma_wait3A_103] : memref<2x80x256xf32, #tpu.memory_space<vmem>> -> memref<1x80x256xf32, #tpu.memory_space<vmem>>
      %dma_wait3A_105 = tpu.memref_squeeze %dma_wait3A_104 : memref<1x80x256xf32, #tpu.memory_space<vmem>> -> memref<80x256xf32, #tpu.memory_space<vmem>>
      %dma_wait3A_106 = arith.constant 0 : i32
      %dma_wait3A_107 = tpu.memref_slice %arg14[%add3A_88, %dma_wait3A_106] : memref<10x80xi32, #tpu.memory_space<vmem>> -> memref<1x80xi32, #tpu.memory_space<vmem>>
      %dma_wait3A_108 = tpu.memref_squeeze %dma_wait3A_107 : memref<1x80xi32, #tpu.memory_space<vmem>> -> memref<80xi32, #tpu.memory_space<vmem>>
      %dma_wait3A_109 = arith.constant 0 : i32
      %dma_wait3A_110 = arith.constant 0 : i32
      %dma_wait3A_111 = tpu.memref_slice %arg7[%dma_wait3A_109, %dma_wait3A_110] : memref<4000x256xf32, #tpu.memory_space<hbm>> -> memref<4000x256xf32, #tpu.memory_space<hbm>>
      tpu.wait_indirect_dma semaphore(%arg16 : memref<!tpu.dma_semaphore, #tpu.memory_space<semaphore_mem>>) src(%dma_wait3A_111 : memref<4000x256xf32, #tpu.memory_space<hbm>>) dst(%dma_wait3A_105 : memref<80x256xf32, #tpu.memory_space<vmem>>)
      %mul3A_112 = arith.constant 80 : i32
      %mul3A_113 = arith.muli %add3A_88, %mul3A_112 : i32
      %add3A_114 = arith.addi %mul3A_32, %mul3A_113 : i32
      %dma_start3A_115 = arith.constant 0 : i32
      %dma_start3A_116 = arith.constant 0 : i32
      %dma_start3A_117 = arith.constant 0 : i32
      %dma_start3A_118 = tpu.memref_slice %arg15[%dma_start3A_115, %dma_start3A_116, %dma_start3A_117] : memref<2x80x256xf32, #tpu.memory_space<vmem>> -> memref<1x80x256xf32, #tpu.memory_space<vmem>>
      %dma_start3A_119 = tpu.memref_squeeze %dma_start3A_118 : memref<1x80x256xf32, #tpu.memory_space<vmem>> -> memref<80x256xf32, #tpu.memory_space<vmem>>
      %dma_start3A_120 = arith.constant 0 : i32
      %dma_start3A_121 = tpu.memref_slice %arg8[%select_n3A_9, %add3A_114, %dma_start3A_120] : memref<4x6400x256xf32, #tpu.memory_space<hbm>> -> memref<1x80x256xf32, #tpu.memory_space<hbm>>
      %dma_start3A_122 = tpu.memref_squeeze %dma_start3A_121 : memref<1x80x256xf32, #tpu.memory_space<hbm>> -> memref<80x256xf32, #tpu.memory_space<hbm>>
      %dma_start3A_123 = arith.constant 0 : i32
      %dma_start3A_124 = tpu.memref_slice %arg8[%select_n3A_9, %add3A_114, %dma_start3A_123] : memref<4x6400x256xf32, #tpu.memory_space<hbm>> -> memref<1x80x256xf32, #tpu.memory_space<hbm>>
      %dma_start3A_125 = tpu.memref_squeeze %dma_start3A_124 : memref<1x80x256xf32, #tpu.memory_space<hbm>> -> memref<80x256xf32, #tpu.memory_space<hbm>>
      %dma_start3A_126 = arith.constant 0 : i32
      %dma_start3A_127 = arith.constant 0 : i32
      %dma_start3A_128 = tpu.memref_slice %arg15[%dma_start3A_115, %dma_start3A_126, %dma_start3A_127] : memref<2x80x256xf32, #tpu.memory_space<vmem>> -> memref<1x80x256xf32, #tpu.memory_space<vmem>>
      %dma_start3A_129 = tpu.memref_squeeze %dma_start3A_128 : memref<1x80x256xf32, #tpu.memory_space<vmem>> -> memref<80x256xf32, #tpu.memory_space<vmem>>
      tpu.enqueue_dma source(%dma_start3A_129 : memref<80x256xf32, #tpu.memory_space<vmem>>) target(%dma_start3A_125 : memref<80x256xf32, #tpu.memory_space<hbm>>) target_semaphore(%arg17 : memref<!tpu.dma_semaphore, #tpu.memory_space<semaphore_mem>>)
      %mul3A_130 = arith.constant 2 : i32
      %mul3A_131 = arith.muli %scan3A_83, %mul3A_130 : i32
      %add3A_132 = arith.constant 1 : i32
      %add3A_133 = arith.addi %mul3A_131, %add3A_132 : i32
      %ge3A_134 = arith.constant 2 : i32
      %ge3A_135 = arith.cmpi sge, %add3A_133, %ge3A_134 : i32
      %convert_element_type3A_136 = arith.extui %ge3A_135 : i1 to i32
      %cond3A_137 = arith.constant 0 : i32
      %cond3A_138 = arith.cmpi ne, %convert_element_type3A_136, %cond3A_137 : i32
      scf.if %cond3A_138 {
        %sub3A_180 = arith.constant 2 : i32
        %sub3A_181 = arith.subi %add3A_133, %sub3A_180 : i32
        %mul3A_182 = arith.constant 80 : i32
        %mul3A_183 = arith.muli %sub3A_181, %mul3A_182 : i32
        %add3A_184 = arith.addi %mul3A_32, %mul3A_183 : i32
        %dma_wait3A_185 = arith.constant 1 : i32
        %dma_wait3A_186 = arith.constant 0 : i32
        %dma_wait3A_187 = arith.constant 0 : i32
        %dma_wait3A_188 = tpu.memref_slice %arg15[%dma_wait3A_185, %dma_wait3A_186, %dma_wait3A_187] : memref<2x80x256xf32, #tpu.memory_space<vmem>> -> memref<1x80x256xf32, #tpu.memory_space<vmem>>
        %dma_wait3A_189 = tpu.memref_squeeze %dma_wait3A_188 : memref<1x80x256xf32, #tpu.memory_space<vmem>> -> memref<80x256xf32, #tpu.memory_space<vmem>>
        %dma_wait3A_190 = arith.constant 0 : i32
        %dma_wait3A_191 = tpu.memref_slice %arg8[%select_n3A_9, %add3A_184, %dma_wait3A_190] : memref<4x6400x256xf32, #tpu.memory_space<hbm>> -> memref<1x80x256xf32, #tpu.memory_space<hbm>>
        %dma_wait3A_192 = tpu.memref_squeeze %dma_wait3A_191 : memref<1x80x256xf32, #tpu.memory_space<hbm>> -> memref<80x256xf32, #tpu.memory_space<hbm>>
        %dma_wait3A_193 = arith.constant 0 : i32
        %dma_wait3A_194 = tpu.memref_slice %arg8[%select_n3A_9, %add3A_184, %dma_wait3A_193] : memref<4x6400x256xf32, #tpu.memory_space<hbm>> -> memref<1x80x256xf32, #tpu.memory_space<hbm>>
        %dma_wait3A_195 = tpu.memref_squeeze %dma_wait3A_194 : memref<1x80x256xf32, #tpu.memory_space<hbm>> -> memref<80x256xf32, #tpu.memory_space<hbm>>
        %dma_wait3A_196 = arith.constant 0 : i32
        %dma_wait3A_197 = arith.constant 0 : i32
        %dma_wait3A_198 = tpu.memref_slice %arg15[%dma_wait3A_185, %dma_wait3A_196, %dma_wait3A_197] : memref<2x80x256xf32, #tpu.memory_space<vmem>> -> memref<1x80x256xf32, #tpu.memory_space<vmem>>
        %dma_wait3A_199 = tpu.memref_squeeze %dma_wait3A_198 : memref<1x80x256xf32, #tpu.memory_space<vmem>> -> memref<80x256xf32, #tpu.memory_space<vmem>>
        tpu.wait_dma2 semaphore(%arg17 : memref<!tpu.dma_semaphore, #tpu.memory_space<semaphore_mem>>) src(%dma_wait3A_199 : memref<80x256xf32, #tpu.memory_space<vmem>>) dst(%dma_wait3A_195 : memref<80x256xf32, #tpu.memory_space<hbm>>)
      } else {
      }
      %dma_start3A_139 = arith.constant 1 : i32
      %dma_start3A_140 = arith.constant 0 : i32
      %dma_start3A_141 = arith.constant 0 : i32
      %dma_start3A_142 = tpu.memref_slice %arg15[%dma_start3A_139, %dma_start3A_140, %dma_start3A_141] : memref<2x80x256xf32, #tpu.memory_space<vmem>> -> memref<1x80x256xf32, #tpu.memory_space<vmem>>
      %dma_start3A_143 = tpu.memref_squeeze %dma_start3A_142 : memref<1x80x256xf32, #tpu.memory_space<vmem>> -> memref<80x256xf32, #tpu.memory_space<vmem>>
      %dma_start3A_144 = arith.constant 0 : i32
      %dma_start3A_145 = tpu.memref_slice %arg14[%add3A_133, %dma_start3A_144] : memref<10x80xi32, #tpu.memory_space<vmem>> -> memref<1x80xi32, #tpu.memory_space<vmem>>
      %dma_start3A_146 = tpu.memref_squeeze %dma_start3A_145 : memref<1x80xi32, #tpu.memory_space<vmem>> -> memref<80xi32, #tpu.memory_space<vmem>>
      %dma_start3A_147 = arith.constant 0 : i32
      %dma_start3A_148 = arith.constant 0 : i32
      %dma_start3A_149 = tpu.memref_slice %arg7[%dma_start3A_147, %dma_start3A_148] : memref<4000x256xf32, #tpu.memory_space<hbm>> -> memref<4000x256xf32, #tpu.memory_space<hbm>>
      tpu.enqueue_indirect_dma source(%dma_start3A_149 : memref<4000x256xf32, #tpu.memory_space<hbm>>) target(%dma_start3A_143 : memref<80x256xf32, #tpu.memory_space<vmem>>) offsets(%dma_start3A_146 : memref<80xi32, #tpu.memory_space<vmem>>) semaphore(%arg16 : memref<!tpu.dma_semaphore, #tpu.memory_space<semaphore_mem>>)
      %dma_wait3A_150 = arith.constant 1 : i32
      %dma_wait3A_151 = arith.constant 0 : i32
      %dma_wait3A_152 = arith.constant 0 : i32
      %dma_wait3A_153 = tpu.memref_slice %arg15[%dma_wait3A_150, %dma_wait3A_151, %dma_wait3A_152] : memref<2x80x256xf32, #tpu.memory_space<vmem>> -> memref<1x80x256xf32, #tpu.memory_space<vmem>>
      %dma_wait3A_154 = tpu.memref_squeeze %dma_wait3A_153 : memref<1x80x256xf32, #tpu.memory_space<vmem>> -> memref<80x256xf32, #tpu.memory_space<vmem>>
      %dma_wait3A_155 = arith.constant 0 : i32
      %dma_wait3A_156 = tpu.memref_slice %arg14[%add3A_133, %dma_wait3A_155] : memref<10x80xi32, #tpu.memory_space<vmem>> -> memref<1x80xi32, #tpu.memory_space<vmem>>
      %dma_wait3A_157 = tpu.memref_squeeze %dma_wait3A_156 : memref<1x80xi32, #tpu.memory_space<vmem>> -> memref<80xi32, #tpu.memory_space<vmem>>
      %dma_wait3A_158 = arith.constant 0 : i32
      %dma_wait3A_159 = arith.constant 0 : i32
      %dma_wait3A_160 = tpu.memref_slice %arg7[%dma_wait3A_158, %dma_wait3A_159] : memref<4000x256xf32, #tpu.memory_space<hbm>> -> memref<4000x256xf32, #tpu.memory_space<hbm>>
      tpu.wait_indirect_dma semaphore(%arg16 : memref<!tpu.dma_semaphore, #tpu.memory_space<semaphore_mem>>) src(%dma_wait3A_160 : memref<4000x256xf32, #tpu.memory_space<hbm>>) dst(%dma_wait3A_154 : memref<80x256xf32, #tpu.memory_space<vmem>>)
      %mul3A_161 = arith.constant 80 : i32
      %mul3A_162 = arith.muli %add3A_133, %mul3A_161 : i32
      %add3A_163 = arith.addi %mul3A_32, %mul3A_162 : i32
      %dma_start3A_164 = arith.constant 1 : i32
      %dma_start3A_165 = arith.constant 0 : i32
      %dma_start3A_166 = arith.constant 0 : i32
      %dma_start3A_167 = tpu.memref_slice %arg15[%dma_start3A_164, %dma_start3A_165, %dma_start3A_166] : memref<2x80x256xf32, #tpu.memory_space<vmem>> -> memref<1x80x256xf32, #tpu.memory_space<vmem>>
      %dma_start3A_168 = tpu.memref_squeeze %dma_start3A_167 : memref<1x80x256xf32, #tpu.memory_space<vmem>> -> memref<80x256xf32, #tpu.memory_space<vmem>>
      %dma_start3A_169 = arith.constant 0 : i32
      %dma_start3A_170 = tpu.memref_slice %arg8[%select_n3A_9, %add3A_163, %dma_start3A_169] : memref<4x6400x256xf32, #tpu.memory_space<hbm>> -> memref<1x80x256xf32, #tpu.memory_space<hbm>>
      %dma_start3A_171 = tpu.memref_squeeze %dma_start3A_170 : memref<1x80x256xf32, #tpu.memory_space<hbm>> -> memref<80x256xf32, #tpu.memory_space<hbm>>
      %dma_start3A_172 = arith.constant 0 : i32
      %dma_start3A_173 = tpu.memref_slice %arg8[%select_n3A_9, %add3A_163, %dma_start3A_172] : memref<4x6400x256xf32, #tpu.memory_space<hbm>> -> memref<1x80x256xf32, #tpu.memory_space<hbm>>
      %dma_start3A_174 = tpu.memref_squeeze %dma_start3A_173 : memref<1x80x256xf32, #tpu.memory_space<hbm>> -> memref<80x256xf32, #tpu.memory_space<hbm>>
      %dma_start3A_175 = arith.constant 0 : i32
      %dma_start3A_176 = arith.constant 0 : i32
      %dma_start3A_177 = tpu.memref_slice %arg15[%dma_start3A_164, %dma_start3A_175, %dma_start3A_176] : memref<2x80x256xf32, #tpu.memory_space<vmem>> -> memref<1x80x256xf32, #tpu.memory_space<vmem>>
      %dma_start3A_178 = tpu.memref_squeeze %dma_start3A_177 : memref<1x80x256xf32, #tpu.memory_space<vmem>> -> memref<80x256xf32, #tpu.memory_space<vmem>>
      tpu.enqueue_dma source(%dma_start3A_178 : memref<80x256xf32, #tpu.memory_space<vmem>>) target(%dma_start3A_174 : memref<80x256xf32, #tpu.memory_space<hbm>>) target_semaphore(%arg17 : memref<!tpu.dma_semaphore, #tpu.memory_space<semaphore_mem>>)
      %scan3A_179 = arith.constant 0 : i32
      scf.yield %scan3A_179 : i32
    }
    %scan3A_49 = arith.constant 5 : i32
    %add3A_50 = arith.constant 640 : i32
    %add3A_51 = arith.addi %mul3A_32, %add3A_50 : i32
    %dma_wait3A = arith.constant 0 : i32
    %dma_wait3A_52 = arith.constant 0 : i32
    %dma_wait3A_53 = arith.constant 0 : i32
    %dma_wait3A_54 = tpu.memref_slice %arg15[%dma_wait3A, %dma_wait3A_52, %dma_wait3A_53] : memref<2x80x256xf32, #tpu.memory_space<vmem>> -> memref<1x80x256xf32, #tpu.memory_space<vmem>>
    %dma_wait3A_55 = tpu.memref_squeeze %dma_wait3A_54 : memref<1x80x256xf32, #tpu.memory_space<vmem>> -> memref<80x256xf32, #tpu.memory_space<vmem>>
    %dma_wait3A_56 = arith.constant 0 : i32
    %dma_wait3A_57 = tpu.memref_slice %arg8[%select_n3A_9, %add3A_51, %dma_wait3A_56] : memref<4x6400x256xf32, #tpu.memory_space<hbm>> -> memref<1x80x256xf32, #tpu.memory_space<hbm>>
    %dma_wait3A_58 = tpu.memref_squeeze %dma_wait3A_57 : memref<1x80x256xf32, #tpu.memory_space<hbm>> -> memref<80x256xf32, #tpu.memory_space<hbm>>
    %dma_wait3A_59 = arith.constant 0 : i32
    %dma_wait3A_60 = tpu.memref_slice %arg8[%select_n3A_9, %add3A_51, %dma_wait3A_59] : memref<4x6400x256xf32, #tpu.memory_space<hbm>> -> memref<1x80x256xf32, #tpu.memory_space<hbm>>
    %dma_wait3A_61 = tpu.memref_squeeze %dma_wait3A_60 : memref<1x80x256xf32, #tpu.memory_space<hbm>> -> memref<80x256xf32, #tpu.memory_space<hbm>>
    %dma_wait3A_62 = arith.constant 0 : i32
    %dma_wait3A_63 = arith.constant 0 : i32
    %dma_wait3A_64 = tpu.memref_slice %arg15[%dma_wait3A, %dma_wait3A_62, %dma_wait3A_63] : memref<2x80x256xf32, #tpu.memory_space<vmem>> -> memref<1x80x256xf32, #tpu.memory_space<vmem>>
    %dma_wait3A_65 = tpu.memref_squeeze %dma_wait3A_64 : memref<1x80x256xf32, #tpu.memory_space<vmem>> -> memref<80x256xf32, #tpu.memory_space<vmem>>
    tpu.wait_dma2 semaphore(%arg17 : memref<!tpu.dma_semaphore, #tpu.memory_space<semaphore_mem>>) src(%dma_wait3A_65 : memref<80x256xf32, #tpu.memory_space<vmem>>) dst(%dma_wait3A_61 : memref<80x256xf32, #tpu.memory_space<hbm>>)
    %add3A_66 = arith.constant 720 : i32
    %add3A_67 = arith.addi %mul3A_32, %add3A_66 : i32
    %dma_wait3A_68 = arith.constant 1 : i32
    %dma_wait3A_69 = arith.constant 0 : i32
    %dma_wait3A_70 = arith.constant 0 : i32
    %dma_wait3A_71 = tpu.memref_slice %arg15[%dma_wait3A_68, %dma_wait3A_69, %dma_wait3A_70] : memref<2x80x256xf32, #tpu.memory_space<vmem>> -> memref<1x80x256xf32, #tpu.memory_space<vmem>>
    %dma_wait3A_72 = tpu.memref_squeeze %dma_wait3A_71 : memref<1x80x256xf32, #tpu.memory_space<vmem>> -> memref<80x256xf32, #tpu.memory_space<vmem>>
    %dma_wait3A_73 = arith.constant 0 : i32
    %dma_wait3A_74 = tpu.memref_slice %arg8[%select_n3A_9, %add3A_67, %dma_wait3A_73] : memref<4x6400x256xf32, #tpu.memory_space<hbm>> -> memref<1x80x256xf32, #tpu.memory_space<hbm>>
    %dma_wait3A_75 = tpu.memref_squeeze %dma_wait3A_74 : memref<1x80x256xf32, #tpu.memory_space<hbm>> -> memref<80x256xf32, #tpu.memory_space<hbm>>
    %dma_wait3A_76 = arith.constant 0 : i32
    %dma_wait3A_77 = tpu.memref_slice %arg8[%select_n3A_9, %add3A_67, %dma_wait3A_76] : memref<4x6400x256xf32, #tpu.memory_space<hbm>> -> memref<1x80x256xf32, #tpu.memory_space<hbm>>
    %dma_wait3A_78 = tpu.memref_squeeze %dma_wait3A_77 : memref<1x80x256xf32, #tpu.memory_space<hbm>> -> memref<80x256xf32, #tpu.memory_space<hbm>>
    %dma_wait3A_79 = arith.constant 0 : i32
    %dma_wait3A_80 = arith.constant 0 : i32
    %dma_wait3A_81 = tpu.memref_slice %arg15[%dma_wait3A_68, %dma_wait3A_79, %dma_wait3A_80] : memref<2x80x256xf32, #tpu.memory_space<vmem>> -> memref<1x80x256xf32, #tpu.memory_space<vmem>>
    %dma_wait3A_82 = tpu.memref_squeeze %dma_wait3A_81 : memref<1x80x256xf32, #tpu.memory_space<vmem>> -> memref<80x256xf32, #tpu.memory_space<vmem>>
    tpu.wait_dma2 semaphore(%arg17 : memref<!tpu.dma_semaphore, #tpu.memory_space<semaphore_mem>>) src(%dma_wait3A_82 : memref<80x256xf32, #tpu.memory_space<vmem>>) dst(%dma_wait3A_78 : memref<80x256xf32, #tpu.memory_space<hbm>>)
    return
  }
}

module attributes {stable_mosaic.version = 14 : i64} {
  func.func @_tc_body(%arg0: i32, %arg1: memref<1xf32, #tpu.memory_space<smem>>, %arg2: memref<16x50x4xf32, #tpu.memory_space<vmem>>, %arg3: memref<1000x256xbf16, #tpu.memory_space<vmem>>, %arg4: memref<1000x256xbf16, #tpu.memory_space<vmem>>, %arg5: memref<1000x256xbf16, #tpu.memory_space<vmem>>, %arg6: memref<1000x256xbf16, #tpu.memory_space<vmem>>, %arg7: memref<16x50x1024xf32, #tpu.memory_space<vmem>>) attributes {dimension_semantics = [#tpu.dimension_semantics<arbitrary>], iteration_bounds = array<i64: 56>, scalar_prefetch = 0 : i64, scratch_operands = 0 : i64, tpu.core_type = #tpu.core_type<tc>, window_params = [{transform_indices = @transform_0, window_bounds = array<i64: 1>}, {transform_indices = @transform_1, window_bounds = array<i64: 16, 50, 4>}, {pipeline_mode = #tpu.pipeline_mode<synchronous>, transform_indices = @transform_2, window_bounds = array<i64: 1000, 256>}, {pipeline_mode = #tpu.pipeline_mode<synchronous>, transform_indices = @transform_3, window_bounds = array<i64: 1000, 256>}, {pipeline_mode = #tpu.pipeline_mode<synchronous>, transform_indices = @transform_4, window_bounds = array<i64: 1000, 256>}, {pipeline_mode = #tpu.pipeline_mode<synchronous>, transform_indices = @transform_5, window_bounds = array<i64: 1000, 256>}, {transform_indices = @transform_6, window_bounds = array<i64: 16, 50, 1024>}]} {
    %get3A = arith.constant 0 : index
    %get3A_0 = arith.constant 0 : index
    %get3A_1 = arith.constant 0 : index
    %get3A_2 = vector.load %arg2[%get3A, %get3A_0, %get3A_1] : memref<16x50x4xf32, #tpu.memory_space<vmem>>, vector<16x50x4xf32>
    %get3A_3 = arith.constant 0 : index
    %get3A_4 = memref.load %arg1[%get3A_3] : memref<1xf32, #tpu.memory_space<smem>>
    %mul3A = vector.broadcast %get3A_4 : f32 to vector<16x50x4xf32>
    %mul3A_5 = arith.mulf %get3A_2, %mul3A : vector<16x50x4xf32>
    %jit3A = arith.constant 0.000000e+00 : f32
    %jit3A_6 = arith.constant 9.990000e+02 : f32
    %max3A = vector.broadcast %jit3A : f32 to vector<16x50x4xf32>
    %max3A_7 = arith.maximumf %max3A, %mul3A_5 : vector<16x50x4xf32>
    %min3A = vector.broadcast %jit3A_6 : f32 to vector<16x50x4xf32>
    %min3A_8 = arith.minimumf %min3A, %max3A_7 : vector<16x50x4xf32>
    %convert_element_type3A = arith.fptosi %min3A_8 : vector<16x50x4xf32> to vector<16x50x4xi32>
    %slice3A = vector.extract_strided_slice %convert_element_type3A {offsets = [0, 0, 0], sizes = [16, 50, 1], strides = [1, 1, 1]} : vector<16x50x4xi32> to vector<16x50x1xi32>
    %slice3A_9 = vector.extract_strided_slice %convert_element_type3A {offsets = [0, 0, 1], sizes = [16, 50, 1], strides = [1, 1, 1]} : vector<16x50x4xi32> to vector<16x50x1xi32>
    %slice3A_10 = vector.extract_strided_slice %convert_element_type3A {offsets = [0, 0, 2], sizes = [16, 50, 1], strides = [1, 1, 1]} : vector<16x50x4xi32> to vector<16x50x1xi32>
    %sub3A = arith.subi %slice3A_10, %slice3A : vector<16x50x1xi32>
    %jit3A_11 = arith.constant 0 : i32
    %jit3A_12 = arith.constant 999 : i32
    %max3A_13 = vector.broadcast %jit3A_11 : i32 to vector<16x50x1xi32>
    %max3A_14 = arith.maxsi %max3A_13, %sub3A : vector<16x50x1xi32>
    %min3A_15 = vector.broadcast %jit3A_12 : i32 to vector<16x50x1xi32>
    %min3A_16 = arith.minsi %min3A_15, %max3A_14 : vector<16x50x1xi32>
    %slice3A_17 = vector.extract_strided_slice %convert_element_type3A {offsets = [0, 0, 3], sizes = [16, 50, 1], strides = [1, 1, 1]} : vector<16x50x4xi32> to vector<16x50x1xi32>
    %sub3A_18 = arith.subi %slice3A_17, %slice3A_9 : vector<16x50x1xi32>
    %jit3A_19 = arith.constant 0 : i32
    %jit3A_20 = arith.constant 999 : i32
    %max3A_21 = vector.broadcast %jit3A_19 : i32 to vector<16x50x1xi32>
    %max3A_22 = arith.maxsi %max3A_21, %sub3A_18 : vector<16x50x1xi32>
    %min3A_23 = vector.broadcast %jit3A_20 : i32 to vector<16x50x1xi32>
    %min3A_24 = arith.minsi %min3A_23, %max3A_22 : vector<16x50x1xi32>
    %iota3A = tpu.iota {dimensions = array<i32: 2>} : vector<16x56x1000xi32>
    %broadcast_in_dim3A = arith.constant -1 : i32
    %broadcast_in_dim3A_25 = vector.broadcast %broadcast_in_dim3A : i32 to vector<16x6x1xi32>
    %concatenate3A = tpu.concatenate %slice3A, %broadcast_in_dim3A_25 in 1 : vector<16x50x1xi32>, vector<16x6x1xi32> -> vector<16x56x1xi32>
    %eq3A = vector.broadcast %concatenate3A : vector<16x56x1xi32> to vector<16x56x1000xi32>
    %eq3A_26 = arith.cmpi eq, %eq3A, %iota3A : vector<16x56x1000xi32>
    %convert_element_type3A_27 = arith.extui %eq3A_26 : vector<16x56x1000xi1> to vector<16x56x1000xi32>
    %convert_element_type3A_28 = arith.sitofp %convert_element_type3A_27 : vector<16x56x1000xi32> to vector<16x56x1000xf32>
    %convert_element_type3A_29 = arith.truncf %convert_element_type3A_28 : vector<16x56x1000xf32> to vector<16x56x1000xbf16>
    %reshape3A = vector.shape_cast %convert_element_type3A_29 : vector<16x56x1000xbf16> to vector<896x1000xbf16>
    %get3A_30 = arith.constant 0 : index
    %get3A_31 = arith.constant 0 : index
    %get3A_32 = vector.load %arg3[%get3A_30, %get3A_31] : memref<1000x256xbf16, #tpu.memory_space<vmem>>, vector<1000x256xbf16>
    %dot_general3A = arith.constant dense<0.000000e+00> : vector<896x256xf32>
    %dot_general3A_33 = tpu.matmul %reshape3A, %get3A_32, %dot_general3A {dimension_numbers = #tpu.dot_dimension_numbers<[1], [0], [0], [1], [0, 0, 1, 1], [], []>, transpose_lhs_hint = false} : vector<896x1000xbf16>, vector<1000x256xbf16>, vector<896x256xf32> -> vector<896x256xf32>
    %slice3A_34 = vector.extract_strided_slice %dot_general3A_33 {offsets = [0, 0], sizes = [50, 256], strides = [1, 1]} : vector<896x256xf32> to vector<50x256xf32>
    %swap3A = arith.constant 0 : index
    %swap3A_35 = arith.constant 0 : index
    %swap3A_36 = arith.constant 0 : index
    %swap3A_37 = vector.load %arg7[%swap3A, %swap3A_35, %swap3A_36] : memref<16x50x1024xf32, #tpu.memory_space<vmem>>, vector<1x50x256xf32>
    %swap3A_38 = vector.shape_cast %swap3A_37 : vector<1x50x256xf32> to vector<50x256xf32>
    %swap3A_39 = vector.shape_cast %slice3A_34 : vector<50x256xf32> to vector<1x50x256xf32>
    tpu.vector_store %arg7[%swap3A, %swap3A_35, %swap3A_36], %swap3A_39 {strides = array<i32>} : memref<16x50x1024xf32, #tpu.memory_space<vmem>>, vector<1x50x256xf32>,
    %slice3A_40 = vector.extract_strided_slice %dot_general3A_33 {offsets = [56, 0], sizes = [50, 256], strides = [1, 1]} : vector<896x256xf32> to vector<50x256xf32>
    %swap3A_41 = arith.constant 1 : index
    %swap3A_42 = arith.constant 0 : index
    %swap3A_43 = arith.constant 0 : index
    %swap3A_44 = vector.load %arg7[%swap3A_41, %swap3A_42, %swap3A_43] : memref<16x50x1024xf32, #tpu.memory_space<vmem>>, vector<1x50x256xf32>
    %swap3A_45 = vector.shape_cast %swap3A_44 : vector<1x50x256xf32> to vector<50x256xf32>
    %swap3A_46 = vector.shape_cast %slice3A_40 : vector<50x256xf32> to vector<1x50x256xf32>
    tpu.vector_store %arg7[%swap3A_41, %swap3A_42, %swap3A_43], %swap3A_46 {strides = array<i32>} : memref<16x50x1024xf32, #tpu.memory_space<vmem>>, vector<1x50x256xf32>,
    %slice3A_47 = vector.extract_strided_slice %dot_general3A_33 {offsets = [112, 0], sizes = [50, 256], strides = [1, 1]} : vector<896x256xf32> to vector<50x256xf32>
    %swap3A_48 = arith.constant 2 : index
    %swap3A_49 = arith.constant 0 : index
    %swap3A_50 = arith.constant 0 : index
    %swap3A_51 = vector.load %arg7[%swap3A_48, %swap3A_49, %swap3A_50] : memref<16x50x1024xf32, #tpu.memory_space<vmem>>, vector<1x50x256xf32>
    %swap3A_52 = vector.shape_cast %swap3A_51 : vector<1x50x256xf32> to vector<50x256xf32>
    %swap3A_53 = vector.shape_cast %slice3A_47 : vector<50x256xf32> to vector<1x50x256xf32>
    tpu.vector_store %arg7[%swap3A_48, %swap3A_49, %swap3A_50], %swap3A_53 {strides = array<i32>} : memref<16x50x1024xf32, #tpu.memory_space<vmem>>, vector<1x50x256xf32>,
    %slice3A_54 = vector.extract_strided_slice %dot_general3A_33 {offsets = [168, 0], sizes = [50, 256], strides = [1, 1]} : vector<896x256xf32> to vector<50x256xf32>
    %swap3A_55 = arith.constant 3 : index
    %swap3A_56 = arith.constant 0 : index
    %swap3A_57 = arith.constant 0 : index
    %swap3A_58 = vector.load %arg7[%swap3A_55, %swap3A_56, %swap3A_57] : memref<16x50x1024xf32, #tpu.memory_space<vmem>>, vector<1x50x256xf32>
    %swap3A_59 = vector.shape_cast %swap3A_58 : vector<1x50x256xf32> to vector<50x256xf32>
    %swap3A_60 = vector.shape_cast %slice3A_54 : vector<50x256xf32> to vector<1x50x256xf32>
    tpu.vector_store %arg7[%swap3A_55, %swap3A_56, %swap3A_57], %swap3A_60 {strides = array<i32>} : memref<16x50x1024xf32, #tpu.memory_space<vmem>>, vector<1x50x256xf32>,
    %slice3A_61 = vector.extract_strided_slice %dot_general3A_33 {offsets = [224, 0], sizes = [50, 256], strides = [1, 1]} : vector<896x256xf32> to vector<50x256xf32>
    %swap3A_62 = arith.constant 4 : index
    %swap3A_63 = arith.constant 0 : index
    %swap3A_64 = arith.constant 0 : index
    %swap3A_65 = vector.load %arg7[%swap3A_62, %swap3A_63, %swap3A_64] : memref<16x50x1024xf32, #tpu.memory_space<vmem>>, vector<1x50x256xf32>
    %swap3A_66 = vector.shape_cast %swap3A_65 : vector<1x50x256xf32> to vector<50x256xf32>
    %swap3A_67 = vector.shape_cast %slice3A_61 : vector<50x256xf32> to vector<1x50x256xf32>
    tpu.vector_store %arg7[%swap3A_62, %swap3A_63, %swap3A_64], %swap3A_67 {strides = array<i32>} : memref<16x50x1024xf32, #tpu.memory_space<vmem>>, vector<1x50x256xf32>,
    %slice3A_68 = vector.extract_strided_slice %dot_general3A_33 {offsets = [280, 0], sizes = [50, 256], strides = [1, 1]} : vector<896x256xf32> to vector<50x256xf32>
    %swap3A_69 = arith.constant 5 : index
    %swap3A_70 = arith.constant 0 : index
    %swap3A_71 = arith.constant 0 : index
    %swap3A_72 = vector.load %arg7[%swap3A_69, %swap3A_70, %swap3A_71] : memref<16x50x1024xf32, #tpu.memory_space<vmem>>, vector<1x50x256xf32>
    %swap3A_73 = vector.shape_cast %swap3A_72 : vector<1x50x256xf32> to vector<50x256xf32>
    %swap3A_74 = vector.shape_cast %slice3A_68 : vector<50x256xf32> to vector<1x50x256xf32>
    tpu.vector_store %arg7[%swap3A_69, %swap3A_70, %swap3A_71], %swap3A_74 {strides = array<i32>} : memref<16x50x1024xf32, #tpu.memory_space<vmem>>, vector<1x50x256xf32>,
    %slice3A_75 = vector.extract_strided_slice %dot_general3A_33 {offsets = [336, 0], sizes = [50, 256], strides = [1, 1]} : vector<896x256xf32> to vector<50x256xf32>
    %swap3A_76 = arith.constant 6 : index
    %swap3A_77 = arith.constant 0 : index
    %swap3A_78 = arith.constant 0 : index
    %swap3A_79 = vector.load %arg7[%swap3A_76, %swap3A_77, %swap3A_78] : memref<16x50x1024xf32, #tpu.memory_space<vmem>>, vector<1x50x256xf32>
    %swap3A_80 = vector.shape_cast %swap3A_79 : vector<1x50x256xf32> to vector<50x256xf32>
    %swap3A_81 = vector.shape_cast %slice3A_75 : vector<50x256xf32> to vector<1x50x256xf32>
    tpu.vector_store %arg7[%swap3A_76, %swap3A_77, %swap3A_78], %swap3A_81 {strides = array<i32>} : memref<16x50x1024xf32, #tpu.memory_space<vmem>>, vector<1x50x256xf32>,
    %slice3A_82 = vector.extract_strided_slice %dot_general3A_33 {offsets = [392, 0], sizes = [50, 256], strides = [1, 1]} : vector<896x256xf32> to vector<50x256xf32>
    %swap3A_83 = arith.constant 7 : index
    %swap3A_84 = arith.constant 0 : index
    %swap3A_85 = arith.constant 0 : index
    %swap3A_86 = vector.load %arg7[%swap3A_83, %swap3A_84, %swap3A_85] : memref<16x50x1024xf32, #tpu.memory_space<vmem>>, vector<1x50x256xf32>
    %swap3A_87 = vector.shape_cast %swap3A_86 : vector<1x50x256xf32> to vector<50x256xf32>
    %swap3A_88 = vector.shape_cast %slice3A_82 : vector<50x256xf32> to vector<1x50x256xf32>
    tpu.vector_store %arg7[%swap3A_83, %swap3A_84, %swap3A_85], %swap3A_88 {strides = array<i32>} : memref<16x50x1024xf32, #tpu.memory_space<vmem>>, vector<1x50x256xf32>,
    %slice3A_89 = vector.extract_strided_slice %dot_general3A_33 {offsets = [448, 0], sizes = [50, 256], strides = [1, 1]} : vector<896x256xf32> to vector<50x256xf32>
    %swap3A_90 = arith.constant 8 : index
    %swap3A_91 = arith.constant 0 : index
    %swap3A_92 = arith.constant 0 : index
    %swap3A_93 = vector.load %arg7[%swap3A_90, %swap3A_91, %swap3A_92] : memref<16x50x1024xf32, #tpu.memory_space<vmem>>, vector<1x50x256xf32>
    %swap3A_94 = vector.shape_cast %swap3A_93 : vector<1x50x256xf32> to vector<50x256xf32>
    %swap3A_95 = vector.shape_cast %slice3A_89 : vector<50x256xf32> to vector<1x50x256xf32>
    tpu.vector_store %arg7[%swap3A_90, %swap3A_91, %swap3A_92], %swap3A_95 {strides = array<i32>} : memref<16x50x1024xf32, #tpu.memory_space<vmem>>, vector<1x50x256xf32>,
    %slice3A_96 = vector.extract_strided_slice %dot_general3A_33 {offsets = [504, 0], sizes = [50, 256], strides = [1, 1]} : vector<896x256xf32> to vector<50x256xf32>
    %swap3A_97 = arith.constant 9 : index
    %swap3A_98 = arith.constant 0 : index
    %swap3A_99 = arith.constant 0 : index
    %swap3A_100 = vector.load %arg7[%swap3A_97, %swap3A_98, %swap3A_99] : memref<16x50x1024xf32, #tpu.memory_space<vmem>>, vector<1x50x256xf32>
    %swap3A_101 = vector.shape_cast %swap3A_100 : vector<1x50x256xf32> to vector<50x256xf32>
    %swap3A_102 = vector.shape_cast %slice3A_96 : vector<50x256xf32> to vector<1x50x256xf32>
    tpu.vector_store %arg7[%swap3A_97, %swap3A_98, %swap3A_99], %swap3A_102 {strides = array<i32>} : memref<16x50x1024xf32, #tpu.memory_space<vmem>>, vector<1x50x256xf32>,
    %slice3A_103 = vector.extract_strided_slice %dot_general3A_33 {offsets = [560, 0], sizes = [50, 256], strides = [1, 1]} : vector<896x256xf32> to vector<50x256xf32>
    %swap3A_104 = arith.constant 10 : index
    %swap3A_105 = arith.constant 0 : index
    %swap3A_106 = arith.constant 0 : index
    %swap3A_107 = vector.load %arg7[%swap3A_104, %swap3A_105, %swap3A_106] : memref<16x50x1024xf32, #tpu.memory_space<vmem>>, vector<1x50x256xf32>
    %swap3A_108 = vector.shape_cast %swap3A_107 : vector<1x50x256xf32> to vector<50x256xf32>
    %swap3A_109 = vector.shape_cast %slice3A_103 : vector<50x256xf32> to vector<1x50x256xf32>
    tpu.vector_store %arg7[%swap3A_104, %swap3A_105, %swap3A_106], %swap3A_109 {strides = array<i32>} : memref<16x50x1024xf32, #tpu.memory_space<vmem>>, vector<1x50x256xf32>,
    %slice3A_110 = vector.extract_strided_slice %dot_general3A_33 {offsets = [616, 0], sizes = [50, 256], strides = [1, 1]} : vector<896x256xf32> to vector<50x256xf32>
    %swap3A_111 = arith.constant 11 : index
    %swap3A_112 = arith.constant 0 : index
    %swap3A_113 = arith.constant 0 : index
    %swap3A_114 = vector.load %arg7[%swap3A_111, %swap3A_112, %swap3A_113] : memref<16x50x1024xf32, #tpu.memory_space<vmem>>, vector<1x50x256xf32>
    %swap3A_115 = vector.shape_cast %swap3A_114 : vector<1x50x256xf32> to vector<50x256xf32>
    %swap3A_116 = vector.shape_cast %slice3A_110 : vector<50x256xf32> to vector<1x50x256xf32>
    tpu.vector_store %arg7[%swap3A_111, %swap3A_112, %swap3A_113], %swap3A_116 {strides = array<i32>} : memref<16x50x1024xf32, #tpu.memory_space<vmem>>, vector<1x50x256xf32>,
    %slice3A_117 = vector.extract_strided_slice %dot_general3A_33 {offsets = [672, 0], sizes = [50, 256], strides = [1, 1]} : vector<896x256xf32> to vector<50x256xf32>
    %swap3A_118 = arith.constant 12 : index
    %swap3A_119 = arith.constant 0 : index
    %swap3A_120 = arith.constant 0 : index
    %swap3A_121 = vector.load %arg7[%swap3A_118, %swap3A_119, %swap3A_120] : memref<16x50x1024xf32, #tpu.memory_space<vmem>>, vector<1x50x256xf32>
    %swap3A_122 = vector.shape_cast %swap3A_121 : vector<1x50x256xf32> to vector<50x256xf32>
    %swap3A_123 = vector.shape_cast %slice3A_117 : vector<50x256xf32> to vector<1x50x256xf32>
    tpu.vector_store %arg7[%swap3A_118, %swap3A_119, %swap3A_120], %swap3A_123 {strides = array<i32>} : memref<16x50x1024xf32, #tpu.memory_space<vmem>>, vector<1x50x256xf32>,
    %slice3A_124 = vector.extract_strided_slice %dot_general3A_33 {offsets = [728, 0], sizes = [50, 256], strides = [1, 1]} : vector<896x256xf32> to vector<50x256xf32>
    %swap3A_125 = arith.constant 13 : index
    %swap3A_126 = arith.constant 0 : index
    %swap3A_127 = arith.constant 0 : index
    %swap3A_128 = vector.load %arg7[%swap3A_125, %swap3A_126, %swap3A_127] : memref<16x50x1024xf32, #tpu.memory_space<vmem>>, vector<1x50x256xf32>
    %swap3A_129 = vector.shape_cast %swap3A_128 : vector<1x50x256xf32> to vector<50x256xf32>
    %swap3A_130 = vector.shape_cast %slice3A_124 : vector<50x256xf32> to vector<1x50x256xf32>
    tpu.vector_store %arg7[%swap3A_125, %swap3A_126, %swap3A_127], %swap3A_130 {strides = array<i32>} : memref<16x50x1024xf32, #tpu.memory_space<vmem>>, vector<1x50x256xf32>,
    %slice3A_131 = vector.extract_strided_slice %dot_general3A_33 {offsets = [784, 0], sizes = [50, 256], strides = [1, 1]} : vector<896x256xf32> to vector<50x256xf32>
    %swap3A_132 = arith.constant 14 : index
    %swap3A_133 = arith.constant 0 : index
    %swap3A_134 = arith.constant 0 : index
    %swap3A_135 = vector.load %arg7[%swap3A_132, %swap3A_133, %swap3A_134] : memref<16x50x1024xf32, #tpu.memory_space<vmem>>, vector<1x50x256xf32>
    %swap3A_136 = vector.shape_cast %swap3A_135 : vector<1x50x256xf32> to vector<50x256xf32>
    %swap3A_137 = vector.shape_cast %slice3A_131 : vector<50x256xf32> to vector<1x50x256xf32>
    tpu.vector_store %arg7[%swap3A_132, %swap3A_133, %swap3A_134], %swap3A_137 {strides = array<i32>} : memref<16x50x1024xf32, #tpu.memory_space<vmem>>, vector<1x50x256xf32>,
    %slice3A_138 = vector.extract_strided_slice %dot_general3A_33 {offsets = [840, 0], sizes = [50, 256], strides = [1, 1]} : vector<896x256xf32> to vector<50x256xf32>
    %swap3A_139 = arith.constant 15 : index
    %swap3A_140 = arith.constant 0 : index
    %swap3A_141 = arith.constant 0 : index
    %swap3A_142 = vector.load %arg7[%swap3A_139, %swap3A_140, %swap3A_141] : memref<16x50x1024xf32, #tpu.memory_space<vmem>>, vector<1x50x256xf32>
    %swap3A_143 = vector.shape_cast %swap3A_142 : vector<1x50x256xf32> to vector<50x256xf32>
    %swap3A_144 = vector.shape_cast %slice3A_138 : vector<50x256xf32> to vector<1x50x256xf32>
    tpu.vector_store %arg7[%swap3A_139, %swap3A_140, %swap3A_141], %swap3A_144 {strides = array<i32>} : memref<16x50x1024xf32, #tpu.memory_space<vmem>>, vector<1x50x256xf32>,
    %concatenate3A_145 = tpu.concatenate %slice3A_9, %broadcast_in_dim3A_25 in 1 : vector<16x50x1xi32>, vector<16x6x1xi32> -> vector<16x56x1xi32>
    %eq3A_146 = vector.broadcast %concatenate3A_145 : vector<16x56x1xi32> to vector<16x56x1000xi32>
    %eq3A_147 = arith.cmpi eq, %eq3A_146, %iota3A : vector<16x56x1000xi32>
    %convert_element_type3A_148 = arith.extui %eq3A_147 : vector<16x56x1000xi1> to vector<16x56x1000xi32>
    %convert_element_type3A_149 = arith.sitofp %convert_element_type3A_148 : vector<16x56x1000xi32> to vector<16x56x1000xf32>
    %convert_element_type3A_150 = arith.truncf %convert_element_type3A_149 : vector<16x56x1000xf32> to vector<16x56x1000xbf16>
    %reshape3A_151 = vector.shape_cast %convert_element_type3A_150 : vector<16x56x1000xbf16> to vector<896x1000xbf16>
    %get3A_152 = arith.constant 0 : index
    %get3A_153 = arith.constant 0 : index
    %get3A_154 = vector.load %arg4[%get3A_152, %get3A_153] : memref<1000x256xbf16, #tpu.memory_space<vmem>>, vector<1000x256xbf16>
    %dot_general3A_155 = arith.constant dense<0.000000e+00> : vector<896x256xf32>
    %dot_general3A_156 = tpu.matmul %reshape3A_151, %get3A_154, %dot_general3A_155 {dimension_numbers = #tpu.dot_dimension_numbers<[1], [0], [0], [1], [0, 0, 1, 1], [], []>, transpose_lhs_hint = false} : vector<896x1000xbf16>, vector<1000x256xbf16>, vector<896x256xf32> -> vector<896x256xf32>
    %slice3A_157 = vector.extract_strided_slice %dot_general3A_156 {offsets = [0, 0], sizes = [50, 256], strides = [1, 1]} : vector<896x256xf32> to vector<50x256xf32>
    %swap3A_158 = arith.constant 0 : index
    %swap3A_159 = arith.constant 0 : index
    %swap3A_160 = arith.constant 256 : index
    %swap3A_161 = vector.load %arg7[%swap3A_158, %swap3A_159, %swap3A_160] : memref<16x50x1024xf32, #tpu.memory_space<vmem>>, vector<1x50x256xf32>
    %swap3A_162 = vector.shape_cast %swap3A_161 : vector<1x50x256xf32> to vector<50x256xf32>
    %swap3A_163 = vector.shape_cast %slice3A_157 : vector<50x256xf32> to vector<1x50x256xf32>
    tpu.vector_store %arg7[%swap3A_158, %swap3A_159, %swap3A_160], %swap3A_163 {strides = array<i32>} : memref<16x50x1024xf32, #tpu.memory_space<vmem>>, vector<1x50x256xf32>,
    %slice3A_164 = vector.extract_strided_slice %dot_general3A_156 {offsets = [56, 0], sizes = [50, 256], strides = [1, 1]} : vector<896x256xf32> to vector<50x256xf32>
    %swap3A_165 = arith.constant 1 : index
    %swap3A_166 = arith.constant 0 : index
    %swap3A_167 = arith.constant 256 : index
    %swap3A_168 = vector.load %arg7[%swap3A_165, %swap3A_166, %swap3A_167] : memref<16x50x1024xf32, #tpu.memory_space<vmem>>, vector<1x50x256xf32>
    %swap3A_169 = vector.shape_cast %swap3A_168 : vector<1x50x256xf32> to vector<50x256xf32>
    %swap3A_170 = vector.shape_cast %slice3A_164 : vector<50x256xf32> to vector<1x50x256xf32>
    tpu.vector_store %arg7[%swap3A_165, %swap3A_166, %swap3A_167], %swap3A_170 {strides = array<i32>} : memref<16x50x1024xf32, #tpu.memory_space<vmem>>, vector<1x50x256xf32>,
    %slice3A_171 = vector.extract_strided_slice %dot_general3A_156 {offsets = [112, 0], sizes = [50, 256], strides = [1, 1]} : vector<896x256xf32> to vector<50x256xf32>
    %swap3A_172 = arith.constant 2 : index
    %swap3A_173 = arith.constant 0 : index
    %swap3A_174 = arith.constant 256 : index
    %swap3A_175 = vector.load %arg7[%swap3A_172, %swap3A_173, %swap3A_174] : memref<16x50x1024xf32, #tpu.memory_space<vmem>>, vector<1x50x256xf32>
    %swap3A_176 = vector.shape_cast %swap3A_175 : vector<1x50x256xf32> to vector<50x256xf32>
    %swap3A_177 = vector.shape_cast %slice3A_171 : vector<50x256xf32> to vector<1x50x256xf32>
    tpu.vector_store %arg7[%swap3A_172, %swap3A_173, %swap3A_174], %swap3A_177 {strides = array<i32>} : memref<16x50x1024xf32, #tpu.memory_space<vmem>>, vector<1x50x256xf32>,
    %slice3A_178 = vector.extract_strided_slice %dot_general3A_156 {offsets = [168, 0], sizes = [50, 256], strides = [1, 1]} : vector<896x256xf32> to vector<50x256xf32>
    %swap3A_179 = arith.constant 3 : index
    %swap3A_180 = arith.constant 0 : index
    %swap3A_181 = arith.constant 256 : index
    %swap3A_182 = vector.load %arg7[%swap3A_179, %swap3A_180, %swap3A_181] : memref<16x50x1024xf32, #tpu.memory_space<vmem>>, vector<1x50x256xf32>
    %swap3A_183 = vector.shape_cast %swap3A_182 : vector<1x50x256xf32> to vector<50x256xf32>
    %swap3A_184 = vector.shape_cast %slice3A_178 : vector<50x256xf32> to vector<1x50x256xf32>
    tpu.vector_store %arg7[%swap3A_179, %swap3A_180, %swap3A_181], %swap3A_184 {strides = array<i32>} : memref<16x50x1024xf32, #tpu.memory_space<vmem>>, vector<1x50x256xf32>,
    %slice3A_185 = vector.extract_strided_slice %dot_general3A_156 {offsets = [224, 0], sizes = [50, 256], strides = [1, 1]} : vector<896x256xf32> to vector<50x256xf32>
    %swap3A_186 = arith.constant 4 : index
    %swap3A_187 = arith.constant 0 : index
    %swap3A_188 = arith.constant 256 : index
    %swap3A_189 = vector.load %arg7[%swap3A_186, %swap3A_187, %swap3A_188] : memref<16x50x1024xf32, #tpu.memory_space<vmem>>, vector<1x50x256xf32>
    %swap3A_190 = vector.shape_cast %swap3A_189 : vector<1x50x256xf32> to vector<50x256xf32>
    %swap3A_191 = vector.shape_cast %slice3A_185 : vector<50x256xf32> to vector<1x50x256xf32>
    tpu.vector_store %arg7[%swap3A_186, %swap3A_187, %swap3A_188], %swap3A_191 {strides = array<i32>} : memref<16x50x1024xf32, #tpu.memory_space<vmem>>, vector<1x50x256xf32>,
    %slice3A_192 = vector.extract_strided_slice %dot_general3A_156 {offsets = [280, 0], sizes = [50, 256], strides = [1, 1]} : vector<896x256xf32> to vector<50x256xf32>
    %swap3A_193 = arith.constant 5 : index
    %swap3A_194 = arith.constant 0 : index
    %swap3A_195 = arith.constant 256 : index
    %swap3A_196 = vector.load %arg7[%swap3A_193, %swap3A_194, %swap3A_195] : memref<16x50x1024xf32, #tpu.memory_space<vmem>>, vector<1x50x256xf32>
    %swap3A_197 = vector.shape_cast %swap3A_196 : vector<1x50x256xf32> to vector<50x256xf32>
    %swap3A_198 = vector.shape_cast %slice3A_192 : vector<50x256xf32> to vector<1x50x256xf32>
    tpu.vector_store %arg7[%swap3A_193, %swap3A_194, %swap3A_195], %swap3A_198 {strides = array<i32>} : memref<16x50x1024xf32, #tpu.memory_space<vmem>>, vector<1x50x256xf32>,
    %slice3A_199 = vector.extract_strided_slice %dot_general3A_156 {offsets = [336, 0], sizes = [50, 256], strides = [1, 1]} : vector<896x256xf32> to vector<50x256xf32>
    %swap3A_200 = arith.constant 6 : index
    %swap3A_201 = arith.constant 0 : index
    %swap3A_202 = arith.constant 256 : index
    %swap3A_203 = vector.load %arg7[%swap3A_200, %swap3A_201, %swap3A_202] : memref<16x50x1024xf32, #tpu.memory_space<vmem>>, vector<1x50x256xf32>
    %swap3A_204 = vector.shape_cast %swap3A_203 : vector<1x50x256xf32> to vector<50x256xf32>
    %swap3A_205 = vector.shape_cast %slice3A_199 : vector<50x256xf32> to vector<1x50x256xf32>
    tpu.vector_store %arg7[%swap3A_200, %swap3A_201, %swap3A_202], %swap3A_205 {strides = array<i32>} : memref<16x50x1024xf32, #tpu.memory_space<vmem>>, vector<1x50x256xf32>,
    %slice3A_206 = vector.extract_strided_slice %dot_general3A_156 {offsets = [392, 0], sizes = [50, 256], strides = [1, 1]} : vector<896x256xf32> to vector<50x256xf32>
    %swap3A_207 = arith.constant 7 : index
    %swap3A_208 = arith.constant 0 : index
    %swap3A_209 = arith.constant 256 : index
    %swap3A_210 = vector.load %arg7[%swap3A_207, %swap3A_208, %swap3A_209] : memref<16x50x1024xf32, #tpu.memory_space<vmem>>, vector<1x50x256xf32>
    %swap3A_211 = vector.shape_cast %swap3A_210 : vector<1x50x256xf32> to vector<50x256xf32>
    %swap3A_212 = vector.shape_cast %slice3A_206 : vector<50x256xf32> to vector<1x50x256xf32>
    tpu.vector_store %arg7[%swap3A_207, %swap3A_208, %swap3A_209], %swap3A_212 {strides = array<i32>} : memref<16x50x1024xf32, #tpu.memory_space<vmem>>, vector<1x50x256xf32>,
    %slice3A_213 = vector.extract_strided_slice %dot_general3A_156 {offsets = [448, 0], sizes = [50, 256], strides = [1, 1]} : vector<896x256xf32> to vector<50x256xf32>
    %swap3A_214 = arith.constant 8 : index
    %swap3A_215 = arith.constant 0 : index
    %swap3A_216 = arith.constant 256 : index
    %swap3A_217 = vector.load %arg7[%swap3A_214, %swap3A_215, %swap3A_216] : memref<16x50x1024xf32, #tpu.memory_space<vmem>>, vector<1x50x256xf32>
    %swap3A_218 = vector.shape_cast %swap3A_217 : vector<1x50x256xf32> to vector<50x256xf32>
    %swap3A_219 = vector.shape_cast %slice3A_213 : vector<50x256xf32> to vector<1x50x256xf32>
    tpu.vector_store %arg7[%swap3A_214, %swap3A_215, %swap3A_216], %swap3A_219 {strides = array<i32>} : memref<16x50x1024xf32, #tpu.memory_space<vmem>>, vector<1x50x256xf32>,
    %slice3A_220 = vector.extract_strided_slice %dot_general3A_156 {offsets = [504, 0], sizes = [50, 256], strides = [1, 1]} : vector<896x256xf32> to vector<50x256xf32>
    %swap3A_221 = arith.constant 9 : index
    %swap3A_222 = arith.constant 0 : index
    %swap3A_223 = arith.constant 256 : index
    %swap3A_224 = vector.load %arg7[%swap3A_221, %swap3A_222, %swap3A_223] : memref<16x50x1024xf32, #tpu.memory_space<vmem>>, vector<1x50x256xf32>
    %swap3A_225 = vector.shape_cast %swap3A_224 : vector<1x50x256xf32> to vector<50x256xf32>
    %swap3A_226 = vector.shape_cast %slice3A_220 : vector<50x256xf32> to vector<1x50x256xf32>
    tpu.vector_store %arg7[%swap3A_221, %swap3A_222, %swap3A_223], %swap3A_226 {strides = array<i32>} : memref<16x50x1024xf32, #tpu.memory_space<vmem>>, vector<1x50x256xf32>,
    %slice3A_227 = vector.extract_strided_slice %dot_general3A_156 {offsets = [560, 0], sizes = [50, 256], strides = [1, 1]} : vector<896x256xf32> to vector<50x256xf32>
    %swap3A_228 = arith.constant 10 : index
    %swap3A_229 = arith.constant 0 : index
    %swap3A_230 = arith.constant 256 : index
    %swap3A_231 = vector.load %arg7[%swap3A_228, %swap3A_229, %swap3A_230] : memref<16x50x1024xf32, #tpu.memory_space<vmem>>, vector<1x50x256xf32>
    %swap3A_232 = vector.shape_cast %swap3A_231 : vector<1x50x256xf32> to vector<50x256xf32>
    %swap3A_233 = vector.shape_cast %slice3A_227 : vector<50x256xf32> to vector<1x50x256xf32>
    tpu.vector_store %arg7[%swap3A_228, %swap3A_229, %swap3A_230], %swap3A_233 {strides = array<i32>} : memref<16x50x1024xf32, #tpu.memory_space<vmem>>, vector<1x50x256xf32>,
    %slice3A_234 = vector.extract_strided_slice %dot_general3A_156 {offsets = [616, 0], sizes = [50, 256], strides = [1, 1]} : vector<896x256xf32> to vector<50x256xf32>
    %swap3A_235 = arith.constant 11 : index
    %swap3A_236 = arith.constant 0 : index
    %swap3A_237 = arith.constant 256 : index
    %swap3A_238 = vector.load %arg7[%swap3A_235, %swap3A_236, %swap3A_237] : memref<16x50x1024xf32, #tpu.memory_space<vmem>>, vector<1x50x256xf32>
    %swap3A_239 = vector.shape_cast %swap3A_238 : vector<1x50x256xf32> to vector<50x256xf32>
    %swap3A_240 = vector.shape_cast %slice3A_234 : vector<50x256xf32> to vector<1x50x256xf32>
    tpu.vector_store %arg7[%swap3A_235, %swap3A_236, %swap3A_237], %swap3A_240 {strides = array<i32>} : memref<16x50x1024xf32, #tpu.memory_space<vmem>>, vector<1x50x256xf32>,
    %slice3A_241 = vector.extract_strided_slice %dot_general3A_156 {offsets = [672, 0], sizes = [50, 256], strides = [1, 1]} : vector<896x256xf32> to vector<50x256xf32>
    %swap3A_242 = arith.constant 12 : index
    %swap3A_243 = arith.constant 0 : index
    %swap3A_244 = arith.constant 256 : index
    %swap3A_245 = vector.load %arg7[%swap3A_242, %swap3A_243, %swap3A_244] : memref<16x50x1024xf32, #tpu.memory_space<vmem>>, vector<1x50x256xf32>
    %swap3A_246 = vector.shape_cast %swap3A_245 : vector<1x50x256xf32> to vector<50x256xf32>
    %swap3A_247 = vector.shape_cast %slice3A_241 : vector<50x256xf32> to vector<1x50x256xf32>
    tpu.vector_store %arg7[%swap3A_242, %swap3A_243, %swap3A_244], %swap3A_247 {strides = array<i32>} : memref<16x50x1024xf32, #tpu.memory_space<vmem>>, vector<1x50x256xf32>,
    %slice3A_248 = vector.extract_strided_slice %dot_general3A_156 {offsets = [728, 0], sizes = [50, 256], strides = [1, 1]} : vector<896x256xf32> to vector<50x256xf32>
    %swap3A_249 = arith.constant 13 : index
    %swap3A_250 = arith.constant 0 : index
    %swap3A_251 = arith.constant 256 : index
    %swap3A_252 = vector.load %arg7[%swap3A_249, %swap3A_250, %swap3A_251] : memref<16x50x1024xf32, #tpu.memory_space<vmem>>, vector<1x50x256xf32>
    %swap3A_253 = vector.shape_cast %swap3A_252 : vector<1x50x256xf32> to vector<50x256xf32>
    %swap3A_254 = vector.shape_cast %slice3A_248 : vector<50x256xf32> to vector<1x50x256xf32>
    tpu.vector_store %arg7[%swap3A_249, %swap3A_250, %swap3A_251], %swap3A_254 {strides = array<i32>} : memref<16x50x1024xf32, #tpu.memory_space<vmem>>, vector<1x50x256xf32>,
    %slice3A_255 = vector.extract_strided_slice %dot_general3A_156 {offsets = [784, 0], sizes = [50, 256], strides = [1, 1]} : vector<896x256xf32> to vector<50x256xf32>
    %swap3A_256 = arith.constant 14 : index
    %swap3A_257 = arith.constant 0 : index
    %swap3A_258 = arith.constant 256 : index
    %swap3A_259 = vector.load %arg7[%swap3A_256, %swap3A_257, %swap3A_258] : memref<16x50x1024xf32, #tpu.memory_space<vmem>>, vector<1x50x256xf32>
    %swap3A_260 = vector.shape_cast %swap3A_259 : vector<1x50x256xf32> to vector<50x256xf32>
    %swap3A_261 = vector.shape_cast %slice3A_255 : vector<50x256xf32> to vector<1x50x256xf32>
    tpu.vector_store %arg7[%swap3A_256, %swap3A_257, %swap3A_258], %swap3A_261 {strides = array<i32>} : memref<16x50x1024xf32, #tpu.memory_space<vmem>>, vector<1x50x256xf32>,
    %slice3A_262 = vector.extract_strided_slice %dot_general3A_156 {offsets = [840, 0], sizes = [50, 256], strides = [1, 1]} : vector<896x256xf32> to vector<50x256xf32>
    %swap3A_263 = arith.constant 15 : index
    %swap3A_264 = arith.constant 0 : index
    %swap3A_265 = arith.constant 256 : index
    %swap3A_266 = vector.load %arg7[%swap3A_263, %swap3A_264, %swap3A_265] : memref<16x50x1024xf32, #tpu.memory_space<vmem>>, vector<1x50x256xf32>
    %swap3A_267 = vector.shape_cast %swap3A_266 : vector<1x50x256xf32> to vector<50x256xf32>
    %swap3A_268 = vector.shape_cast %slice3A_262 : vector<50x256xf32> to vector<1x50x256xf32>
    tpu.vector_store %arg7[%swap3A_263, %swap3A_264, %swap3A_265], %swap3A_268 {strides = array<i32>} : memref<16x50x1024xf32, #tpu.memory_space<vmem>>, vector<1x50x256xf32>,
    %concatenate3A_269 = tpu.concatenate %min3A_16, %broadcast_in_dim3A_25 in 1 : vector<16x50x1xi32>, vector<16x6x1xi32> -> vector<16x56x1xi32>
    %eq3A_270 = vector.broadcast %concatenate3A_269 : vector<16x56x1xi32> to vector<16x56x1000xi32>
    %eq3A_271 = arith.cmpi eq, %eq3A_270, %iota3A : vector<16x56x1000xi32>
    %convert_element_type3A_272 = arith.extui %eq3A_271 : vector<16x56x1000xi1> to vector<16x56x1000xi32>
    %convert_element_type3A_273 = arith.sitofp %convert_element_type3A_272 : vector<16x56x1000xi32> to vector<16x56x1000xf32>
    %convert_element_type3A_274 = arith.truncf %convert_element_type3A_273 : vector<16x56x1000xf32> to vector<16x56x1000xbf16>
    %reshape3A_275 = vector.shape_cast %convert_element_type3A_274 : vector<16x56x1000xbf16> to vector<896x1000xbf16>
    %get3A_276 = arith.constant 0 : index
    %get3A_277 = arith.constant 0 : index
    %get3A_278 = vector.load %arg5[%get3A_276, %get3A_277] : memref<1000x256xbf16, #tpu.memory_space<vmem>>, vector<1000x256xbf16>
    %dot_general3A_279 = arith.constant dense<0.000000e+00> : vector<896x256xf32>
    %dot_general3A_280 = tpu.matmul %reshape3A_275, %get3A_278, %dot_general3A_279 {dimension_numbers = #tpu.dot_dimension_numbers<[1], [0], [0], [1], [0, 0, 1, 1], [], []>, transpose_lhs_hint = false} : vector<896x1000xbf16>, vector<1000x256xbf16>, vector<896x256xf32> -> vector<896x256xf32>
    %slice3A_281 = vector.extract_strided_slice %dot_general3A_280 {offsets = [0, 0], sizes = [50, 256], strides = [1, 1]} : vector<896x256xf32> to vector<50x256xf32>
    %swap3A_282 = arith.constant 0 : index
    %swap3A_283 = arith.constant 0 : index
    %swap3A_284 = arith.constant 512 : index
    %swap3A_285 = vector.load %arg7[%swap3A_282, %swap3A_283, %swap3A_284] : memref<16x50x1024xf32, #tpu.memory_space<vmem>>, vector<1x50x256xf32>
    %swap3A_286 = vector.shape_cast %swap3A_285 : vector<1x50x256xf32> to vector<50x256xf32>
    %swap3A_287 = vector.shape_cast %slice3A_281 : vector<50x256xf32> to vector<1x50x256xf32>
    tpu.vector_store %arg7[%swap3A_282, %swap3A_283, %swap3A_284], %swap3A_287 {strides = array<i32>} : memref<16x50x1024xf32, #tpu.memory_space<vmem>>, vector<1x50x256xf32>,
    %slice3A_288 = vector.extract_strided_slice %dot_general3A_280 {offsets = [56, 0], sizes = [50, 256], strides = [1, 1]} : vector<896x256xf32> to vector<50x256xf32>
    %swap3A_289 = arith.constant 1 : index
    %swap3A_290 = arith.constant 0 : index
    %swap3A_291 = arith.constant 512 : index
    %swap3A_292 = vector.load %arg7[%swap3A_289, %swap3A_290, %swap3A_291] : memref<16x50x1024xf32, #tpu.memory_space<vmem>>, vector<1x50x256xf32>
    %swap3A_293 = vector.shape_cast %swap3A_292 : vector<1x50x256xf32> to vector<50x256xf32>
    %swap3A_294 = vector.shape_cast %slice3A_288 : vector<50x256xf32> to vector<1x50x256xf32>
    tpu.vector_store %arg7[%swap3A_289, %swap3A_290, %swap3A_291], %swap3A_294 {strides = array<i32>} : memref<16x50x1024xf32, #tpu.memory_space<vmem>>, vector<1x50x256xf32>,
    %slice3A_295 = vector.extract_strided_slice %dot_general3A_280 {offsets = [112, 0], sizes = [50, 256], strides = [1, 1]} : vector<896x256xf32> to vector<50x256xf32>
    %swap3A_296 = arith.constant 2 : index
    %swap3A_297 = arith.constant 0 : index
    %swap3A_298 = arith.constant 512 : index
    %swap3A_299 = vector.load %arg7[%swap3A_296, %swap3A_297, %swap3A_298] : memref<16x50x1024xf32, #tpu.memory_space<vmem>>, vector<1x50x256xf32>
    %swap3A_300 = vector.shape_cast %swap3A_299 : vector<1x50x256xf32> to vector<50x256xf32>
    %swap3A_301 = vector.shape_cast %slice3A_295 : vector<50x256xf32> to vector<1x50x256xf32>
    tpu.vector_store %arg7[%swap3A_296, %swap3A_297, %swap3A_298], %swap3A_301 {strides = array<i32>} : memref<16x50x1024xf32, #tpu.memory_space<vmem>>, vector<1x50x256xf32>,
    %slice3A_302 = vector.extract_strided_slice %dot_general3A_280 {offsets = [168, 0], sizes = [50, 256], strides = [1, 1]} : vector<896x256xf32> to vector<50x256xf32>
    %swap3A_303 = arith.constant 3 : index
    %swap3A_304 = arith.constant 0 : index
    %swap3A_305 = arith.constant 512 : index
    %swap3A_306 = vector.load %arg7[%swap3A_303, %swap3A_304, %swap3A_305] : memref<16x50x1024xf32, #tpu.memory_space<vmem>>, vector<1x50x256xf32>
    %swap3A_307 = vector.shape_cast %swap3A_306 : vector<1x50x256xf32> to vector<50x256xf32>
    %swap3A_308 = vector.shape_cast %slice3A_302 : vector<50x256xf32> to vector<1x50x256xf32>
    tpu.vector_store %arg7[%swap3A_303, %swap3A_304, %swap3A_305], %swap3A_308 {strides = array<i32>} : memref<16x50x1024xf32, #tpu.memory_space<vmem>>, vector<1x50x256xf32>,
    %slice3A_309 = vector.extract_strided_slice %dot_general3A_280 {offsets = [224, 0], sizes = [50, 256], strides = [1, 1]} : vector<896x256xf32> to vector<50x256xf32>
    %swap3A_310 = arith.constant 4 : index
    %swap3A_311 = arith.constant 0 : index
    %swap3A_312 = arith.constant 512 : index
    %swap3A_313 = vector.load %arg7[%swap3A_310, %swap3A_311, %swap3A_312] : memref<16x50x1024xf32, #tpu.memory_space<vmem>>, vector<1x50x256xf32>
    %swap3A_314 = vector.shape_cast %swap3A_313 : vector<1x50x256xf32> to vector<50x256xf32>
    %swap3A_315 = vector.shape_cast %slice3A_309 : vector<50x256xf32> to vector<1x50x256xf32>
    tpu.vector_store %arg7[%swap3A_310, %swap3A_311, %swap3A_312], %swap3A_315 {strides = array<i32>} : memref<16x50x1024xf32, #tpu.memory_space<vmem>>, vector<1x50x256xf32>,
    %slice3A_316 = vector.extract_strided_slice %dot_general3A_280 {offsets = [280, 0], sizes = [50, 256], strides = [1, 1]} : vector<896x256xf32> to vector<50x256xf32>
    %swap3A_317 = arith.constant 5 : index
    %swap3A_318 = arith.constant 0 : index
    %swap3A_319 = arith.constant 512 : index
    %swap3A_320 = vector.load %arg7[%swap3A_317, %swap3A_318, %swap3A_319] : memref<16x50x1024xf32, #tpu.memory_space<vmem>>, vector<1x50x256xf32>
    %swap3A_321 = vector.shape_cast %swap3A_320 : vector<1x50x256xf32> to vector<50x256xf32>
    %swap3A_322 = vector.shape_cast %slice3A_316 : vector<50x256xf32> to vector<1x50x256xf32>
    tpu.vector_store %arg7[%swap3A_317, %swap3A_318, %swap3A_319], %swap3A_322 {strides = array<i32>} : memref<16x50x1024xf32, #tpu.memory_space<vmem>>, vector<1x50x256xf32>,
    %slice3A_323 = vector.extract_strided_slice %dot_general3A_280 {offsets = [336, 0], sizes = [50, 256], strides = [1, 1]} : vector<896x256xf32> to vector<50x256xf32>
    %swap3A_324 = arith.constant 6 : index
    %swap3A_325 = arith.constant 0 : index
    %swap3A_326 = arith.constant 512 : index
    %swap3A_327 = vector.load %arg7[%swap3A_324, %swap3A_325, %swap3A_326] : memref<16x50x1024xf32, #tpu.memory_space<vmem>>, vector<1x50x256xf32>
    %swap3A_328 = vector.shape_cast %swap3A_327 : vector<1x50x256xf32> to vector<50x256xf32>
    %swap3A_329 = vector.shape_cast %slice3A_323 : vector<50x256xf32> to vector<1x50x256xf32>
    tpu.vector_store %arg7[%swap3A_324, %swap3A_325, %swap3A_326], %swap3A_329 {strides = array<i32>} : memref<16x50x1024xf32, #tpu.memory_space<vmem>>, vector<1x50x256xf32>,
    %slice3A_330 = vector.extract_strided_slice %dot_general3A_280 {offsets = [392, 0], sizes = [50, 256], strides = [1, 1]} : vector<896x256xf32> to vector<50x256xf32>
    %swap3A_331 = arith.constant 7 : index
    %swap3A_332 = arith.constant 0 : index
    %swap3A_333 = arith.constant 512 : index
    %swap3A_334 = vector.load %arg7[%swap3A_331, %swap3A_332, %swap3A_333] : memref<16x50x1024xf32, #tpu.memory_space<vmem>>, vector<1x50x256xf32>
    %swap3A_335 = vector.shape_cast %swap3A_334 : vector<1x50x256xf32> to vector<50x256xf32>
    %swap3A_336 = vector.shape_cast %slice3A_330 : vector<50x256xf32> to vector<1x50x256xf32>
    tpu.vector_store %arg7[%swap3A_331, %swap3A_332, %swap3A_333], %swap3A_336 {strides = array<i32>} : memref<16x50x1024xf32, #tpu.memory_space<vmem>>, vector<1x50x256xf32>,
    %slice3A_337 = vector.extract_strided_slice %dot_general3A_280 {offsets = [448, 0], sizes = [50, 256], strides = [1, 1]} : vector<896x256xf32> to vector<50x256xf32>
    %swap3A_338 = arith.constant 8 : index
    %swap3A_339 = arith.constant 0 : index
    %swap3A_340 = arith.constant 512 : index
    %swap3A_341 = vector.load %arg7[%swap3A_338, %swap3A_339, %swap3A_340] : memref<16x50x1024xf32, #tpu.memory_space<vmem>>, vector<1x50x256xf32>
    %swap3A_342 = vector.shape_cast %swap3A_341 : vector<1x50x256xf32> to vector<50x256xf32>
    %swap3A_343 = vector.shape_cast %slice3A_337 : vector<50x256xf32> to vector<1x50x256xf32>
    tpu.vector_store %arg7[%swap3A_338, %swap3A_339, %swap3A_340], %swap3A_343 {strides = array<i32>} : memref<16x50x1024xf32, #tpu.memory_space<vmem>>, vector<1x50x256xf32>,
    %slice3A_344 = vector.extract_strided_slice %dot_general3A_280 {offsets = [504, 0], sizes = [50, 256], strides = [1, 1]} : vector<896x256xf32> to vector<50x256xf32>
    %swap3A_345 = arith.constant 9 : index
    %swap3A_346 = arith.constant 0 : index
    %swap3A_347 = arith.constant 512 : index
    %swap3A_348 = vector.load %arg7[%swap3A_345, %swap3A_346, %swap3A_347] : memref<16x50x1024xf32, #tpu.memory_space<vmem>>, vector<1x50x256xf32>
    %swap3A_349 = vector.shape_cast %swap3A_348 : vector<1x50x256xf32> to vector<50x256xf32>
    %swap3A_350 = vector.shape_cast %slice3A_344 : vector<50x256xf32> to vector<1x50x256xf32>
    tpu.vector_store %arg7[%swap3A_345, %swap3A_346, %swap3A_347], %swap3A_350 {strides = array<i32>} : memref<16x50x1024xf32, #tpu.memory_space<vmem>>, vector<1x50x256xf32>,
    %slice3A_351 = vector.extract_strided_slice %dot_general3A_280 {offsets = [560, 0], sizes = [50, 256], strides = [1, 1]} : vector<896x256xf32> to vector<50x256xf32>
    %swap3A_352 = arith.constant 10 : index
    %swap3A_353 = arith.constant 0 : index
    %swap3A_354 = arith.constant 512 : index
    %swap3A_355 = vector.load %arg7[%swap3A_352, %swap3A_353, %swap3A_354] : memref<16x50x1024xf32, #tpu.memory_space<vmem>>, vector<1x50x256xf32>
    %swap3A_356 = vector.shape_cast %swap3A_355 : vector<1x50x256xf32> to vector<50x256xf32>
    %swap3A_357 = vector.shape_cast %slice3A_351 : vector<50x256xf32> to vector<1x50x256xf32>
    tpu.vector_store %arg7[%swap3A_352, %swap3A_353, %swap3A_354], %swap3A_357 {strides = array<i32>} : memref<16x50x1024xf32, #tpu.memory_space<vmem>>, vector<1x50x256xf32>,
    %slice3A_358 = vector.extract_strided_slice %dot_general3A_280 {offsets = [616, 0], sizes = [50, 256], strides = [1, 1]} : vector<896x256xf32> to vector<50x256xf32>
    %swap3A_359 = arith.constant 11 : index
    %swap3A_360 = arith.constant 0 : index
    %swap3A_361 = arith.constant 512 : index
    %swap3A_362 = vector.load %arg7[%swap3A_359, %swap3A_360, %swap3A_361] : memref<16x50x1024xf32, #tpu.memory_space<vmem>>, vector<1x50x256xf32>
    %swap3A_363 = vector.shape_cast %swap3A_362 : vector<1x50x256xf32> to vector<50x256xf32>
    %swap3A_364 = vector.shape_cast %slice3A_358 : vector<50x256xf32> to vector<1x50x256xf32>
    tpu.vector_store %arg7[%swap3A_359, %swap3A_360, %swap3A_361], %swap3A_364 {strides = array<i32>} : memref<16x50x1024xf32, #tpu.memory_space<vmem>>, vector<1x50x256xf32>,
    %slice3A_365 = vector.extract_strided_slice %dot_general3A_280 {offsets = [672, 0], sizes = [50, 256], strides = [1, 1]} : vector<896x256xf32> to vector<50x256xf32>
    %swap3A_366 = arith.constant 12 : index
    %swap3A_367 = arith.constant 0 : index
    %swap3A_368 = arith.constant 512 : index
    %swap3A_369 = vector.load %arg7[%swap3A_366, %swap3A_367, %swap3A_368] : memref<16x50x1024xf32, #tpu.memory_space<vmem>>, vector<1x50x256xf32>
    %swap3A_370 = vector.shape_cast %swap3A_369 : vector<1x50x256xf32> to vector<50x256xf32>
    %swap3A_371 = vector.shape_cast %slice3A_365 : vector<50x256xf32> to vector<1x50x256xf32>
    tpu.vector_store %arg7[%swap3A_366, %swap3A_367, %swap3A_368], %swap3A_371 {strides = array<i32>} : memref<16x50x1024xf32, #tpu.memory_space<vmem>>, vector<1x50x256xf32>,
    %slice3A_372 = vector.extract_strided_slice %dot_general3A_280 {offsets = [728, 0], sizes = [50, 256], strides = [1, 1]} : vector<896x256xf32> to vector<50x256xf32>
    %swap3A_373 = arith.constant 13 : index
    %swap3A_374 = arith.constant 0 : index
    %swap3A_375 = arith.constant 512 : index
    %swap3A_376 = vector.load %arg7[%swap3A_373, %swap3A_374, %swap3A_375] : memref<16x50x1024xf32, #tpu.memory_space<vmem>>, vector<1x50x256xf32>
    %swap3A_377 = vector.shape_cast %swap3A_376 : vector<1x50x256xf32> to vector<50x256xf32>
    %swap3A_378 = vector.shape_cast %slice3A_372 : vector<50x256xf32> to vector<1x50x256xf32>
    tpu.vector_store %arg7[%swap3A_373, %swap3A_374, %swap3A_375], %swap3A_378 {strides = array<i32>} : memref<16x50x1024xf32, #tpu.memory_space<vmem>>, vector<1x50x256xf32>,
    %slice3A_379 = vector.extract_strided_slice %dot_general3A_280 {offsets = [784, 0], sizes = [50, 256], strides = [1, 1]} : vector<896x256xf32> to vector<50x256xf32>
    %swap3A_380 = arith.constant 14 : index
    %swap3A_381 = arith.constant 0 : index
    %swap3A_382 = arith.constant 512 : index
    %swap3A_383 = vector.load %arg7[%swap3A_380, %swap3A_381, %swap3A_382] : memref<16x50x1024xf32, #tpu.memory_space<vmem>>, vector<1x50x256xf32>
    %swap3A_384 = vector.shape_cast %swap3A_383 : vector<1x50x256xf32> to vector<50x256xf32>
    %swap3A_385 = vector.shape_cast %slice3A_379 : vector<50x256xf32> to vector<1x50x256xf32>
    tpu.vector_store %arg7[%swap3A_380, %swap3A_381, %swap3A_382], %swap3A_385 {strides = array<i32>} : memref<16x50x1024xf32, #tpu.memory_space<vmem>>, vector<1x50x256xf32>,
    %slice3A_386 = vector.extract_strided_slice %dot_general3A_280 {offsets = [840, 0], sizes = [50, 256], strides = [1, 1]} : vector<896x256xf32> to vector<50x256xf32>
    %swap3A_387 = arith.constant 15 : index
    %swap3A_388 = arith.constant 0 : index
    %swap3A_389 = arith.constant 512 : index
    %swap3A_390 = vector.load %arg7[%swap3A_387, %swap3A_388, %swap3A_389] : memref<16x50x1024xf32, #tpu.memory_space<vmem>>, vector<1x50x256xf32>
    %swap3A_391 = vector.shape_cast %swap3A_390 : vector<1x50x256xf32> to vector<50x256xf32>
    %swap3A_392 = vector.shape_cast %slice3A_386 : vector<50x256xf32> to vector<1x50x256xf32>
    tpu.vector_store %arg7[%swap3A_387, %swap3A_388, %swap3A_389], %swap3A_392 {strides = array<i32>} : memref<16x50x1024xf32, #tpu.memory_space<vmem>>, vector<1x50x256xf32>,
    %concatenate3A_393 = tpu.concatenate %min3A_24, %broadcast_in_dim3A_25 in 1 : vector<16x50x1xi32>, vector<16x6x1xi32> -> vector<16x56x1xi32>
    %eq3A_394 = vector.broadcast %concatenate3A_393 : vector<16x56x1xi32> to vector<16x56x1000xi32>
    %eq3A_395 = arith.cmpi eq, %eq3A_394, %iota3A : vector<16x56x1000xi32>
    %convert_element_type3A_396 = arith.extui %eq3A_395 : vector<16x56x1000xi1> to vector<16x56x1000xi32>
    %convert_element_type3A_397 = arith.sitofp %convert_element_type3A_396 : vector<16x56x1000xi32> to vector<16x56x1000xf32>
    %convert_element_type3A_398 = arith.truncf %convert_element_type3A_397 : vector<16x56x1000xf32> to vector<16x56x1000xbf16>
    %reshape3A_399 = vector.shape_cast %convert_element_type3A_398 : vector<16x56x1000xbf16> to vector<896x1000xbf16>
    %get3A_400 = arith.constant 0 : index
    %get3A_401 = arith.constant 0 : index
    %get3A_402 = vector.load %arg6[%get3A_400, %get3A_401] : memref<1000x256xbf16, #tpu.memory_space<vmem>>, vector<1000x256xbf16>
    %dot_general3A_403 = arith.constant dense<0.000000e+00> : vector<896x256xf32>
    %dot_general3A_404 = tpu.matmul %reshape3A_399, %get3A_402, %dot_general3A_403 {dimension_numbers = #tpu.dot_dimension_numbers<[1], [0], [0], [1], [0, 0, 1, 1], [], []>, transpose_lhs_hint = false} : vector<896x1000xbf16>, vector<1000x256xbf16>, vector<896x256xf32> -> vector<896x256xf32>
    %slice3A_405 = vector.extract_strided_slice %dot_general3A_404 {offsets = [0, 0], sizes = [50, 256], strides = [1, 1]} : vector<896x256xf32> to vector<50x256xf32>
    %swap3A_406 = arith.constant 0 : index
    %swap3A_407 = arith.constant 0 : index
    %swap3A_408 = arith.constant 768 : index
    %swap3A_409 = vector.load %arg7[%swap3A_406, %swap3A_407, %swap3A_408] : memref<16x50x1024xf32, #tpu.memory_space<vmem>>, vector<1x50x256xf32>
    %swap3A_410 = vector.shape_cast %swap3A_409 : vector<1x50x256xf32> to vector<50x256xf32>
    %swap3A_411 = vector.shape_cast %slice3A_405 : vector<50x256xf32> to vector<1x50x256xf32>
    tpu.vector_store %arg7[%swap3A_406, %swap3A_407, %swap3A_408], %swap3A_411 {strides = array<i32>} : memref<16x50x1024xf32, #tpu.memory_space<vmem>>, vector<1x50x256xf32>,
    %slice3A_412 = vector.extract_strided_slice %dot_general3A_404 {offsets = [56, 0], sizes = [50, 256], strides = [1, 1]} : vector<896x256xf32> to vector<50x256xf32>
    %swap3A_413 = arith.constant 1 : index
    %swap3A_414 = arith.constant 0 : index
    %swap3A_415 = arith.constant 768 : index
    %swap3A_416 = vector.load %arg7[%swap3A_413, %swap3A_414, %swap3A_415] : memref<16x50x1024xf32, #tpu.memory_space<vmem>>, vector<1x50x256xf32>
    %swap3A_417 = vector.shape_cast %swap3A_416 : vector<1x50x256xf32> to vector<50x256xf32>
    %swap3A_418 = vector.shape_cast %slice3A_412 : vector<50x256xf32> to vector<1x50x256xf32>
    tpu.vector_store %arg7[%swap3A_413, %swap3A_414, %swap3A_415], %swap3A_418 {strides = array<i32>} : memref<16x50x1024xf32, #tpu.memory_space<vmem>>, vector<1x50x256xf32>,
    %slice3A_419 = vector.extract_strided_slice %dot_general3A_404 {offsets = [112, 0], sizes = [50, 256], strides = [1, 1]} : vector<896x256xf32> to vector<50x256xf32>
    %swap3A_420 = arith.constant 2 : index
    %swap3A_421 = arith.constant 0 : index
    %swap3A_422 = arith.constant 768 : index
    %swap3A_423 = vector.load %arg7[%swap3A_420, %swap3A_421, %swap3A_422] : memref<16x50x1024xf32, #tpu.memory_space<vmem>>, vector<1x50x256xf32>
    %swap3A_424 = vector.shape_cast %swap3A_423 : vector<1x50x256xf32> to vector<50x256xf32>
    %swap3A_425 = vector.shape_cast %slice3A_419 : vector<50x256xf32> to vector<1x50x256xf32>
    tpu.vector_store %arg7[%swap3A_420, %swap3A_421, %swap3A_422], %swap3A_425 {strides = array<i32>} : memref<16x50x1024xf32, #tpu.memory_space<vmem>>, vector<1x50x256xf32>,
    %slice3A_426 = vector.extract_strided_slice %dot_general3A_404 {offsets = [168, 0], sizes = [50, 256], strides = [1, 1]} : vector<896x256xf32> to vector<50x256xf32>
    %swap3A_427 = arith.constant 3 : index
    %swap3A_428 = arith.constant 0 : index
    %swap3A_429 = arith.constant 768 : index
    %swap3A_430 = vector.load %arg7[%swap3A_427, %swap3A_428, %swap3A_429] : memref<16x50x1024xf32, #tpu.memory_space<vmem>>, vector<1x50x256xf32>
    %swap3A_431 = vector.shape_cast %swap3A_430 : vector<1x50x256xf32> to vector<50x256xf32>
    %swap3A_432 = vector.shape_cast %slice3A_426 : vector<50x256xf32> to vector<1x50x256xf32>
    tpu.vector_store %arg7[%swap3A_427, %swap3A_428, %swap3A_429], %swap3A_432 {strides = array<i32>} : memref<16x50x1024xf32, #tpu.memory_space<vmem>>, vector<1x50x256xf32>,
    %slice3A_433 = vector.extract_strided_slice %dot_general3A_404 {offsets = [224, 0], sizes = [50, 256], strides = [1, 1]} : vector<896x256xf32> to vector<50x256xf32>
    %swap3A_434 = arith.constant 4 : index
    %swap3A_435 = arith.constant 0 : index
    %swap3A_436 = arith.constant 768 : index
    %swap3A_437 = vector.load %arg7[%swap3A_434, %swap3A_435, %swap3A_436] : memref<16x50x1024xf32, #tpu.memory_space<vmem>>, vector<1x50x256xf32>
    %swap3A_438 = vector.shape_cast %swap3A_437 : vector<1x50x256xf32> to vector<50x256xf32>
    %swap3A_439 = vector.shape_cast %slice3A_433 : vector<50x256xf32> to vector<1x50x256xf32>
    tpu.vector_store %arg7[%swap3A_434, %swap3A_435, %swap3A_436], %swap3A_439 {strides = array<i32>} : memref<16x50x1024xf32, #tpu.memory_space<vmem>>, vector<1x50x256xf32>,
    %slice3A_440 = vector.extract_strided_slice %dot_general3A_404 {offsets = [280, 0], sizes = [50, 256], strides = [1, 1]} : vector<896x256xf32> to vector<50x256xf32>
    %swap3A_441 = arith.constant 5 : index
    %swap3A_442 = arith.constant 0 : index
    %swap3A_443 = arith.constant 768 : index
    %swap3A_444 = vector.load %arg7[%swap3A_441, %swap3A_442, %swap3A_443] : memref<16x50x1024xf32, #tpu.memory_space<vmem>>, vector<1x50x256xf32>
    %swap3A_445 = vector.shape_cast %swap3A_444 : vector<1x50x256xf32> to vector<50x256xf32>
    %swap3A_446 = vector.shape_cast %slice3A_440 : vector<50x256xf32> to vector<1x50x256xf32>
    tpu.vector_store %arg7[%swap3A_441, %swap3A_442, %swap3A_443], %swap3A_446 {strides = array<i32>} : memref<16x50x1024xf32, #tpu.memory_space<vmem>>, vector<1x50x256xf32>,
    %slice3A_447 = vector.extract_strided_slice %dot_general3A_404 {offsets = [336, 0], sizes = [50, 256], strides = [1, 1]} : vector<896x256xf32> to vector<50x256xf32>
    %swap3A_448 = arith.constant 6 : index
    %swap3A_449 = arith.constant 0 : index
    %swap3A_450 = arith.constant 768 : index
    %swap3A_451 = vector.load %arg7[%swap3A_448, %swap3A_449, %swap3A_450] : memref<16x50x1024xf32, #tpu.memory_space<vmem>>, vector<1x50x256xf32>
    %swap3A_452 = vector.shape_cast %swap3A_451 : vector<1x50x256xf32> to vector<50x256xf32>
    %swap3A_453 = vector.shape_cast %slice3A_447 : vector<50x256xf32> to vector<1x50x256xf32>
    tpu.vector_store %arg7[%swap3A_448, %swap3A_449, %swap3A_450], %swap3A_453 {strides = array<i32>} : memref<16x50x1024xf32, #tpu.memory_space<vmem>>, vector<1x50x256xf32>,
    %slice3A_454 = vector.extract_strided_slice %dot_general3A_404 {offsets = [392, 0], sizes = [50, 256], strides = [1, 1]} : vector<896x256xf32> to vector<50x256xf32>
    %swap3A_455 = arith.constant 7 : index
    %swap3A_456 = arith.constant 0 : index
    %swap3A_457 = arith.constant 768 : index
    %swap3A_458 = vector.load %arg7[%swap3A_455, %swap3A_456, %swap3A_457] : memref<16x50x1024xf32, #tpu.memory_space<vmem>>, vector<1x50x256xf32>
    %swap3A_459 = vector.shape_cast %swap3A_458 : vector<1x50x256xf32> to vector<50x256xf32>
    %swap3A_460 = vector.shape_cast %slice3A_454 : vector<50x256xf32> to vector<1x50x256xf32>
    tpu.vector_store %arg7[%swap3A_455, %swap3A_456, %swap3A_457], %swap3A_460 {strides = array<i32>} : memref<16x50x1024xf32, #tpu.memory_space<vmem>>, vector<1x50x256xf32>,
    %slice3A_461 = vector.extract_strided_slice %dot_general3A_404 {offsets = [448, 0], sizes = [50, 256], strides = [1, 1]} : vector<896x256xf32> to vector<50x256xf32>
    %swap3A_462 = arith.constant 8 : index
    %swap3A_463 = arith.constant 0 : index
    %swap3A_464 = arith.constant 768 : index
    %swap3A_465 = vector.load %arg7[%swap3A_462, %swap3A_463, %swap3A_464] : memref<16x50x1024xf32, #tpu.memory_space<vmem>>, vector<1x50x256xf32>
    %swap3A_466 = vector.shape_cast %swap3A_465 : vector<1x50x256xf32> to vector<50x256xf32>
    %swap3A_467 = vector.shape_cast %slice3A_461 : vector<50x256xf32> to vector<1x50x256xf32>
    tpu.vector_store %arg7[%swap3A_462, %swap3A_463, %swap3A_464], %swap3A_467 {strides = array<i32>} : memref<16x50x1024xf32, #tpu.memory_space<vmem>>, vector<1x50x256xf32>,
    %slice3A_468 = vector.extract_strided_slice %dot_general3A_404 {offsets = [504, 0], sizes = [50, 256], strides = [1, 1]} : vector<896x256xf32> to vector<50x256xf32>
    %swap3A_469 = arith.constant 9 : index
    %swap3A_470 = arith.constant 0 : index
    %swap3A_471 = arith.constant 768 : index
    %swap3A_472 = vector.load %arg7[%swap3A_469, %swap3A_470, %swap3A_471] : memref<16x50x1024xf32, #tpu.memory_space<vmem>>, vector<1x50x256xf32>
    %swap3A_473 = vector.shape_cast %swap3A_472 : vector<1x50x256xf32> to vector<50x256xf32>
    %swap3A_474 = vector.shape_cast %slice3A_468 : vector<50x256xf32> to vector<1x50x256xf32>
    tpu.vector_store %arg7[%swap3A_469, %swap3A_470, %swap3A_471], %swap3A_474 {strides = array<i32>} : memref<16x50x1024xf32, #tpu.memory_space<vmem>>, vector<1x50x256xf32>,
    %slice3A_475 = vector.extract_strided_slice %dot_general3A_404 {offsets = [560, 0], sizes = [50, 256], strides = [1, 1]} : vector<896x256xf32> to vector<50x256xf32>
    %swap3A_476 = arith.constant 10 : index
    %swap3A_477 = arith.constant 0 : index
    %swap3A_478 = arith.constant 768 : index
    %swap3A_479 = vector.load %arg7[%swap3A_476, %swap3A_477, %swap3A_478] : memref<16x50x1024xf32, #tpu.memory_space<vmem>>, vector<1x50x256xf32>
    %swap3A_480 = vector.shape_cast %swap3A_479 : vector<1x50x256xf32> to vector<50x256xf32>
    %swap3A_481 = vector.shape_cast %slice3A_475 : vector<50x256xf32> to vector<1x50x256xf32>
    tpu.vector_store %arg7[%swap3A_476, %swap3A_477, %swap3A_478], %swap3A_481 {strides = array<i32>} : memref<16x50x1024xf32, #tpu.memory_space<vmem>>, vector<1x50x256xf32>,
    %slice3A_482 = vector.extract_strided_slice %dot_general3A_404 {offsets = [616, 0], sizes = [50, 256], strides = [1, 1]} : vector<896x256xf32> to vector<50x256xf32>
    %swap3A_483 = arith.constant 11 : index
    %swap3A_484 = arith.constant 0 : index
    %swap3A_485 = arith.constant 768 : index
    %swap3A_486 = vector.load %arg7[%swap3A_483, %swap3A_484, %swap3A_485] : memref<16x50x1024xf32, #tpu.memory_space<vmem>>, vector<1x50x256xf32>
    %swap3A_487 = vector.shape_cast %swap3A_486 : vector<1x50x256xf32> to vector<50x256xf32>
    %swap3A_488 = vector.shape_cast %slice3A_482 : vector<50x256xf32> to vector<1x50x256xf32>
    tpu.vector_store %arg7[%swap3A_483, %swap3A_484, %swap3A_485], %swap3A_488 {strides = array<i32>} : memref<16x50x1024xf32, #tpu.memory_space<vmem>>, vector<1x50x256xf32>,
    %slice3A_489 = vector.extract_strided_slice %dot_general3A_404 {offsets = [672, 0], sizes = [50, 256], strides = [1, 1]} : vector<896x256xf32> to vector<50x256xf32>
    %swap3A_490 = arith.constant 12 : index
    %swap3A_491 = arith.constant 0 : index
    %swap3A_492 = arith.constant 768 : index
    %swap3A_493 = vector.load %arg7[%swap3A_490, %swap3A_491, %swap3A_492] : memref<16x50x1024xf32, #tpu.memory_space<vmem>>, vector<1x50x256xf32>
    %swap3A_494 = vector.shape_cast %swap3A_493 : vector<1x50x256xf32> to vector<50x256xf32>
    %swap3A_495 = vector.shape_cast %slice3A_489 : vector<50x256xf32> to vector<1x50x256xf32>
    tpu.vector_store %arg7[%swap3A_490, %swap3A_491, %swap3A_492], %swap3A_495 {strides = array<i32>} : memref<16x50x1024xf32, #tpu.memory_space<vmem>>, vector<1x50x256xf32>,
    %slice3A_496 = vector.extract_strided_slice %dot_general3A_404 {offsets = [728, 0], sizes = [50, 256], strides = [1, 1]} : vector<896x256xf32> to vector<50x256xf32>
    %swap3A_497 = arith.constant 13 : index
    %swap3A_498 = arith.constant 0 : index
    %swap3A_499 = arith.constant 768 : index
    %swap3A_500 = vector.load %arg7[%swap3A_497, %swap3A_498, %swap3A_499] : memref<16x50x1024xf32, #tpu.memory_space<vmem>>, vector<1x50x256xf32>
    %swap3A_501 = vector.shape_cast %swap3A_500 : vector<1x50x256xf32> to vector<50x256xf32>
    %swap3A_502 = vector.shape_cast %slice3A_496 : vector<50x256xf32> to vector<1x50x256xf32>
    tpu.vector_store %arg7[%swap3A_497, %swap3A_498, %swap3A_499], %swap3A_502 {strides = array<i32>} : memref<16x50x1024xf32, #tpu.memory_space<vmem>>, vector<1x50x256xf32>,
    %slice3A_503 = vector.extract_strided_slice %dot_general3A_404 {offsets = [784, 0], sizes = [50, 256], strides = [1, 1]} : vector<896x256xf32> to vector<50x256xf32>
    %swap3A_504 = arith.constant 14 : index
    %swap3A_505 = arith.constant 0 : index
    %swap3A_506 = arith.constant 768 : index
    %swap3A_507 = vector.load %arg7[%swap3A_504, %swap3A_505, %swap3A_506] : memref<16x50x1024xf32, #tpu.memory_space<vmem>>, vector<1x50x256xf32>
    %swap3A_508 = vector.shape_cast %swap3A_507 : vector<1x50x256xf32> to vector<50x256xf32>
    %swap3A_509 = vector.shape_cast %slice3A_503 : vector<50x256xf32> to vector<1x50x256xf32>
    tpu.vector_store %arg7[%swap3A_504, %swap3A_505, %swap3A_506], %swap3A_509 {strides = array<i32>} : memref<16x50x1024xf32, #tpu.memory_space<vmem>>, vector<1x50x256xf32>,
    %slice3A_510 = vector.extract_strided_slice %dot_general3A_404 {offsets = [840, 0], sizes = [50, 256], strides = [1, 1]} : vector<896x256xf32> to vector<50x256xf32>
    %swap3A_511 = arith.constant 15 : index
    %swap3A_512 = arith.constant 0 : index
    %swap3A_513 = arith.constant 768 : index
    %swap3A_514 = vector.load %arg7[%swap3A_511, %swap3A_512, %swap3A_513] : memref<16x50x1024xf32, #tpu.memory_space<vmem>>, vector<1x50x256xf32>
    %swap3A_515 = vector.shape_cast %swap3A_514 : vector<1x50x256xf32> to vector<50x256xf32>
    %swap3A_516 = vector.shape_cast %slice3A_510 : vector<50x256xf32> to vector<1x50x256xf32>
    tpu.vector_store %arg7[%swap3A_511, %swap3A_512, %swap3A_513], %swap3A_516 {strides = array<i32>} : memref<16x50x1024xf32, #tpu.memory_space<vmem>>, vector<1x50x256xf32>,
    return
  }
  func.func @transform_0(%arg0: i32) -> i32 {
    %c0_i32 = arith.constant 0 : i32
    %c0_i32_0 = arith.constant 0 : i32
    return %c0_i32 : i32
  }
  func.func @transform_1(%arg0: i32) -> (i32, i32, i32) {
    %add3A = arith.constant 8 : i32
    %add3A_0 = arith.addi %arg0, %add3A : i32
    %c0_i32 = arith.constant 0 : i32
    %c0_i32_1 = arith.constant 0 : i32
    %c0_i32_2 = arith.constant 0 : i32
    return %add3A_0, %c0_i32, %c0_i32_1 : i32, i32, i32
  }
  func.func @transform_2(%arg0: i32) -> (i32, i32) {
    %c0_i32 = arith.constant 0 : i32
    %c0_i32_0 = arith.constant 0 : i32
    %c0_i32_1 = arith.constant 0 : i32
    return %c0_i32, %c0_i32_0 : i32, i32
  }
  func.func @transform_3(%arg0: i32) -> (i32, i32) {
    %c0_i32 = arith.constant 0 : i32
    %c0_i32_0 = arith.constant 0 : i32
    %c0_i32_1 = arith.constant 0 : i32
    return %c0_i32, %c0_i32_0 : i32, i32
  }
  func.func @transform_4(%arg0: i32) -> (i32, i32) {
    %c0_i32 = arith.constant 0 : i32
    %c0_i32_0 = arith.constant 0 : i32
    %c0_i32_1 = arith.constant 0 : i32
    return %c0_i32, %c0_i32_0 : i32, i32
  }
  func.func @transform_5(%arg0: i32) -> (i32, i32) {
    %c0_i32 = arith.constant 0 : i32
    %c0_i32_0 = arith.constant 0 : i32
    %c0_i32_1 = arith.constant 0 : i32
    return %c0_i32, %c0_i32_0 : i32, i32
  }
  func.func @transform_6(%arg0: i32) -> (i32, i32, i32) {
    %add3A = arith.constant 8 : i32
    %add3A_0 = arith.addi %arg0, %add3A : i32
    %c0_i32 = arith.constant 0 : i32
    %c0_i32_1 = arith.constant 0 : i32
    %c0_i32_2 = arith.constant 0 : i32
    return %add3A_0, %c0_i32, %c0_i32_1 : i32, i32, i32
  }
}

module attributes {stable_mosaic.version = 14 : i64} {
  func.func @_merge_body(%arg0: i32, %arg1: memref<4x800x256xf32, #tpu.memory_space<vmem>>, %arg2: memref<1024x50x1024xf32, #tpu.memory_space<any>>, %arg3: memref<16x50x1024xf32, #tpu.memory_space<vmem>>) attributes {dimension_semantics = [#tpu.dimension_semantics<arbitrary>], iteration_bounds = array<i64: 8>, scalar_prefetch = 0 : i64, scratch_operands = 0 : i64, tpu.core_type = #tpu.core_type<tc>, window_params = [{transform_indices = @transform_0, window_bounds = array<i64: 4, 800, 256>}, {}, {transform_indices = @transform_2, window_bounds = array<i64: 16, 50, 1024>}]} {
    %get3A = arith.constant 0 : index
    %get3A_0 = arith.constant 0 : index
    %get3A_1 = arith.constant 0 : index
    %get3A_2 = vector.load %arg1[%get3A, %get3A_0, %get3A_1] : memref<4x800x256xf32, #tpu.memory_space<vmem>>, vector<1x50x256xf32>
    %get3A_3 = vector.shape_cast %get3A_2 : vector<1x50x256xf32> to vector<50x256xf32>
    %swap3A = arith.constant 0 : index
    %swap3A_4 = arith.constant 0 : index
    %swap3A_5 = arith.constant 0 : index
    %swap3A_6 = vector.load %arg3[%swap3A, %swap3A_4, %swap3A_5] : memref<16x50x1024xf32, #tpu.memory_space<vmem>>, vector<1x50x256xf32>
    %swap3A_7 = vector.shape_cast %swap3A_6 : vector<1x50x256xf32> to vector<50x256xf32>
    %swap3A_8 = vector.shape_cast %get3A_3 : vector<50x256xf32> to vector<1x50x256xf32>
    tpu.vector_store %arg3[%swap3A, %swap3A_4, %swap3A_5], %swap3A_8 {strides = array<i32>} : memref<16x50x1024xf32, #tpu.memory_space<vmem>>, vector<1x50x256xf32>,
    %get3A_9 = arith.constant 1 : index
    %get3A_10 = arith.constant 0 : index
    %get3A_11 = arith.constant 0 : index
    %get3A_12 = vector.load %arg1[%get3A_9, %get3A_10, %get3A_11] : memref<4x800x256xf32, #tpu.memory_space<vmem>>, vector<1x50x256xf32>
    %get3A_13 = vector.shape_cast %get3A_12 : vector<1x50x256xf32> to vector<50x256xf32>
    %swap3A_14 = arith.constant 0 : index
    %swap3A_15 = arith.constant 0 : index
    %swap3A_16 = arith.constant 256 : index
    %swap3A_17 = vector.load %arg3[%swap3A_14, %swap3A_15, %swap3A_16] : memref<16x50x1024xf32, #tpu.memory_space<vmem>>, vector<1x50x256xf32>
    %swap3A_18 = vector.shape_cast %swap3A_17 : vector<1x50x256xf32> to vector<50x256xf32>
    %swap3A_19 = vector.shape_cast %get3A_13 : vector<50x256xf32> to vector<1x50x256xf32>
    tpu.vector_store %arg3[%swap3A_14, %swap3A_15, %swap3A_16], %swap3A_19 {strides = array<i32>} : memref<16x50x1024xf32, #tpu.memory_space<vmem>>, vector<1x50x256xf32>,
    %get3A_20 = arith.constant 2 : index
    %get3A_21 = arith.constant 0 : index
    %get3A_22 = arith.constant 0 : index
    %get3A_23 = vector.load %arg1[%get3A_20, %get3A_21, %get3A_22] : memref<4x800x256xf32, #tpu.memory_space<vmem>>, vector<1x50x256xf32>
    %get3A_24 = vector.shape_cast %get3A_23 : vector<1x50x256xf32> to vector<50x256xf32>
    %swap3A_25 = arith.constant 0 : index
    %swap3A_26 = arith.constant 0 : index
    %swap3A_27 = arith.constant 512 : index
    %swap3A_28 = vector.load %arg3[%swap3A_25, %swap3A_26, %swap3A_27] : memref<16x50x1024xf32, #tpu.memory_space<vmem>>, vector<1x50x256xf32>
    %swap3A_29 = vector.shape_cast %swap3A_28 : vector<1x50x256xf32> to vector<50x256xf32>
    %swap3A_30 = vector.shape_cast %get3A_24 : vector<50x256xf32> to vector<1x50x256xf32>
    tpu.vector_store %arg3[%swap3A_25, %swap3A_26, %swap3A_27], %swap3A_30 {strides = array<i32>} : memref<16x50x1024xf32, #tpu.memory_space<vmem>>, vector<1x50x256xf32>,
    %get3A_31 = arith.constant 3 : index
    %get3A_32 = arith.constant 0 : index
    %get3A_33 = arith.constant 0 : index
    %get3A_34 = vector.load %arg1[%get3A_31, %get3A_32, %get3A_33] : memref<4x800x256xf32, #tpu.memory_space<vmem>>, vector<1x50x256xf32>
    %get3A_35 = vector.shape_cast %get3A_34 : vector<1x50x256xf32> to vector<50x256xf32>
    %swap3A_36 = arith.constant 0 : index
    %swap3A_37 = arith.constant 0 : index
    %swap3A_38 = arith.constant 768 : index
    %swap3A_39 = vector.load %arg3[%swap3A_36, %swap3A_37, %swap3A_38] : memref<16x50x1024xf32, #tpu.memory_space<vmem>>, vector<1x50x256xf32>
    %swap3A_40 = vector.shape_cast %swap3A_39 : vector<1x50x256xf32> to vector<50x256xf32>
    %swap3A_41 = vector.shape_cast %get3A_35 : vector<50x256xf32> to vector<1x50x256xf32>
    tpu.vector_store %arg3[%swap3A_36, %swap3A_37, %swap3A_38], %swap3A_41 {strides = array<i32>} : memref<16x50x1024xf32, #tpu.memory_space<vmem>>, vector<1x50x256xf32>,
    %get3A_42 = arith.constant 0 : index
    %get3A_43 = arith.constant 50 : index
    %get3A_44 = arith.constant 0 : index
    %get3A_45 = vector.load %arg1[%get3A_42, %get3A_43, %get3A_44] : memref<4x800x256xf32, #tpu.memory_space<vmem>>, vector<1x50x256xf32>
    %get3A_46 = vector.shape_cast %get3A_45 : vector<1x50x256xf32> to vector<50x256xf32>
    %swap3A_47 = arith.constant 1 : index
    %swap3A_48 = arith.constant 0 : index
    %swap3A_49 = arith.constant 0 : index
    %swap3A_50 = vector.load %arg3[%swap3A_47, %swap3A_48, %swap3A_49] : memref<16x50x1024xf32, #tpu.memory_space<vmem>>, vector<1x50x256xf32>
    %swap3A_51 = vector.shape_cast %swap3A_50 : vector<1x50x256xf32> to vector<50x256xf32>
    %swap3A_52 = vector.shape_cast %get3A_46 : vector<50x256xf32> to vector<1x50x256xf32>
    tpu.vector_store %arg3[%swap3A_47, %swap3A_48, %swap3A_49], %swap3A_52 {strides = array<i32>} : memref<16x50x1024xf32, #tpu.memory_space<vmem>>, vector<1x50x256xf32>,
    %get3A_53 = arith.constant 1 : index
    %get3A_54 = arith.constant 50 : index
    %get3A_55 = arith.constant 0 : index
    %get3A_56 = vector.load %arg1[%get3A_53, %get3A_54, %get3A_55] : memref<4x800x256xf32, #tpu.memory_space<vmem>>, vector<1x50x256xf32>
    %get3A_57 = vector.shape_cast %get3A_56 : vector<1x50x256xf32> to vector<50x256xf32>
    %swap3A_58 = arith.constant 1 : index
    %swap3A_59 = arith.constant 0 : index
    %swap3A_60 = arith.constant 256 : index
    %swap3A_61 = vector.load %arg3[%swap3A_58, %swap3A_59, %swap3A_60] : memref<16x50x1024xf32, #tpu.memory_space<vmem>>, vector<1x50x256xf32>
    %swap3A_62 = vector.shape_cast %swap3A_61 : vector<1x50x256xf32> to vector<50x256xf32>
    %swap3A_63 = vector.shape_cast %get3A_57 : vector<50x256xf32> to vector<1x50x256xf32>
    tpu.vector_store %arg3[%swap3A_58, %swap3A_59, %swap3A_60], %swap3A_63 {strides = array<i32>} : memref<16x50x1024xf32, #tpu.memory_space<vmem>>, vector<1x50x256xf32>,
    %get3A_64 = arith.constant 2 : index
    %get3A_65 = arith.constant 50 : index
    %get3A_66 = arith.constant 0 : index
    %get3A_67 = vector.load %arg1[%get3A_64, %get3A_65, %get3A_66] : memref<4x800x256xf32, #tpu.memory_space<vmem>>, vector<1x50x256xf32>
    %get3A_68 = vector.shape_cast %get3A_67 : vector<1x50x256xf32> to vector<50x256xf32>
    %swap3A_69 = arith.constant 1 : index
    %swap3A_70 = arith.constant 0 : index
    %swap3A_71 = arith.constant 512 : index
    %swap3A_72 = vector.load %arg3[%swap3A_69, %swap3A_70, %swap3A_71] : memref<16x50x1024xf32, #tpu.memory_space<vmem>>, vector<1x50x256xf32>
    %swap3A_73 = vector.shape_cast %swap3A_72 : vector<1x50x256xf32> to vector<50x256xf32>
    %swap3A_74 = vector.shape_cast %get3A_68 : vector<50x256xf32> to vector<1x50x256xf32>
    tpu.vector_store %arg3[%swap3A_69, %swap3A_70, %swap3A_71], %swap3A_74 {strides = array<i32>} : memref<16x50x1024xf32, #tpu.memory_space<vmem>>, vector<1x50x256xf32>,
    %get3A_75 = arith.constant 3 : index
    %get3A_76 = arith.constant 50 : index
    %get3A_77 = arith.constant 0 : index
    %get3A_78 = vector.load %arg1[%get3A_75, %get3A_76, %get3A_77] : memref<4x800x256xf32, #tpu.memory_space<vmem>>, vector<1x50x256xf32>
    %get3A_79 = vector.shape_cast %get3A_78 : vector<1x50x256xf32> to vector<50x256xf32>
    %swap3A_80 = arith.constant 1 : index
    %swap3A_81 = arith.constant 0 : index
    %swap3A_82 = arith.constant 768 : index
    %swap3A_83 = vector.load %arg3[%swap3A_80, %swap3A_81, %swap3A_82] : memref<16x50x1024xf32, #tpu.memory_space<vmem>>, vector<1x50x256xf32>
    %swap3A_84 = vector.shape_cast %swap3A_83 : vector<1x50x256xf32> to vector<50x256xf32>
    %swap3A_85 = vector.shape_cast %get3A_79 : vector<50x256xf32> to vector<1x50x256xf32>
    tpu.vector_store %arg3[%swap3A_80, %swap3A_81, %swap3A_82], %swap3A_85 {strides = array<i32>} : memref<16x50x1024xf32, #tpu.memory_space<vmem>>, vector<1x50x256xf32>,
    %get3A_86 = arith.constant 0 : index
    %get3A_87 = arith.constant 100 : index
    %get3A_88 = arith.constant 0 : index
    %get3A_89 = vector.load %arg1[%get3A_86, %get3A_87, %get3A_88] : memref<4x800x256xf32, #tpu.memory_space<vmem>>, vector<1x50x256xf32>
    %get3A_90 = vector.shape_cast %get3A_89 : vector<1x50x256xf32> to vector<50x256xf32>
    %swap3A_91 = arith.constant 2 : index
    %swap3A_92 = arith.constant 0 : index
    %swap3A_93 = arith.constant 0 : index
    %swap3A_94 = vector.load %arg3[%swap3A_91, %swap3A_92, %swap3A_93] : memref<16x50x1024xf32, #tpu.memory_space<vmem>>, vector<1x50x256xf32>
    %swap3A_95 = vector.shape_cast %swap3A_94 : vector<1x50x256xf32> to vector<50x256xf32>
    %swap3A_96 = vector.shape_cast %get3A_90 : vector<50x256xf32> to vector<1x50x256xf32>
    tpu.vector_store %arg3[%swap3A_91, %swap3A_92, %swap3A_93], %swap3A_96 {strides = array<i32>} : memref<16x50x1024xf32, #tpu.memory_space<vmem>>, vector<1x50x256xf32>,
    %get3A_97 = arith.constant 1 : index
    %get3A_98 = arith.constant 100 : index
    %get3A_99 = arith.constant 0 : index
    %get3A_100 = vector.load %arg1[%get3A_97, %get3A_98, %get3A_99] : memref<4x800x256xf32, #tpu.memory_space<vmem>>, vector<1x50x256xf32>
    %get3A_101 = vector.shape_cast %get3A_100 : vector<1x50x256xf32> to vector<50x256xf32>
    %swap3A_102 = arith.constant 2 : index
    %swap3A_103 = arith.constant 0 : index
    %swap3A_104 = arith.constant 256 : index
    %swap3A_105 = vector.load %arg3[%swap3A_102, %swap3A_103, %swap3A_104] : memref<16x50x1024xf32, #tpu.memory_space<vmem>>, vector<1x50x256xf32>
    %swap3A_106 = vector.shape_cast %swap3A_105 : vector<1x50x256xf32> to vector<50x256xf32>
    %swap3A_107 = vector.shape_cast %get3A_101 : vector<50x256xf32> to vector<1x50x256xf32>
    tpu.vector_store %arg3[%swap3A_102, %swap3A_103, %swap3A_104], %swap3A_107 {strides = array<i32>} : memref<16x50x1024xf32, #tpu.memory_space<vmem>>, vector<1x50x256xf32>,
    %get3A_108 = arith.constant 2 : index
    %get3A_109 = arith.constant 100 : index
    %get3A_110 = arith.constant 0 : index
    %get3A_111 = vector.load %arg1[%get3A_108, %get3A_109, %get3A_110] : memref<4x800x256xf32, #tpu.memory_space<vmem>>, vector<1x50x256xf32>
    %get3A_112 = vector.shape_cast %get3A_111 : vector<1x50x256xf32> to vector<50x256xf32>
    %swap3A_113 = arith.constant 2 : index
    %swap3A_114 = arith.constant 0 : index
    %swap3A_115 = arith.constant 512 : index
    %swap3A_116 = vector.load %arg3[%swap3A_113, %swap3A_114, %swap3A_115] : memref<16x50x1024xf32, #tpu.memory_space<vmem>>, vector<1x50x256xf32>
    %swap3A_117 = vector.shape_cast %swap3A_116 : vector<1x50x256xf32> to vector<50x256xf32>
    %swap3A_118 = vector.shape_cast %get3A_112 : vector<50x256xf32> to vector<1x50x256xf32>
    tpu.vector_store %arg3[%swap3A_113, %swap3A_114, %swap3A_115], %swap3A_118 {strides = array<i32>} : memref<16x50x1024xf32, #tpu.memory_space<vmem>>, vector<1x50x256xf32>,
    %get3A_119 = arith.constant 3 : index
    %get3A_120 = arith.constant 100 : index
    %get3A_121 = arith.constant 0 : index
    %get3A_122 = vector.load %arg1[%get3A_119, %get3A_120, %get3A_121] : memref<4x800x256xf32, #tpu.memory_space<vmem>>, vector<1x50x256xf32>
    %get3A_123 = vector.shape_cast %get3A_122 : vector<1x50x256xf32> to vector<50x256xf32>
    %swap3A_124 = arith.constant 2 : index
    %swap3A_125 = arith.constant 0 : index
    %swap3A_126 = arith.constant 768 : index
    %swap3A_127 = vector.load %arg3[%swap3A_124, %swap3A_125, %swap3A_126] : memref<16x50x1024xf32, #tpu.memory_space<vmem>>, vector<1x50x256xf32>
    %swap3A_128 = vector.shape_cast %swap3A_127 : vector<1x50x256xf32> to vector<50x256xf32>
    %swap3A_129 = vector.shape_cast %get3A_123 : vector<50x256xf32> to vector<1x50x256xf32>
    tpu.vector_store %arg3[%swap3A_124, %swap3A_125, %swap3A_126], %swap3A_129 {strides = array<i32>} : memref<16x50x1024xf32, #tpu.memory_space<vmem>>, vector<1x50x256xf32>,
    %get3A_130 = arith.constant 0 : index
    %get3A_131 = arith.constant 150 : index
    %get3A_132 = arith.constant 0 : index
    %get3A_133 = vector.load %arg1[%get3A_130, %get3A_131, %get3A_132] : memref<4x800x256xf32, #tpu.memory_space<vmem>>, vector<1x50x256xf32>
    %get3A_134 = vector.shape_cast %get3A_133 : vector<1x50x256xf32> to vector<50x256xf32>
    %swap3A_135 = arith.constant 3 : index
    %swap3A_136 = arith.constant 0 : index
    %swap3A_137 = arith.constant 0 : index
    %swap3A_138 = vector.load %arg3[%swap3A_135, %swap3A_136, %swap3A_137] : memref<16x50x1024xf32, #tpu.memory_space<vmem>>, vector<1x50x256xf32>
    %swap3A_139 = vector.shape_cast %swap3A_138 : vector<1x50x256xf32> to vector<50x256xf32>
    %swap3A_140 = vector.shape_cast %get3A_134 : vector<50x256xf32> to vector<1x50x256xf32>
    tpu.vector_store %arg3[%swap3A_135, %swap3A_136, %swap3A_137], %swap3A_140 {strides = array<i32>} : memref<16x50x1024xf32, #tpu.memory_space<vmem>>, vector<1x50x256xf32>,
    %get3A_141 = arith.constant 1 : index
    %get3A_142 = arith.constant 150 : index
    %get3A_143 = arith.constant 0 : index
    %get3A_144 = vector.load %arg1[%get3A_141, %get3A_142, %get3A_143] : memref<4x800x256xf32, #tpu.memory_space<vmem>>, vector<1x50x256xf32>
    %get3A_145 = vector.shape_cast %get3A_144 : vector<1x50x256xf32> to vector<50x256xf32>
    %swap3A_146 = arith.constant 3 : index
    %swap3A_147 = arith.constant 0 : index
    %swap3A_148 = arith.constant 256 : index
    %swap3A_149 = vector.load %arg3[%swap3A_146, %swap3A_147, %swap3A_148] : memref<16x50x1024xf32, #tpu.memory_space<vmem>>, vector<1x50x256xf32>
    %swap3A_150 = vector.shape_cast %swap3A_149 : vector<1x50x256xf32> to vector<50x256xf32>
    %swap3A_151 = vector.shape_cast %get3A_145 : vector<50x256xf32> to vector<1x50x256xf32>
    tpu.vector_store %arg3[%swap3A_146, %swap3A_147, %swap3A_148], %swap3A_151 {strides = array<i32>} : memref<16x50x1024xf32, #tpu.memory_space<vmem>>, vector<1x50x256xf32>,
    %get3A_152 = arith.constant 2 : index
    %get3A_153 = arith.constant 150 : index
    %get3A_154 = arith.constant 0 : index
    %get3A_155 = vector.load %arg1[%get3A_152, %get3A_153, %get3A_154] : memref<4x800x256xf32, #tpu.memory_space<vmem>>, vector<1x50x256xf32>
    %get3A_156 = vector.shape_cast %get3A_155 : vector<1x50x256xf32> to vector<50x256xf32>
    %swap3A_157 = arith.constant 3 : index
    %swap3A_158 = arith.constant 0 : index
    %swap3A_159 = arith.constant 512 : index
    %swap3A_160 = vector.load %arg3[%swap3A_157, %swap3A_158, %swap3A_159] : memref<16x50x1024xf32, #tpu.memory_space<vmem>>, vector<1x50x256xf32>
    %swap3A_161 = vector.shape_cast %swap3A_160 : vector<1x50x256xf32> to vector<50x256xf32>
    %swap3A_162 = vector.shape_cast %get3A_156 : vector<50x256xf32> to vector<1x50x256xf32>
    tpu.vector_store %arg3[%swap3A_157, %swap3A_158, %swap3A_159], %swap3A_162 {strides = array<i32>} : memref<16x50x1024xf32, #tpu.memory_space<vmem>>, vector<1x50x256xf32>,
    %get3A_163 = arith.constant 3 : index
    %get3A_164 = arith.constant 150 : index
    %get3A_165 = arith.constant 0 : index
    %get3A_166 = vector.load %arg1[%get3A_163, %get3A_164, %get3A_165] : memref<4x800x256xf32, #tpu.memory_space<vmem>>, vector<1x50x256xf32>
    %get3A_167 = vector.shape_cast %get3A_166 : vector<1x50x256xf32> to vector<50x256xf32>
    %swap3A_168 = arith.constant 3 : index
    %swap3A_169 = arith.constant 0 : index
    %swap3A_170 = arith.constant 768 : index
    %swap3A_171 = vector.load %arg3[%swap3A_168, %swap3A_169, %swap3A_170] : memref<16x50x1024xf32, #tpu.memory_space<vmem>>, vector<1x50x256xf32>
    %swap3A_172 = vector.shape_cast %swap3A_171 : vector<1x50x256xf32> to vector<50x256xf32>
    %swap3A_173 = vector.shape_cast %get3A_167 : vector<50x256xf32> to vector<1x50x256xf32>
    tpu.vector_store %arg3[%swap3A_168, %swap3A_169, %swap3A_170], %swap3A_173 {strides = array<i32>} : memref<16x50x1024xf32, #tpu.memory_space<vmem>>, vector<1x50x256xf32>,
    %get3A_174 = arith.constant 0 : index
    %get3A_175 = arith.constant 200 : index
    %get3A_176 = arith.constant 0 : index
    %get3A_177 = vector.load %arg1[%get3A_174, %get3A_175, %get3A_176] : memref<4x800x256xf32, #tpu.memory_space<vmem>>, vector<1x50x256xf32>
    %get3A_178 = vector.shape_cast %get3A_177 : vector<1x50x256xf32> to vector<50x256xf32>
    %swap3A_179 = arith.constant 4 : index
    %swap3A_180 = arith.constant 0 : index
    %swap3A_181 = arith.constant 0 : index
    %swap3A_182 = vector.load %arg3[%swap3A_179, %swap3A_180, %swap3A_181] : memref<16x50x1024xf32, #tpu.memory_space<vmem>>, vector<1x50x256xf32>
    %swap3A_183 = vector.shape_cast %swap3A_182 : vector<1x50x256xf32> to vector<50x256xf32>
    %swap3A_184 = vector.shape_cast %get3A_178 : vector<50x256xf32> to vector<1x50x256xf32>
    tpu.vector_store %arg3[%swap3A_179, %swap3A_180, %swap3A_181], %swap3A_184 {strides = array<i32>} : memref<16x50x1024xf32, #tpu.memory_space<vmem>>, vector<1x50x256xf32>,
    %get3A_185 = arith.constant 1 : index
    %get3A_186 = arith.constant 200 : index
    %get3A_187 = arith.constant 0 : index
    %get3A_188 = vector.load %arg1[%get3A_185, %get3A_186, %get3A_187] : memref<4x800x256xf32, #tpu.memory_space<vmem>>, vector<1x50x256xf32>
    %get3A_189 = vector.shape_cast %get3A_188 : vector<1x50x256xf32> to vector<50x256xf32>
    %swap3A_190 = arith.constant 4 : index
    %swap3A_191 = arith.constant 0 : index
    %swap3A_192 = arith.constant 256 : index
    %swap3A_193 = vector.load %arg3[%swap3A_190, %swap3A_191, %swap3A_192] : memref<16x50x1024xf32, #tpu.memory_space<vmem>>, vector<1x50x256xf32>
    %swap3A_194 = vector.shape_cast %swap3A_193 : vector<1x50x256xf32> to vector<50x256xf32>
    %swap3A_195 = vector.shape_cast %get3A_189 : vector<50x256xf32> to vector<1x50x256xf32>
    tpu.vector_store %arg3[%swap3A_190, %swap3A_191, %swap3A_192], %swap3A_195 {strides = array<i32>} : memref<16x50x1024xf32, #tpu.memory_space<vmem>>, vector<1x50x256xf32>,
    %get3A_196 = arith.constant 2 : index
    %get3A_197 = arith.constant 200 : index
    %get3A_198 = arith.constant 0 : index
    %get3A_199 = vector.load %arg1[%get3A_196, %get3A_197, %get3A_198] : memref<4x800x256xf32, #tpu.memory_space<vmem>>, vector<1x50x256xf32>
    %get3A_200 = vector.shape_cast %get3A_199 : vector<1x50x256xf32> to vector<50x256xf32>
    %swap3A_201 = arith.constant 4 : index
    %swap3A_202 = arith.constant 0 : index
    %swap3A_203 = arith.constant 512 : index
    %swap3A_204 = vector.load %arg3[%swap3A_201, %swap3A_202, %swap3A_203] : memref<16x50x1024xf32, #tpu.memory_space<vmem>>, vector<1x50x256xf32>
    %swap3A_205 = vector.shape_cast %swap3A_204 : vector<1x50x256xf32> to vector<50x256xf32>
    %swap3A_206 = vector.shape_cast %get3A_200 : vector<50x256xf32> to vector<1x50x256xf32>
    tpu.vector_store %arg3[%swap3A_201, %swap3A_202, %swap3A_203], %swap3A_206 {strides = array<i32>} : memref<16x50x1024xf32, #tpu.memory_space<vmem>>, vector<1x50x256xf32>,
    %get3A_207 = arith.constant 3 : index
    %get3A_208 = arith.constant 200 : index
    %get3A_209 = arith.constant 0 : index
    %get3A_210 = vector.load %arg1[%get3A_207, %get3A_208, %get3A_209] : memref<4x800x256xf32, #tpu.memory_space<vmem>>, vector<1x50x256xf32>
    %get3A_211 = vector.shape_cast %get3A_210 : vector<1x50x256xf32> to vector<50x256xf32>
    %swap3A_212 = arith.constant 4 : index
    %swap3A_213 = arith.constant 0 : index
    %swap3A_214 = arith.constant 768 : index
    %swap3A_215 = vector.load %arg3[%swap3A_212, %swap3A_213, %swap3A_214] : memref<16x50x1024xf32, #tpu.memory_space<vmem>>, vector<1x50x256xf32>
    %swap3A_216 = vector.shape_cast %swap3A_215 : vector<1x50x256xf32> to vector<50x256xf32>
    %swap3A_217 = vector.shape_cast %get3A_211 : vector<50x256xf32> to vector<1x50x256xf32>
    tpu.vector_store %arg3[%swap3A_212, %swap3A_213, %swap3A_214], %swap3A_217 {strides = array<i32>} : memref<16x50x1024xf32, #tpu.memory_space<vmem>>, vector<1x50x256xf32>,
    %get3A_218 = arith.constant 0 : index
    %get3A_219 = arith.constant 250 : index
    %get3A_220 = arith.constant 0 : index
    %get3A_221 = vector.load %arg1[%get3A_218, %get3A_219, %get3A_220] : memref<4x800x256xf32, #tpu.memory_space<vmem>>, vector<1x50x256xf32>
    %get3A_222 = vector.shape_cast %get3A_221 : vector<1x50x256xf32> to vector<50x256xf32>
    %swap3A_223 = arith.constant 5 : index
    %swap3A_224 = arith.constant 0 : index
    %swap3A_225 = arith.constant 0 : index
    %swap3A_226 = vector.load %arg3[%swap3A_223, %swap3A_224, %swap3A_225] : memref<16x50x1024xf32, #tpu.memory_space<vmem>>, vector<1x50x256xf32>
    %swap3A_227 = vector.shape_cast %swap3A_226 : vector<1x50x256xf32> to vector<50x256xf32>
    %swap3A_228 = vector.shape_cast %get3A_222 : vector<50x256xf32> to vector<1x50x256xf32>
    tpu.vector_store %arg3[%swap3A_223, %swap3A_224, %swap3A_225], %swap3A_228 {strides = array<i32>} : memref<16x50x1024xf32, #tpu.memory_space<vmem>>, vector<1x50x256xf32>,
    %get3A_229 = arith.constant 1 : index
    %get3A_230 = arith.constant 250 : index
    %get3A_231 = arith.constant 0 : index
    %get3A_232 = vector.load %arg1[%get3A_229, %get3A_230, %get3A_231] : memref<4x800x256xf32, #tpu.memory_space<vmem>>, vector<1x50x256xf32>
    %get3A_233 = vector.shape_cast %get3A_232 : vector<1x50x256xf32> to vector<50x256xf32>
    %swap3A_234 = arith.constant 5 : index
    %swap3A_235 = arith.constant 0 : index
    %swap3A_236 = arith.constant 256 : index
    %swap3A_237 = vector.load %arg3[%swap3A_234, %swap3A_235, %swap3A_236] : memref<16x50x1024xf32, #tpu.memory_space<vmem>>, vector<1x50x256xf32>
    %swap3A_238 = vector.shape_cast %swap3A_237 : vector<1x50x256xf32> to vector<50x256xf32>
    %swap3A_239 = vector.shape_cast %get3A_233 : vector<50x256xf32> to vector<1x50x256xf32>
    tpu.vector_store %arg3[%swap3A_234, %swap3A_235, %swap3A_236], %swap3A_239 {strides = array<i32>} : memref<16x50x1024xf32, #tpu.memory_space<vmem>>, vector<1x50x256xf32>,
    %get3A_240 = arith.constant 2 : index
    %get3A_241 = arith.constant 250 : index
    %get3A_242 = arith.constant 0 : index
    %get3A_243 = vector.load %arg1[%get3A_240, %get3A_241, %get3A_242] : memref<4x800x256xf32, #tpu.memory_space<vmem>>, vector<1x50x256xf32>
    %get3A_244 = vector.shape_cast %get3A_243 : vector<1x50x256xf32> to vector<50x256xf32>
    %swap3A_245 = arith.constant 5 : index
    %swap3A_246 = arith.constant 0 : index
    %swap3A_247 = arith.constant 512 : index
    %swap3A_248 = vector.load %arg3[%swap3A_245, %swap3A_246, %swap3A_247] : memref<16x50x1024xf32, #tpu.memory_space<vmem>>, vector<1x50x256xf32>
    %swap3A_249 = vector.shape_cast %swap3A_248 : vector<1x50x256xf32> to vector<50x256xf32>
    %swap3A_250 = vector.shape_cast %get3A_244 : vector<50x256xf32> to vector<1x50x256xf32>
    tpu.vector_store %arg3[%swap3A_245, %swap3A_246, %swap3A_247], %swap3A_250 {strides = array<i32>} : memref<16x50x1024xf32, #tpu.memory_space<vmem>>, vector<1x50x256xf32>,
    %get3A_251 = arith.constant 3 : index
    %get3A_252 = arith.constant 250 : index
    %get3A_253 = arith.constant 0 : index
    %get3A_254 = vector.load %arg1[%get3A_251, %get3A_252, %get3A_253] : memref<4x800x256xf32, #tpu.memory_space<vmem>>, vector<1x50x256xf32>
    %get3A_255 = vector.shape_cast %get3A_254 : vector<1x50x256xf32> to vector<50x256xf32>
    %swap3A_256 = arith.constant 5 : index
    %swap3A_257 = arith.constant 0 : index
    %swap3A_258 = arith.constant 768 : index
    %swap3A_259 = vector.load %arg3[%swap3A_256, %swap3A_257, %swap3A_258] : memref<16x50x1024xf32, #tpu.memory_space<vmem>>, vector<1x50x256xf32>
    %swap3A_260 = vector.shape_cast %swap3A_259 : vector<1x50x256xf32> to vector<50x256xf32>
    %swap3A_261 = vector.shape_cast %get3A_255 : vector<50x256xf32> to vector<1x50x256xf32>
    tpu.vector_store %arg3[%swap3A_256, %swap3A_257, %swap3A_258], %swap3A_261 {strides = array<i32>} : memref<16x50x1024xf32, #tpu.memory_space<vmem>>, vector<1x50x256xf32>,
    %get3A_262 = arith.constant 0 : index
    %get3A_263 = arith.constant 300 : index
    %get3A_264 = arith.constant 0 : index
    %get3A_265 = vector.load %arg1[%get3A_262, %get3A_263, %get3A_264] : memref<4x800x256xf32, #tpu.memory_space<vmem>>, vector<1x50x256xf32>
    %get3A_266 = vector.shape_cast %get3A_265 : vector<1x50x256xf32> to vector<50x256xf32>
    %swap3A_267 = arith.constant 6 : index
    %swap3A_268 = arith.constant 0 : index
    %swap3A_269 = arith.constant 0 : index
    %swap3A_270 = vector.load %arg3[%swap3A_267, %swap3A_268, %swap3A_269] : memref<16x50x1024xf32, #tpu.memory_space<vmem>>, vector<1x50x256xf32>
    %swap3A_271 = vector.shape_cast %swap3A_270 : vector<1x50x256xf32> to vector<50x256xf32>
    %swap3A_272 = vector.shape_cast %get3A_266 : vector<50x256xf32> to vector<1x50x256xf32>
    tpu.vector_store %arg3[%swap3A_267, %swap3A_268, %swap3A_269], %swap3A_272 {strides = array<i32>} : memref<16x50x1024xf32, #tpu.memory_space<vmem>>, vector<1x50x256xf32>,
    %get3A_273 = arith.constant 1 : index
    %get3A_274 = arith.constant 300 : index
    %get3A_275 = arith.constant 0 : index
    %get3A_276 = vector.load %arg1[%get3A_273, %get3A_274, %get3A_275] : memref<4x800x256xf32, #tpu.memory_space<vmem>>, vector<1x50x256xf32>
    %get3A_277 = vector.shape_cast %get3A_276 : vector<1x50x256xf32> to vector<50x256xf32>
    %swap3A_278 = arith.constant 6 : index
    %swap3A_279 = arith.constant 0 : index
    %swap3A_280 = arith.constant 256 : index
    %swap3A_281 = vector.load %arg3[%swap3A_278, %swap3A_279, %swap3A_280] : memref<16x50x1024xf32, #tpu.memory_space<vmem>>, vector<1x50x256xf32>
    %swap3A_282 = vector.shape_cast %swap3A_281 : vector<1x50x256xf32> to vector<50x256xf32>
    %swap3A_283 = vector.shape_cast %get3A_277 : vector<50x256xf32> to vector<1x50x256xf32>
    tpu.vector_store %arg3[%swap3A_278, %swap3A_279, %swap3A_280], %swap3A_283 {strides = array<i32>} : memref<16x50x1024xf32, #tpu.memory_space<vmem>>, vector<1x50x256xf32>,
    %get3A_284 = arith.constant 2 : index
    %get3A_285 = arith.constant 300 : index
    %get3A_286 = arith.constant 0 : index
    %get3A_287 = vector.load %arg1[%get3A_284, %get3A_285, %get3A_286] : memref<4x800x256xf32, #tpu.memory_space<vmem>>, vector<1x50x256xf32>
    %get3A_288 = vector.shape_cast %get3A_287 : vector<1x50x256xf32> to vector<50x256xf32>
    %swap3A_289 = arith.constant 6 : index
    %swap3A_290 = arith.constant 0 : index
    %swap3A_291 = arith.constant 512 : index
    %swap3A_292 = vector.load %arg3[%swap3A_289, %swap3A_290, %swap3A_291] : memref<16x50x1024xf32, #tpu.memory_space<vmem>>, vector<1x50x256xf32>
    %swap3A_293 = vector.shape_cast %swap3A_292 : vector<1x50x256xf32> to vector<50x256xf32>
    %swap3A_294 = vector.shape_cast %get3A_288 : vector<50x256xf32> to vector<1x50x256xf32>
    tpu.vector_store %arg3[%swap3A_289, %swap3A_290, %swap3A_291], %swap3A_294 {strides = array<i32>} : memref<16x50x1024xf32, #tpu.memory_space<vmem>>, vector<1x50x256xf32>,
    %get3A_295 = arith.constant 3 : index
    %get3A_296 = arith.constant 300 : index
    %get3A_297 = arith.constant 0 : index
    %get3A_298 = vector.load %arg1[%get3A_295, %get3A_296, %get3A_297] : memref<4x800x256xf32, #tpu.memory_space<vmem>>, vector<1x50x256xf32>
    %get3A_299 = vector.shape_cast %get3A_298 : vector<1x50x256xf32> to vector<50x256xf32>
    %swap3A_300 = arith.constant 6 : index
    %swap3A_301 = arith.constant 0 : index
    %swap3A_302 = arith.constant 768 : index
    %swap3A_303 = vector.load %arg3[%swap3A_300, %swap3A_301, %swap3A_302] : memref<16x50x1024xf32, #tpu.memory_space<vmem>>, vector<1x50x256xf32>
    %swap3A_304 = vector.shape_cast %swap3A_303 : vector<1x50x256xf32> to vector<50x256xf32>
    %swap3A_305 = vector.shape_cast %get3A_299 : vector<50x256xf32> to vector<1x50x256xf32>
    tpu.vector_store %arg3[%swap3A_300, %swap3A_301, %swap3A_302], %swap3A_305 {strides = array<i32>} : memref<16x50x1024xf32, #tpu.memory_space<vmem>>, vector<1x50x256xf32>,
    %get3A_306 = arith.constant 0 : index
    %get3A_307 = arith.constant 350 : index
    %get3A_308 = arith.constant 0 : index
    %get3A_309 = vector.load %arg1[%get3A_306, %get3A_307, %get3A_308] : memref<4x800x256xf32, #tpu.memory_space<vmem>>, vector<1x50x256xf32>
    %get3A_310 = vector.shape_cast %get3A_309 : vector<1x50x256xf32> to vector<50x256xf32>
    %swap3A_311 = arith.constant 7 : index
    %swap3A_312 = arith.constant 0 : index
    %swap3A_313 = arith.constant 0 : index
    %swap3A_314 = vector.load %arg3[%swap3A_311, %swap3A_312, %swap3A_313] : memref<16x50x1024xf32, #tpu.memory_space<vmem>>, vector<1x50x256xf32>
    %swap3A_315 = vector.shape_cast %swap3A_314 : vector<1x50x256xf32> to vector<50x256xf32>
    %swap3A_316 = vector.shape_cast %get3A_310 : vector<50x256xf32> to vector<1x50x256xf32>
    tpu.vector_store %arg3[%swap3A_311, %swap3A_312, %swap3A_313], %swap3A_316 {strides = array<i32>} : memref<16x50x1024xf32, #tpu.memory_space<vmem>>, vector<1x50x256xf32>,
    %get3A_317 = arith.constant 1 : index
    %get3A_318 = arith.constant 350 : index
    %get3A_319 = arith.constant 0 : index
    %get3A_320 = vector.load %arg1[%get3A_317, %get3A_318, %get3A_319] : memref<4x800x256xf32, #tpu.memory_space<vmem>>, vector<1x50x256xf32>
    %get3A_321 = vector.shape_cast %get3A_320 : vector<1x50x256xf32> to vector<50x256xf32>
    %swap3A_322 = arith.constant 7 : index
    %swap3A_323 = arith.constant 0 : index
    %swap3A_324 = arith.constant 256 : index
    %swap3A_325 = vector.load %arg3[%swap3A_322, %swap3A_323, %swap3A_324] : memref<16x50x1024xf32, #tpu.memory_space<vmem>>, vector<1x50x256xf32>
    %swap3A_326 = vector.shape_cast %swap3A_325 : vector<1x50x256xf32> to vector<50x256xf32>
    %swap3A_327 = vector.shape_cast %get3A_321 : vector<50x256xf32> to vector<1x50x256xf32>
    tpu.vector_store %arg3[%swap3A_322, %swap3A_323, %swap3A_324], %swap3A_327 {strides = array<i32>} : memref<16x50x1024xf32, #tpu.memory_space<vmem>>, vector<1x50x256xf32>,
    %get3A_328 = arith.constant 2 : index
    %get3A_329 = arith.constant 350 : index
    %get3A_330 = arith.constant 0 : index
    %get3A_331 = vector.load %arg1[%get3A_328, %get3A_329, %get3A_330] : memref<4x800x256xf32, #tpu.memory_space<vmem>>, vector<1x50x256xf32>
    %get3A_332 = vector.shape_cast %get3A_331 : vector<1x50x256xf32> to vector<50x256xf32>
    %swap3A_333 = arith.constant 7 : index
    %swap3A_334 = arith.constant 0 : index
    %swap3A_335 = arith.constant 512 : index
    %swap3A_336 = vector.load %arg3[%swap3A_333, %swap3A_334, %swap3A_335] : memref<16x50x1024xf32, #tpu.memory_space<vmem>>, vector<1x50x256xf32>
    %swap3A_337 = vector.shape_cast %swap3A_336 : vector<1x50x256xf32> to vector<50x256xf32>
    %swap3A_338 = vector.shape_cast %get3A_332 : vector<50x256xf32> to vector<1x50x256xf32>
    tpu.vector_store %arg3[%swap3A_333, %swap3A_334, %swap3A_335], %swap3A_338 {strides = array<i32>} : memref<16x50x1024xf32, #tpu.memory_space<vmem>>, vector<1x50x256xf32>,
    %get3A_339 = arith.constant 3 : index
    %get3A_340 = arith.constant 350 : index
    %get3A_341 = arith.constant 0 : index
    %get3A_342 = vector.load %arg1[%get3A_339, %get3A_340, %get3A_341] : memref<4x800x256xf32, #tpu.memory_space<vmem>>, vector<1x50x256xf32>
    %get3A_343 = vector.shape_cast %get3A_342 : vector<1x50x256xf32> to vector<50x256xf32>
    %swap3A_344 = arith.constant 7 : index
    %swap3A_345 = arith.constant 0 : index
    %swap3A_346 = arith.constant 768 : index
    %swap3A_347 = vector.load %arg3[%swap3A_344, %swap3A_345, %swap3A_346] : memref<16x50x1024xf32, #tpu.memory_space<vmem>>, vector<1x50x256xf32>
    %swap3A_348 = vector.shape_cast %swap3A_347 : vector<1x50x256xf32> to vector<50x256xf32>
    %swap3A_349 = vector.shape_cast %get3A_343 : vector<50x256xf32> to vector<1x50x256xf32>
    tpu.vector_store %arg3[%swap3A_344, %swap3A_345, %swap3A_346], %swap3A_349 {strides = array<i32>} : memref<16x50x1024xf32, #tpu.memory_space<vmem>>, vector<1x50x256xf32>,
    %get3A_350 = arith.constant 0 : index
    %get3A_351 = arith.constant 400 : index
    %get3A_352 = arith.constant 0 : index
    %get3A_353 = vector.load %arg1[%get3A_350, %get3A_351, %get3A_352] : memref<4x800x256xf32, #tpu.memory_space<vmem>>, vector<1x50x256xf32>
    %get3A_354 = vector.shape_cast %get3A_353 : vector<1x50x256xf32> to vector<50x256xf32>
    %swap3A_355 = arith.constant 8 : index
    %swap3A_356 = arith.constant 0 : index
    %swap3A_357 = arith.constant 0 : index
    %swap3A_358 = vector.load %arg3[%swap3A_355, %swap3A_356, %swap3A_357] : memref<16x50x1024xf32, #tpu.memory_space<vmem>>, vector<1x50x256xf32>
    %swap3A_359 = vector.shape_cast %swap3A_358 : vector<1x50x256xf32> to vector<50x256xf32>
    %swap3A_360 = vector.shape_cast %get3A_354 : vector<50x256xf32> to vector<1x50x256xf32>
    tpu.vector_store %arg3[%swap3A_355, %swap3A_356, %swap3A_357], %swap3A_360 {strides = array<i32>} : memref<16x50x1024xf32, #tpu.memory_space<vmem>>, vector<1x50x256xf32>,
    %get3A_361 = arith.constant 1 : index
    %get3A_362 = arith.constant 400 : index
    %get3A_363 = arith.constant 0 : index
    %get3A_364 = vector.load %arg1[%get3A_361, %get3A_362, %get3A_363] : memref<4x800x256xf32, #tpu.memory_space<vmem>>, vector<1x50x256xf32>
    %get3A_365 = vector.shape_cast %get3A_364 : vector<1x50x256xf32> to vector<50x256xf32>
    %swap3A_366 = arith.constant 8 : index
    %swap3A_367 = arith.constant 0 : index
    %swap3A_368 = arith.constant 256 : index
    %swap3A_369 = vector.load %arg3[%swap3A_366, %swap3A_367, %swap3A_368] : memref<16x50x1024xf32, #tpu.memory_space<vmem>>, vector<1x50x256xf32>
    %swap3A_370 = vector.shape_cast %swap3A_369 : vector<1x50x256xf32> to vector<50x256xf32>
    %swap3A_371 = vector.shape_cast %get3A_365 : vector<50x256xf32> to vector<1x50x256xf32>
    tpu.vector_store %arg3[%swap3A_366, %swap3A_367, %swap3A_368], %swap3A_371 {strides = array<i32>} : memref<16x50x1024xf32, #tpu.memory_space<vmem>>, vector<1x50x256xf32>,
    %get3A_372 = arith.constant 2 : index
    %get3A_373 = arith.constant 400 : index
    %get3A_374 = arith.constant 0 : index
    %get3A_375 = vector.load %arg1[%get3A_372, %get3A_373, %get3A_374] : memref<4x800x256xf32, #tpu.memory_space<vmem>>, vector<1x50x256xf32>
    %get3A_376 = vector.shape_cast %get3A_375 : vector<1x50x256xf32> to vector<50x256xf32>
    %swap3A_377 = arith.constant 8 : index
    %swap3A_378 = arith.constant 0 : index
    %swap3A_379 = arith.constant 512 : index
    %swap3A_380 = vector.load %arg3[%swap3A_377, %swap3A_378, %swap3A_379] : memref<16x50x1024xf32, #tpu.memory_space<vmem>>, vector<1x50x256xf32>
    %swap3A_381 = vector.shape_cast %swap3A_380 : vector<1x50x256xf32> to vector<50x256xf32>
    %swap3A_382 = vector.shape_cast %get3A_376 : vector<50x256xf32> to vector<1x50x256xf32>
    tpu.vector_store %arg3[%swap3A_377, %swap3A_378, %swap3A_379], %swap3A_382 {strides = array<i32>} : memref<16x50x1024xf32, #tpu.memory_space<vmem>>, vector<1x50x256xf32>,
    %get3A_383 = arith.constant 3 : index
    %get3A_384 = arith.constant 400 : index
    %get3A_385 = arith.constant 0 : index
    %get3A_386 = vector.load %arg1[%get3A_383, %get3A_384, %get3A_385] : memref<4x800x256xf32, #tpu.memory_space<vmem>>, vector<1x50x256xf32>
    %get3A_387 = vector.shape_cast %get3A_386 : vector<1x50x256xf32> to vector<50x256xf32>
    %swap3A_388 = arith.constant 8 : index
    %swap3A_389 = arith.constant 0 : index
    %swap3A_390 = arith.constant 768 : index
    %swap3A_391 = vector.load %arg3[%swap3A_388, %swap3A_389, %swap3A_390] : memref<16x50x1024xf32, #tpu.memory_space<vmem>>, vector<1x50x256xf32>
    %swap3A_392 = vector.shape_cast %swap3A_391 : vector<1x50x256xf32> to vector<50x256xf32>
    %swap3A_393 = vector.shape_cast %get3A_387 : vector<50x256xf32> to vector<1x50x256xf32>
    tpu.vector_store %arg3[%swap3A_388, %swap3A_389, %swap3A_390], %swap3A_393 {strides = array<i32>} : memref<16x50x1024xf32, #tpu.memory_space<vmem>>, vector<1x50x256xf32>,
    %get3A_394 = arith.constant 0 : index
    %get3A_395 = arith.constant 450 : index
    %get3A_396 = arith.constant 0 : index
    %get3A_397 = vector.load %arg1[%get3A_394, %get3A_395, %get3A_396] : memref<4x800x256xf32, #tpu.memory_space<vmem>>, vector<1x50x256xf32>
    %get3A_398 = vector.shape_cast %get3A_397 : vector<1x50x256xf32> to vector<50x256xf32>
    %swap3A_399 = arith.constant 9 : index
    %swap3A_400 = arith.constant 0 : index
    %swap3A_401 = arith.constant 0 : index
    %swap3A_402 = vector.load %arg3[%swap3A_399, %swap3A_400, %swap3A_401] : memref<16x50x1024xf32, #tpu.memory_space<vmem>>, vector<1x50x256xf32>
    %swap3A_403 = vector.shape_cast %swap3A_402 : vector<1x50x256xf32> to vector<50x256xf32>
    %swap3A_404 = vector.shape_cast %get3A_398 : vector<50x256xf32> to vector<1x50x256xf32>
    tpu.vector_store %arg3[%swap3A_399, %swap3A_400, %swap3A_401], %swap3A_404 {strides = array<i32>} : memref<16x50x1024xf32, #tpu.memory_space<vmem>>, vector<1x50x256xf32>,
    %get3A_405 = arith.constant 1 : index
    %get3A_406 = arith.constant 450 : index
    %get3A_407 = arith.constant 0 : index
    %get3A_408 = vector.load %arg1[%get3A_405, %get3A_406, %get3A_407] : memref<4x800x256xf32, #tpu.memory_space<vmem>>, vector<1x50x256xf32>
    %get3A_409 = vector.shape_cast %get3A_408 : vector<1x50x256xf32> to vector<50x256xf32>
    %swap3A_410 = arith.constant 9 : index
    %swap3A_411 = arith.constant 0 : index
    %swap3A_412 = arith.constant 256 : index
    %swap3A_413 = vector.load %arg3[%swap3A_410, %swap3A_411, %swap3A_412] : memref<16x50x1024xf32, #tpu.memory_space<vmem>>, vector<1x50x256xf32>
    %swap3A_414 = vector.shape_cast %swap3A_413 : vector<1x50x256xf32> to vector<50x256xf32>
    %swap3A_415 = vector.shape_cast %get3A_409 : vector<50x256xf32> to vector<1x50x256xf32>
    tpu.vector_store %arg3[%swap3A_410, %swap3A_411, %swap3A_412], %swap3A_415 {strides = array<i32>} : memref<16x50x1024xf32, #tpu.memory_space<vmem>>, vector<1x50x256xf32>,
    %get3A_416 = arith.constant 2 : index
    %get3A_417 = arith.constant 450 : index
    %get3A_418 = arith.constant 0 : index
    %get3A_419 = vector.load %arg1[%get3A_416, %get3A_417, %get3A_418] : memref<4x800x256xf32, #tpu.memory_space<vmem>>, vector<1x50x256xf32>
    %get3A_420 = vector.shape_cast %get3A_419 : vector<1x50x256xf32> to vector<50x256xf32>
    %swap3A_421 = arith.constant 9 : index
    %swap3A_422 = arith.constant 0 : index
    %swap3A_423 = arith.constant 512 : index
    %swap3A_424 = vector.load %arg3[%swap3A_421, %swap3A_422, %swap3A_423] : memref<16x50x1024xf32, #tpu.memory_space<vmem>>, vector<1x50x256xf32>
    %swap3A_425 = vector.shape_cast %swap3A_424 : vector<1x50x256xf32> to vector<50x256xf32>
    %swap3A_426 = vector.shape_cast %get3A_420 : vector<50x256xf32> to vector<1x50x256xf32>
    tpu.vector_store %arg3[%swap3A_421, %swap3A_422, %swap3A_423], %swap3A_426 {strides = array<i32>} : memref<16x50x1024xf32, #tpu.memory_space<vmem>>, vector<1x50x256xf32>,
    %get3A_427 = arith.constant 3 : index
    %get3A_428 = arith.constant 450 : index
    %get3A_429 = arith.constant 0 : index
    %get3A_430 = vector.load %arg1[%get3A_427, %get3A_428, %get3A_429] : memref<4x800x256xf32, #tpu.memory_space<vmem>>, vector<1x50x256xf32>
    %get3A_431 = vector.shape_cast %get3A_430 : vector<1x50x256xf32> to vector<50x256xf32>
    %swap3A_432 = arith.constant 9 : index
    %swap3A_433 = arith.constant 0 : index
    %swap3A_434 = arith.constant 768 : index
    %swap3A_435 = vector.load %arg3[%swap3A_432, %swap3A_433, %swap3A_434] : memref<16x50x1024xf32, #tpu.memory_space<vmem>>, vector<1x50x256xf32>
    %swap3A_436 = vector.shape_cast %swap3A_435 : vector<1x50x256xf32> to vector<50x256xf32>
    %swap3A_437 = vector.shape_cast %get3A_431 : vector<50x256xf32> to vector<1x50x256xf32>
    tpu.vector_store %arg3[%swap3A_432, %swap3A_433, %swap3A_434], %swap3A_437 {strides = array<i32>} : memref<16x50x1024xf32, #tpu.memory_space<vmem>>, vector<1x50x256xf32>,
    %get3A_438 = arith.constant 0 : index
    %get3A_439 = arith.constant 500 : index
    %get3A_440 = arith.constant 0 : index
    %get3A_441 = vector.load %arg1[%get3A_438, %get3A_439, %get3A_440] : memref<4x800x256xf32, #tpu.memory_space<vmem>>, vector<1x50x256xf32>
    %get3A_442 = vector.shape_cast %get3A_441 : vector<1x50x256xf32> to vector<50x256xf32>
    %swap3A_443 = arith.constant 10 : index
    %swap3A_444 = arith.constant 0 : index
    %swap3A_445 = arith.constant 0 : index
    %swap3A_446 = vector.load %arg3[%swap3A_443, %swap3A_444, %swap3A_445] : memref<16x50x1024xf32, #tpu.memory_space<vmem>>, vector<1x50x256xf32>
    %swap3A_447 = vector.shape_cast %swap3A_446 : vector<1x50x256xf32> to vector<50x256xf32>
    %swap3A_448 = vector.shape_cast %get3A_442 : vector<50x256xf32> to vector<1x50x256xf32>
    tpu.vector_store %arg3[%swap3A_443, %swap3A_444, %swap3A_445], %swap3A_448 {strides = array<i32>} : memref<16x50x1024xf32, #tpu.memory_space<vmem>>, vector<1x50x256xf32>,
    %get3A_449 = arith.constant 1 : index
    %get3A_450 = arith.constant 500 : index
    %get3A_451 = arith.constant 0 : index
    %get3A_452 = vector.load %arg1[%get3A_449, %get3A_450, %get3A_451] : memref<4x800x256xf32, #tpu.memory_space<vmem>>, vector<1x50x256xf32>
    %get3A_453 = vector.shape_cast %get3A_452 : vector<1x50x256xf32> to vector<50x256xf32>
    %swap3A_454 = arith.constant 10 : index
    %swap3A_455 = arith.constant 0 : index
    %swap3A_456 = arith.constant 256 : index
    %swap3A_457 = vector.load %arg3[%swap3A_454, %swap3A_455, %swap3A_456] : memref<16x50x1024xf32, #tpu.memory_space<vmem>>, vector<1x50x256xf32>
    %swap3A_458 = vector.shape_cast %swap3A_457 : vector<1x50x256xf32> to vector<50x256xf32>
    %swap3A_459 = vector.shape_cast %get3A_453 : vector<50x256xf32> to vector<1x50x256xf32>
    tpu.vector_store %arg3[%swap3A_454, %swap3A_455, %swap3A_456], %swap3A_459 {strides = array<i32>} : memref<16x50x1024xf32, #tpu.memory_space<vmem>>, vector<1x50x256xf32>,
    %get3A_460 = arith.constant 2 : index
    %get3A_461 = arith.constant 500 : index
    %get3A_462 = arith.constant 0 : index
    %get3A_463 = vector.load %arg1[%get3A_460, %get3A_461, %get3A_462] : memref<4x800x256xf32, #tpu.memory_space<vmem>>, vector<1x50x256xf32>
    %get3A_464 = vector.shape_cast %get3A_463 : vector<1x50x256xf32> to vector<50x256xf32>
    %swap3A_465 = arith.constant 10 : index
    %swap3A_466 = arith.constant 0 : index
    %swap3A_467 = arith.constant 512 : index
    %swap3A_468 = vector.load %arg3[%swap3A_465, %swap3A_466, %swap3A_467] : memref<16x50x1024xf32, #tpu.memory_space<vmem>>, vector<1x50x256xf32>
    %swap3A_469 = vector.shape_cast %swap3A_468 : vector<1x50x256xf32> to vector<50x256xf32>
    %swap3A_470 = vector.shape_cast %get3A_464 : vector<50x256xf32> to vector<1x50x256xf32>
    tpu.vector_store %arg3[%swap3A_465, %swap3A_466, %swap3A_467], %swap3A_470 {strides = array<i32>} : memref<16x50x1024xf32, #tpu.memory_space<vmem>>, vector<1x50x256xf32>,
    %get3A_471 = arith.constant 3 : index
    %get3A_472 = arith.constant 500 : index
    %get3A_473 = arith.constant 0 : index
    %get3A_474 = vector.load %arg1[%get3A_471, %get3A_472, %get3A_473] : memref<4x800x256xf32, #tpu.memory_space<vmem>>, vector<1x50x256xf32>
    %get3A_475 = vector.shape_cast %get3A_474 : vector<1x50x256xf32> to vector<50x256xf32>
    %swap3A_476 = arith.constant 10 : index
    %swap3A_477 = arith.constant 0 : index
    %swap3A_478 = arith.constant 768 : index
    %swap3A_479 = vector.load %arg3[%swap3A_476, %swap3A_477, %swap3A_478] : memref<16x50x1024xf32, #tpu.memory_space<vmem>>, vector<1x50x256xf32>
    %swap3A_480 = vector.shape_cast %swap3A_479 : vector<1x50x256xf32> to vector<50x256xf32>
    %swap3A_481 = vector.shape_cast %get3A_475 : vector<50x256xf32> to vector<1x50x256xf32>
    tpu.vector_store %arg3[%swap3A_476, %swap3A_477, %swap3A_478], %swap3A_481 {strides = array<i32>} : memref<16x50x1024xf32, #tpu.memory_space<vmem>>, vector<1x50x256xf32>,
    %get3A_482 = arith.constant 0 : index
    %get3A_483 = arith.constant 550 : index
    %get3A_484 = arith.constant 0 : index
    %get3A_485 = vector.load %arg1[%get3A_482, %get3A_483, %get3A_484] : memref<4x800x256xf32, #tpu.memory_space<vmem>>, vector<1x50x256xf32>
    %get3A_486 = vector.shape_cast %get3A_485 : vector<1x50x256xf32> to vector<50x256xf32>
    %swap3A_487 = arith.constant 11 : index
    %swap3A_488 = arith.constant 0 : index
    %swap3A_489 = arith.constant 0 : index
    %swap3A_490 = vector.load %arg3[%swap3A_487, %swap3A_488, %swap3A_489] : memref<16x50x1024xf32, #tpu.memory_space<vmem>>, vector<1x50x256xf32>
    %swap3A_491 = vector.shape_cast %swap3A_490 : vector<1x50x256xf32> to vector<50x256xf32>
    %swap3A_492 = vector.shape_cast %get3A_486 : vector<50x256xf32> to vector<1x50x256xf32>
    tpu.vector_store %arg3[%swap3A_487, %swap3A_488, %swap3A_489], %swap3A_492 {strides = array<i32>} : memref<16x50x1024xf32, #tpu.memory_space<vmem>>, vector<1x50x256xf32>,
    %get3A_493 = arith.constant 1 : index
    %get3A_494 = arith.constant 550 : index
    %get3A_495 = arith.constant 0 : index
    %get3A_496 = vector.load %arg1[%get3A_493, %get3A_494, %get3A_495] : memref<4x800x256xf32, #tpu.memory_space<vmem>>, vector<1x50x256xf32>
    %get3A_497 = vector.shape_cast %get3A_496 : vector<1x50x256xf32> to vector<50x256xf32>
    %swap3A_498 = arith.constant 11 : index
    %swap3A_499 = arith.constant 0 : index
    %swap3A_500 = arith.constant 256 : index
    %swap3A_501 = vector.load %arg3[%swap3A_498, %swap3A_499, %swap3A_500] : memref<16x50x1024xf32, #tpu.memory_space<vmem>>, vector<1x50x256xf32>
    %swap3A_502 = vector.shape_cast %swap3A_501 : vector<1x50x256xf32> to vector<50x256xf32>
    %swap3A_503 = vector.shape_cast %get3A_497 : vector<50x256xf32> to vector<1x50x256xf32>
    tpu.vector_store %arg3[%swap3A_498, %swap3A_499, %swap3A_500], %swap3A_503 {strides = array<i32>} : memref<16x50x1024xf32, #tpu.memory_space<vmem>>, vector<1x50x256xf32>,
    %get3A_504 = arith.constant 2 : index
    %get3A_505 = arith.constant 550 : index
    %get3A_506 = arith.constant 0 : index
    %get3A_507 = vector.load %arg1[%get3A_504, %get3A_505, %get3A_506] : memref<4x800x256xf32, #tpu.memory_space<vmem>>, vector<1x50x256xf32>
    %get3A_508 = vector.shape_cast %get3A_507 : vector<1x50x256xf32> to vector<50x256xf32>
    %swap3A_509 = arith.constant 11 : index
    %swap3A_510 = arith.constant 0 : index
    %swap3A_511 = arith.constant 512 : index
    %swap3A_512 = vector.load %arg3[%swap3A_509, %swap3A_510, %swap3A_511] : memref<16x50x1024xf32, #tpu.memory_space<vmem>>, vector<1x50x256xf32>
    %swap3A_513 = vector.shape_cast %swap3A_512 : vector<1x50x256xf32> to vector<50x256xf32>
    %swap3A_514 = vector.shape_cast %get3A_508 : vector<50x256xf32> to vector<1x50x256xf32>
    tpu.vector_store %arg3[%swap3A_509, %swap3A_510, %swap3A_511], %swap3A_514 {strides = array<i32>} : memref<16x50x1024xf32, #tpu.memory_space<vmem>>, vector<1x50x256xf32>,
    %get3A_515 = arith.constant 3 : index
    %get3A_516 = arith.constant 550 : index
    %get3A_517 = arith.constant 0 : index
    %get3A_518 = vector.load %arg1[%get3A_515, %get3A_516, %get3A_517] : memref<4x800x256xf32, #tpu.memory_space<vmem>>, vector<1x50x256xf32>
    %get3A_519 = vector.shape_cast %get3A_518 : vector<1x50x256xf32> to vector<50x256xf32>
    %swap3A_520 = arith.constant 11 : index
    %swap3A_521 = arith.constant 0 : index
    %swap3A_522 = arith.constant 768 : index
    %swap3A_523 = vector.load %arg3[%swap3A_520, %swap3A_521, %swap3A_522] : memref<16x50x1024xf32, #tpu.memory_space<vmem>>, vector<1x50x256xf32>
    %swap3A_524 = vector.shape_cast %swap3A_523 : vector<1x50x256xf32> to vector<50x256xf32>
    %swap3A_525 = vector.shape_cast %get3A_519 : vector<50x256xf32> to vector<1x50x256xf32>
    tpu.vector_store %arg3[%swap3A_520, %swap3A_521, %swap3A_522], %swap3A_525 {strides = array<i32>} : memref<16x50x1024xf32, #tpu.memory_space<vmem>>, vector<1x50x256xf32>,
    %get3A_526 = arith.constant 0 : index
    %get3A_527 = arith.constant 600 : index
    %get3A_528 = arith.constant 0 : index
    %get3A_529 = vector.load %arg1[%get3A_526, %get3A_527, %get3A_528] : memref<4x800x256xf32, #tpu.memory_space<vmem>>, vector<1x50x256xf32>
    %get3A_530 = vector.shape_cast %get3A_529 : vector<1x50x256xf32> to vector<50x256xf32>
    %swap3A_531 = arith.constant 12 : index
    %swap3A_532 = arith.constant 0 : index
    %swap3A_533 = arith.constant 0 : index
    %swap3A_534 = vector.load %arg3[%swap3A_531, %swap3A_532, %swap3A_533] : memref<16x50x1024xf32, #tpu.memory_space<vmem>>, vector<1x50x256xf32>
    %swap3A_535 = vector.shape_cast %swap3A_534 : vector<1x50x256xf32> to vector<50x256xf32>
    %swap3A_536 = vector.shape_cast %get3A_530 : vector<50x256xf32> to vector<1x50x256xf32>
    tpu.vector_store %arg3[%swap3A_531, %swap3A_532, %swap3A_533], %swap3A_536 {strides = array<i32>} : memref<16x50x1024xf32, #tpu.memory_space<vmem>>, vector<1x50x256xf32>,
    %get3A_537 = arith.constant 1 : index
    %get3A_538 = arith.constant 600 : index
    %get3A_539 = arith.constant 0 : index
    %get3A_540 = vector.load %arg1[%get3A_537, %get3A_538, %get3A_539] : memref<4x800x256xf32, #tpu.memory_space<vmem>>, vector<1x50x256xf32>
    %get3A_541 = vector.shape_cast %get3A_540 : vector<1x50x256xf32> to vector<50x256xf32>
    %swap3A_542 = arith.constant 12 : index
    %swap3A_543 = arith.constant 0 : index
    %swap3A_544 = arith.constant 256 : index
    %swap3A_545 = vector.load %arg3[%swap3A_542, %swap3A_543, %swap3A_544] : memref<16x50x1024xf32, #tpu.memory_space<vmem>>, vector<1x50x256xf32>
    %swap3A_546 = vector.shape_cast %swap3A_545 : vector<1x50x256xf32> to vector<50x256xf32>
    %swap3A_547 = vector.shape_cast %get3A_541 : vector<50x256xf32> to vector<1x50x256xf32>
    tpu.vector_store %arg3[%swap3A_542, %swap3A_543, %swap3A_544], %swap3A_547 {strides = array<i32>} : memref<16x50x1024xf32, #tpu.memory_space<vmem>>, vector<1x50x256xf32>,
    %get3A_548 = arith.constant 2 : index
    %get3A_549 = arith.constant 600 : index
    %get3A_550 = arith.constant 0 : index
    %get3A_551 = vector.load %arg1[%get3A_548, %get3A_549, %get3A_550] : memref<4x800x256xf32, #tpu.memory_space<vmem>>, vector<1x50x256xf32>
    %get3A_552 = vector.shape_cast %get3A_551 : vector<1x50x256xf32> to vector<50x256xf32>
    %swap3A_553 = arith.constant 12 : index
    %swap3A_554 = arith.constant 0 : index
    %swap3A_555 = arith.constant 512 : index
    %swap3A_556 = vector.load %arg3[%swap3A_553, %swap3A_554, %swap3A_555] : memref<16x50x1024xf32, #tpu.memory_space<vmem>>, vector<1x50x256xf32>
    %swap3A_557 = vector.shape_cast %swap3A_556 : vector<1x50x256xf32> to vector<50x256xf32>
    %swap3A_558 = vector.shape_cast %get3A_552 : vector<50x256xf32> to vector<1x50x256xf32>
    tpu.vector_store %arg3[%swap3A_553, %swap3A_554, %swap3A_555], %swap3A_558 {strides = array<i32>} : memref<16x50x1024xf32, #tpu.memory_space<vmem>>, vector<1x50x256xf32>,
    %get3A_559 = arith.constant 3 : index
    %get3A_560 = arith.constant 600 : index
    %get3A_561 = arith.constant 0 : index
    %get3A_562 = vector.load %arg1[%get3A_559, %get3A_560, %get3A_561] : memref<4x800x256xf32, #tpu.memory_space<vmem>>, vector<1x50x256xf32>
    %get3A_563 = vector.shape_cast %get3A_562 : vector<1x50x256xf32> to vector<50x256xf32>
    %swap3A_564 = arith.constant 12 : index
    %swap3A_565 = arith.constant 0 : index
    %swap3A_566 = arith.constant 768 : index
    %swap3A_567 = vector.load %arg3[%swap3A_564, %swap3A_565, %swap3A_566] : memref<16x50x1024xf32, #tpu.memory_space<vmem>>, vector<1x50x256xf32>
    %swap3A_568 = vector.shape_cast %swap3A_567 : vector<1x50x256xf32> to vector<50x256xf32>
    %swap3A_569 = vector.shape_cast %get3A_563 : vector<50x256xf32> to vector<1x50x256xf32>
    tpu.vector_store %arg3[%swap3A_564, %swap3A_565, %swap3A_566], %swap3A_569 {strides = array<i32>} : memref<16x50x1024xf32, #tpu.memory_space<vmem>>, vector<1x50x256xf32>,
    %get3A_570 = arith.constant 0 : index
    %get3A_571 = arith.constant 650 : index
    %get3A_572 = arith.constant 0 : index
    %get3A_573 = vector.load %arg1[%get3A_570, %get3A_571, %get3A_572] : memref<4x800x256xf32, #tpu.memory_space<vmem>>, vector<1x50x256xf32>
    %get3A_574 = vector.shape_cast %get3A_573 : vector<1x50x256xf32> to vector<50x256xf32>
    %swap3A_575 = arith.constant 13 : index
    %swap3A_576 = arith.constant 0 : index
    %swap3A_577 = arith.constant 0 : index
    %swap3A_578 = vector.load %arg3[%swap3A_575, %swap3A_576, %swap3A_577] : memref<16x50x1024xf32, #tpu.memory_space<vmem>>, vector<1x50x256xf32>
    %swap3A_579 = vector.shape_cast %swap3A_578 : vector<1x50x256xf32> to vector<50x256xf32>
    %swap3A_580 = vector.shape_cast %get3A_574 : vector<50x256xf32> to vector<1x50x256xf32>
    tpu.vector_store %arg3[%swap3A_575, %swap3A_576, %swap3A_577], %swap3A_580 {strides = array<i32>} : memref<16x50x1024xf32, #tpu.memory_space<vmem>>, vector<1x50x256xf32>,
    %get3A_581 = arith.constant 1 : index
    %get3A_582 = arith.constant 650 : index
    %get3A_583 = arith.constant 0 : index
    %get3A_584 = vector.load %arg1[%get3A_581, %get3A_582, %get3A_583] : memref<4x800x256xf32, #tpu.memory_space<vmem>>, vector<1x50x256xf32>
    %get3A_585 = vector.shape_cast %get3A_584 : vector<1x50x256xf32> to vector<50x256xf32>
    %swap3A_586 = arith.constant 13 : index
    %swap3A_587 = arith.constant 0 : index
    %swap3A_588 = arith.constant 256 : index
    %swap3A_589 = vector.load %arg3[%swap3A_586, %swap3A_587, %swap3A_588] : memref<16x50x1024xf32, #tpu.memory_space<vmem>>, vector<1x50x256xf32>
    %swap3A_590 = vector.shape_cast %swap3A_589 : vector<1x50x256xf32> to vector<50x256xf32>
    %swap3A_591 = vector.shape_cast %get3A_585 : vector<50x256xf32> to vector<1x50x256xf32>
    tpu.vector_store %arg3[%swap3A_586, %swap3A_587, %swap3A_588], %swap3A_591 {strides = array<i32>} : memref<16x50x1024xf32, #tpu.memory_space<vmem>>, vector<1x50x256xf32>,
    %get3A_592 = arith.constant 2 : index
    %get3A_593 = arith.constant 650 : index
    %get3A_594 = arith.constant 0 : index
    %get3A_595 = vector.load %arg1[%get3A_592, %get3A_593, %get3A_594] : memref<4x800x256xf32, #tpu.memory_space<vmem>>, vector<1x50x256xf32>
    %get3A_596 = vector.shape_cast %get3A_595 : vector<1x50x256xf32> to vector<50x256xf32>
    %swap3A_597 = arith.constant 13 : index
    %swap3A_598 = arith.constant 0 : index
    %swap3A_599 = arith.constant 512 : index
    %swap3A_600 = vector.load %arg3[%swap3A_597, %swap3A_598, %swap3A_599] : memref<16x50x1024xf32, #tpu.memory_space<vmem>>, vector<1x50x256xf32>
    %swap3A_601 = vector.shape_cast %swap3A_600 : vector<1x50x256xf32> to vector<50x256xf32>
    %swap3A_602 = vector.shape_cast %get3A_596 : vector<50x256xf32> to vector<1x50x256xf32>
    tpu.vector_store %arg3[%swap3A_597, %swap3A_598, %swap3A_599], %swap3A_602 {strides = array<i32>} : memref<16x50x1024xf32, #tpu.memory_space<vmem>>, vector<1x50x256xf32>,
    %get3A_603 = arith.constant 3 : index
    %get3A_604 = arith.constant 650 : index
    %get3A_605 = arith.constant 0 : index
    %get3A_606 = vector.load %arg1[%get3A_603, %get3A_604, %get3A_605] : memref<4x800x256xf32, #tpu.memory_space<vmem>>, vector<1x50x256xf32>
    %get3A_607 = vector.shape_cast %get3A_606 : vector<1x50x256xf32> to vector<50x256xf32>
    %swap3A_608 = arith.constant 13 : index
    %swap3A_609 = arith.constant 0 : index
    %swap3A_610 = arith.constant 768 : index
    %swap3A_611 = vector.load %arg3[%swap3A_608, %swap3A_609, %swap3A_610] : memref<16x50x1024xf32, #tpu.memory_space<vmem>>, vector<1x50x256xf32>
    %swap3A_612 = vector.shape_cast %swap3A_611 : vector<1x50x256xf32> to vector<50x256xf32>
    %swap3A_613 = vector.shape_cast %get3A_607 : vector<50x256xf32> to vector<1x50x256xf32>
    tpu.vector_store %arg3[%swap3A_608, %swap3A_609, %swap3A_610], %swap3A_613 {strides = array<i32>} : memref<16x50x1024xf32, #tpu.memory_space<vmem>>, vector<1x50x256xf32>,
    %get3A_614 = arith.constant 0 : index
    %get3A_615 = arith.constant 700 : index
    %get3A_616 = arith.constant 0 : index
    %get3A_617 = vector.load %arg1[%get3A_614, %get3A_615, %get3A_616] : memref<4x800x256xf32, #tpu.memory_space<vmem>>, vector<1x50x256xf32>
    %get3A_618 = vector.shape_cast %get3A_617 : vector<1x50x256xf32> to vector<50x256xf32>
    %swap3A_619 = arith.constant 14 : index
    %swap3A_620 = arith.constant 0 : index
    %swap3A_621 = arith.constant 0 : index
    %swap3A_622 = vector.load %arg3[%swap3A_619, %swap3A_620, %swap3A_621] : memref<16x50x1024xf32, #tpu.memory_space<vmem>>, vector<1x50x256xf32>
    %swap3A_623 = vector.shape_cast %swap3A_622 : vector<1x50x256xf32> to vector<50x256xf32>
    %swap3A_624 = vector.shape_cast %get3A_618 : vector<50x256xf32> to vector<1x50x256xf32>
    tpu.vector_store %arg3[%swap3A_619, %swap3A_620, %swap3A_621], %swap3A_624 {strides = array<i32>} : memref<16x50x1024xf32, #tpu.memory_space<vmem>>, vector<1x50x256xf32>,
    %get3A_625 = arith.constant 1 : index
    %get3A_626 = arith.constant 700 : index
    %get3A_627 = arith.constant 0 : index
    %get3A_628 = vector.load %arg1[%get3A_625, %get3A_626, %get3A_627] : memref<4x800x256xf32, #tpu.memory_space<vmem>>, vector<1x50x256xf32>
    %get3A_629 = vector.shape_cast %get3A_628 : vector<1x50x256xf32> to vector<50x256xf32>
    %swap3A_630 = arith.constant 14 : index
    %swap3A_631 = arith.constant 0 : index
    %swap3A_632 = arith.constant 256 : index
    %swap3A_633 = vector.load %arg3[%swap3A_630, %swap3A_631, %swap3A_632] : memref<16x50x1024xf32, #tpu.memory_space<vmem>>, vector<1x50x256xf32>
    %swap3A_634 = vector.shape_cast %swap3A_633 : vector<1x50x256xf32> to vector<50x256xf32>
    %swap3A_635 = vector.shape_cast %get3A_629 : vector<50x256xf32> to vector<1x50x256xf32>
    tpu.vector_store %arg3[%swap3A_630, %swap3A_631, %swap3A_632], %swap3A_635 {strides = array<i32>} : memref<16x50x1024xf32, #tpu.memory_space<vmem>>, vector<1x50x256xf32>,
    %get3A_636 = arith.constant 2 : index
    %get3A_637 = arith.constant 700 : index
    %get3A_638 = arith.constant 0 : index
    %get3A_639 = vector.load %arg1[%get3A_636, %get3A_637, %get3A_638] : memref<4x800x256xf32, #tpu.memory_space<vmem>>, vector<1x50x256xf32>
    %get3A_640 = vector.shape_cast %get3A_639 : vector<1x50x256xf32> to vector<50x256xf32>
    %swap3A_641 = arith.constant 14 : index
    %swap3A_642 = arith.constant 0 : index
    %swap3A_643 = arith.constant 512 : index
    %swap3A_644 = vector.load %arg3[%swap3A_641, %swap3A_642, %swap3A_643] : memref<16x50x1024xf32, #tpu.memory_space<vmem>>, vector<1x50x256xf32>
    %swap3A_645 = vector.shape_cast %swap3A_644 : vector<1x50x256xf32> to vector<50x256xf32>
    %swap3A_646 = vector.shape_cast %get3A_640 : vector<50x256xf32> to vector<1x50x256xf32>
    tpu.vector_store %arg3[%swap3A_641, %swap3A_642, %swap3A_643], %swap3A_646 {strides = array<i32>} : memref<16x50x1024xf32, #tpu.memory_space<vmem>>, vector<1x50x256xf32>,
    %get3A_647 = arith.constant 3 : index
    %get3A_648 = arith.constant 700 : index
    %get3A_649 = arith.constant 0 : index
    %get3A_650 = vector.load %arg1[%get3A_647, %get3A_648, %get3A_649] : memref<4x800x256xf32, #tpu.memory_space<vmem>>, vector<1x50x256xf32>
    %get3A_651 = vector.shape_cast %get3A_650 : vector<1x50x256xf32> to vector<50x256xf32>
    %swap3A_652 = arith.constant 14 : index
    %swap3A_653 = arith.constant 0 : index
    %swap3A_654 = arith.constant 768 : index
    %swap3A_655 = vector.load %arg3[%swap3A_652, %swap3A_653, %swap3A_654] : memref<16x50x1024xf32, #tpu.memory_space<vmem>>, vector<1x50x256xf32>
    %swap3A_656 = vector.shape_cast %swap3A_655 : vector<1x50x256xf32> to vector<50x256xf32>
    %swap3A_657 = vector.shape_cast %get3A_651 : vector<50x256xf32> to vector<1x50x256xf32>
    tpu.vector_store %arg3[%swap3A_652, %swap3A_653, %swap3A_654], %swap3A_657 {strides = array<i32>} : memref<16x50x1024xf32, #tpu.memory_space<vmem>>, vector<1x50x256xf32>,
    %get3A_658 = arith.constant 0 : index
    %get3A_659 = arith.constant 750 : index
    %get3A_660 = arith.constant 0 : index
    %get3A_661 = vector.load %arg1[%get3A_658, %get3A_659, %get3A_660] : memref<4x800x256xf32, #tpu.memory_space<vmem>>, vector<1x50x256xf32>
    %get3A_662 = vector.shape_cast %get3A_661 : vector<1x50x256xf32> to vector<50x256xf32>
    %swap3A_663 = arith.constant 15 : index
    %swap3A_664 = arith.constant 0 : index
    %swap3A_665 = arith.constant 0 : index
    %swap3A_666 = vector.load %arg3[%swap3A_663, %swap3A_664, %swap3A_665] : memref<16x50x1024xf32, #tpu.memory_space<vmem>>, vector<1x50x256xf32>
    %swap3A_667 = vector.shape_cast %swap3A_666 : vector<1x50x256xf32> to vector<50x256xf32>
    %swap3A_668 = vector.shape_cast %get3A_662 : vector<50x256xf32> to vector<1x50x256xf32>
    tpu.vector_store %arg3[%swap3A_663, %swap3A_664, %swap3A_665], %swap3A_668 {strides = array<i32>} : memref<16x50x1024xf32, #tpu.memory_space<vmem>>, vector<1x50x256xf32>,
    %get3A_669 = arith.constant 1 : index
    %get3A_670 = arith.constant 750 : index
    %get3A_671 = arith.constant 0 : index
    %get3A_672 = vector.load %arg1[%get3A_669, %get3A_670, %get3A_671] : memref<4x800x256xf32, #tpu.memory_space<vmem>>, vector<1x50x256xf32>
    %get3A_673 = vector.shape_cast %get3A_672 : vector<1x50x256xf32> to vector<50x256xf32>
    %swap3A_674 = arith.constant 15 : index
    %swap3A_675 = arith.constant 0 : index
    %swap3A_676 = arith.constant 256 : index
    %swap3A_677 = vector.load %arg3[%swap3A_674, %swap3A_675, %swap3A_676] : memref<16x50x1024xf32, #tpu.memory_space<vmem>>, vector<1x50x256xf32>
    %swap3A_678 = vector.shape_cast %swap3A_677 : vector<1x50x256xf32> to vector<50x256xf32>
    %swap3A_679 = vector.shape_cast %get3A_673 : vector<50x256xf32> to vector<1x50x256xf32>
    tpu.vector_store %arg3[%swap3A_674, %swap3A_675, %swap3A_676], %swap3A_679 {strides = array<i32>} : memref<16x50x1024xf32, #tpu.memory_space<vmem>>, vector<1x50x256xf32>,
    %get3A_680 = arith.constant 2 : index
    %get3A_681 = arith.constant 750 : index
    %get3A_682 = arith.constant 0 : index
    %get3A_683 = vector.load %arg1[%get3A_680, %get3A_681, %get3A_682] : memref<4x800x256xf32, #tpu.memory_space<vmem>>, vector<1x50x256xf32>
    %get3A_684 = vector.shape_cast %get3A_683 : vector<1x50x256xf32> to vector<50x256xf32>
    %swap3A_685 = arith.constant 15 : index
    %swap3A_686 = arith.constant 0 : index
    %swap3A_687 = arith.constant 512 : index
    %swap3A_688 = vector.load %arg3[%swap3A_685, %swap3A_686, %swap3A_687] : memref<16x50x1024xf32, #tpu.memory_space<vmem>>, vector<1x50x256xf32>
    %swap3A_689 = vector.shape_cast %swap3A_688 : vector<1x50x256xf32> to vector<50x256xf32>
    %swap3A_690 = vector.shape_cast %get3A_684 : vector<50x256xf32> to vector<1x50x256xf32>
    tpu.vector_store %arg3[%swap3A_685, %swap3A_686, %swap3A_687], %swap3A_690 {strides = array<i32>} : memref<16x50x1024xf32, #tpu.memory_space<vmem>>, vector<1x50x256xf32>,
    %get3A_691 = arith.constant 3 : index
    %get3A_692 = arith.constant 750 : index
    %get3A_693 = arith.constant 0 : index
    %get3A_694 = vector.load %arg1[%get3A_691, %get3A_692, %get3A_693] : memref<4x800x256xf32, #tpu.memory_space<vmem>>, vector<1x50x256xf32>
    %get3A_695 = vector.shape_cast %get3A_694 : vector<1x50x256xf32> to vector<50x256xf32>
    %swap3A_696 = arith.constant 15 : index
    %swap3A_697 = arith.constant 0 : index
    %swap3A_698 = arith.constant 768 : index
    %swap3A_699 = vector.load %arg3[%swap3A_696, %swap3A_697, %swap3A_698] : memref<16x50x1024xf32, #tpu.memory_space<vmem>>, vector<1x50x256xf32>
    %swap3A_700 = vector.shape_cast %swap3A_699 : vector<1x50x256xf32> to vector<50x256xf32>
    %swap3A_701 = vector.shape_cast %get3A_695 : vector<50x256xf32> to vector<1x50x256xf32>
    tpu.vector_store %arg3[%swap3A_696, %swap3A_697, %swap3A_698], %swap3A_701 {strides = array<i32>} : memref<16x50x1024xf32, #tpu.memory_space<vmem>>, vector<1x50x256xf32>,
    return
  }
  func.func @transform_0(%arg0: i32) -> (i32, i32, i32) {
    %c0_i32 = arith.constant 0 : i32
    %c0_i32_0 = arith.constant 0 : i32
    %c0_i32_1 = arith.constant 0 : i32
    return %c0_i32, %arg0, %c0_i32_0 : i32, i32, i32
  }
  func.func @transform_2(%arg0: i32) -> (i32, i32, i32) {
    %c0_i32 = arith.constant 0 : i32
    %c0_i32_0 = arith.constant 0 : i32
    %c0_i32_1 = arith.constant 0 : i32
    return %arg0, %c0_i32, %c0_i32_0 : i32, i32, i32
  }
}

</mosaic_0001>

<sc_bundles>
// kernel: kernel.5.cloned.1.call-start
scs
__scs_entry_jumppad:
0x0: {  	(pc) =	sbr.rel $0x88, $3  }
0x1: {  	(tag) =	ssettag $0x0;
	lr =	simm.s32 $0x1  }
0x2: {  	[smem:$0x3F9C] =	sst lr;
	_ =	strace $0xD0000000  }
0x3: {  	_ = 	snop  }
0x4: {  	_ = 	snop  }
0x5: {  	_ = 	snop  }
0x6: {  	_ = 	snop  }
0x7: {  	_ = 	snop  }
__scs_overlays_trampoline_lowered:
0x8: {  	[smem:$0x3FAB] =	sst s0  }
0x9: {  	[smem:$0x3FAC] =	sst s1  }
0xa: {  	[smem:$0x3FAD] =	sst s2  }
0xb: {  	[smem:$0x3FAE] =	sst s3  }
0xc: {  	[smem:$0x3FAF] =	sst s4  }
0xd: {  	[smem:$0x3FB0] =	sst s5  }
0xe: {  	[smem:$0x3FB1] =	sst s6  }
0xf: {  	[smem:$0x3FB2] =	sst s7  }
0x10: {  	[smem:$0x3FB3] =	sst s8  }
0x11: {  	[smem:$0x3FB4] =	sst s9;
	s0 =	simm.s32 @!p0 $0x0  }
0x12: {  	s1 =	sld [smem:$0x3F9A];
	s0 =	simm.s32 @p0 $0x1  }
0x13: {  	[smem:$0x3FB5] =	sst s0;
	s0 =	simm.s32 @!p1 $0x0  }
0x14: {  	s2 =	sld [smem:$0x3F99];
	s0 =	simm.s32 @p1 $0x1  }
0x15: {  	[smem:$0x3FB6] =	sst s0;
	s0 =	simm.s32 @!p2 $0x0  }
0x16: {  	s3 =	sld [smem:$0x3FDB];
	s0 =	simm.s32 @p2 $0x1  }
0x17: {  	s4 =	simm.s32 $0x1BF5;
	[smem:$0x3FB8] =	sst s0  }
0x18: {  	s0 =	sld [smem:$0x3F9B];
	_ =	swait.ge [sflag:s4], $0x0  }
0x19: {  	s7 =	sld [smem:$0x3F9C]  }
0x1a: {  	s8 =	sadd.s32 $0xFFFFE003, lr  }
0x1b: {  	s9 =	sadd.s32 $0xFFFFFEF7, lr;
	s5 =	simm.s32 $0xFFFFFFFF;
	p2 =	slt.u32 s8, $0xFFFFF086  }
0x1c: {  	p1 =	slt.u32 s9, $0xF7A;
	s5 =	simm.s32 @!p2 $0x0  }
0x1d: {  	s5 =	simm.s32 @p1 $0x1;
	p0 =	seq.s32 s7, s2  }
0x1e: {  	s7 =	smul.u32 @!p0 $0xF7A, s2;
	p2 =	seq.s32 @!p0 s5, $0x0  }
0x1f: {  	s9 =	smul.u32 $0xF7A, s1;
	s8 =	simm.s32 @!p0 $0x1BF5;
	p2 =	por !p2, p0  }
0x20: {  	[sflag:s8] =	ssyncset.s32 @!p0 $0xFFFFF086;
	s6 =	sadd.s32 @!p0 s3, s7;
	s7 =	simm.s32 @!p0 $0x108  }
0x21: {  	s3 =	sadd.s32 s3, s9;
	s6 =	sadd.s32 @!p0 $0x88, s6;
	s7 =	simm.s32 @p2 $0x1082  }
0x22: {  	[simem:s7], [sflag:s8] =	dma.local @!p0 [hbm:s6], $0xF7A  }
0x23: {  	s9 =	sor.u32 $0xD0000000, s2;
	s6 =	simm.s32 $0x108;
	_ =	swait.ge @!p0 [sflag:s8], $0x0  }
0x24: {  	s3 =	sadd.s32 $0x88, s3;
	s6 =	simm.s32 @!p1 $0x1082;
	[sflag:s4] =	ssyncset.s32 $0xFFFFF086  }
0x25: {  	[simem:s6], [sflag:s4] =	dma.local [hbm:s3], $0xF7A  }
0x26: {  	[smem:$0x3F9C] =	sst s1;
	(tag) =	ssettag s2;
	_ =	strace s9  }
0x27: {  	s1 =	sld [smem:$0x3FAC]  }
0x28: {  	s2 =	sld [smem:$0x3FAD]  }
0x29: {  	s4 =	sld [smem:$0x3FAF]  }
0x2a: {  	p0 =	seq.s32 s5, $0x0;
	s5 =	sld [smem:$0x3FB0]  }
0x2b: {  	s6 =	sld [smem:$0x3FB1]  }
0x2c: {  	s7 =	sld [smem:$0x3FB2]  }
0x2d: {  	s3 =	simm.s32 $0x108;
	s8 =	sld [smem:$0x3FB3]  }
0x2e: {  	s3 =	simm.s32 @!p0 $0x1082;
	s9 =	sld [smem:$0x3FB4]  }
0x2f: {  	lr =	sadd.s32 s0, s3;
	s0 =	sld [smem:$0x3FAB]  }
0x30: {  	s3 =	sld [smem:$0x3FAE]  }
0x31: {  	[smem:$0x3FB7] =	sst s10  }
0x32: {  	s10 =	sld [smem:$0x3FB5];
	_ =	sdelay $0x3  }
0x33: {  	p0 =	seq.s32 s10, $0x1;
	s10 =	sld [smem:$0x3FB7];
	_ =	sdelay $0x3  }
0x34: {  	[smem:$0x3FB7] =	sst s10  }
0x35: {  	s10 =	sld [smem:$0x3FB6];
	_ =	sdelay $0x3  }
0x36: {  	p1 =	seq.s32 s10, $0x1;
	s10 =	sld [smem:$0x3FB7];
	_ =	sdelay $0x3  }
0x37: {  	[smem:$0x3FB7] =	sst s10  }
0x38: {  	s10 =	sld [smem:$0x3FB8]  }
0x39: {  	_ = 	snop;
	(pc) =	sbr.ind lr, $3  }
0x3a: {  	_ = 	snop  }
0x3b: {  	_ = 	snop  }
0x3c: {  	p2 =	seq.s32 s10, $0x1;
	s10 =	sld [smem:$0x3FB7]  }
0x3d: {  	_ =	shalt  }
0x3e: {  	_ =	shalt  }
0x3f: {  	_ =	shalt  }
0x40: {  	_ =	shalt  }
0x41: {  	_ =	shalt  }
0x42: {  	_ =	shalt  }
0x43: {  	_ =	shalt  }
0x44: {  	_ =	shalt  }
0x45: {  	_ =	shalt  }
0x46: {  	_ =	shalt  }
0x47: {  	_ =	shalt  }
0x48: {  	_ =	shalt  }
0x49: {  	_ =	shalt  }
0x4a: {  	_ =	shalt  }
0x4b: {  	_ =	shalt  }
0x4c: {  	_ =	shalt  }
0x4d: {  	_ =	shalt  }
0x4e: {  	_ =	shalt  }
0x4f: {  	_ =	shalt  }
0x50: {  	_ =	shalt  }
0x51: {  	_ =	shalt  }
0x52: {  	_ =	shalt  }
0x53: {  	_ =	shalt  }
0x54: {  	_ =	shalt  }
0x55: {  	_ =	shalt  }
0x56: {  	_ =	shalt  }
0x57: {  	_ =	shalt  }
0x58: {  	_ =	shalt  }
0x59: {  	_ =	shalt  }
0x5a: {  	_ =	shalt  }
0x5b: {  	_ =	shalt  }
0x5c: {  	_ =	shalt  }
0x5d: {  	_ =	shalt  }
0x5e: {  	_ =	shalt  }
0x5f: {  	_ =	shalt  }
0x60: {  	_ =	shalt  }
0x61: {  	_ =	shalt  }
0x62: {  	_ =	shalt  }
0x63: {  	_ =	shalt  }
0x64: {  	_ =	shalt  }
0x65: {  	_ =	shalt  }
0x66: {  	_ =	shalt  }
0x67: {  	_ =	shalt  }
0x68: {  	_ =	shalt  }
0x69: {  	_ =	shalt  }
0x6a: {  	_ =	shalt  }
0x6b: {  	_ =	shalt  }
0x6c: {  	_ =	shalt  }
0x6d: {  	_ =	shalt  }
0x6e: {  	_ =	shalt  }
0x6f: {  	_ =	shalt  }
0x70: {  	_ =	shalt  }
0x71: {  	_ =	shalt  }
0x72: {  	_ =	shalt  }
0x73: {  	_ =	shalt  }
0x74: {  	_ =	shalt  }
0x75: {  	_ =	shalt  }
0x76: {  	_ =	shalt  }
0x77: {  	_ =	shalt  }
0x78: {  	_ =	shalt  }
0x79: {  	_ =	shalt  }
0x7a: {  	_ =	shalt  }
0x7b: {  	_ =	shalt  }
0x7c: {  	_ =	shalt  }
0x7d: {  	_ =	shalt  }
0x7e: {  	_ =	shalt  }
0x7f: {  	_ =	shalt  }
0x80: {  	_ =	shalt  }
0x81: {  	_ =	shalt  }
0x82: {  	_ =	shalt  }
0x83: {  	_ =	shalt  }
0x84: {  	_ =	shalt  }
0x85: {  	_ =	shalt  }
0x86: {  	_ =	shalt  }
0x87: {  	_ =	shalt  }
.Lfunc_end0:
.L_simem_size_0:
called_computation_lowered:
.L_overlay_start_0:
0x88: {  	s2 =	sld [smem:$0x3FD9]  }
0x89: {  	s3 =	sld [smem:$0x3FFE];
	_ =	sdelay $0x1  }
0x8a: {  	s1 =	srdreg.scid  }
0x8b: {  	s0 =	sand.u32 $0x1, s1  }
0x8c: {  	s16 =	sshll.u32 s0, $0xA;
	s2 =	sadd.s32 s3, s2  }
0x8d: {  	s2 =	sadd.s32 s2, s16  }
0x8e: {  	[smem:$0x3FC3] =	sst s2  }
0x8f: {  	_ = 	snop  }
0x90: {  	(tm) =	ssettm $0x1  }
0x91: {  	s17 =	sld [smem:$0x3FFB];
	_ =	sdelay $0x3  }
0x92: {  	_ =	strace s17  }
0x93: {  	s2 =	sld [smem:$0x3FFC];
	_ =	sdelay $0x3  }
0x94: {  	_ =	strace s2  }
0x95: {  	s2 =	sld [smem:$0x3FFD];
	_ =	sdelay $0x3  }
0x96: {  	_ =	strace s2  }
0x97: {  	_ =	strace $0x8FFFFFFF  }
0x98: {  	s18 =	sld [smem:$0x3FDB];
	_ =	sdelay $0x1  }
0x99: {  	s19 =	simm.s32 $_scs_section_size  }
0x9a: {  	s4 =	simm.s32 $_size__tile_overlayer_lowered;
	s5 =	simm.s32 $_tile_overlayer_lowered  }
0x9b: {  	s22 =	simm.s32 $0x1BFF;
	s21 =	sshll.u32 s5, $0x1;
	s2 =	sadd.s32 s19, s18  }
0x9c: {  	s6 =	simm.s32 $0x0;
	s20 =	sshll.u32 s4, $0x1;
	s4 =	sadd.s32 s21, s2  }
0x9d: {  	[timem:s6], [sflag:s22] =	dma.local [hbm:s4], s20  }
0x9e: {  	_ =	swait.ge [sflag:s22], s20  }
0x9f: {  	s3 =	ssub.s32 $0x0, s20;
	[sflag:s22] =	ssyncset.done $0x0  }
0xa0: {  	[sflag:s22] =	ssyncadd.s32 s3;
	_ =	sdelay $0x1  }
0xa1: {  	s23 =	simm.s32 $0x1B8B  }
0xa2: {  	_ =	swait.ge [sflag:s23], $0x1  }
0xa3: {  	[sflag:s23] =	ssyncset.done $0x0  }
0xa4: {  	s25 =	simm.s32 $0x1B8E;
	s24 =	sld [smem:$0x3FFE];
	[sflag:s23] =	ssyncadd.s32 $0xFFFFFFFF  }
0xa5: {  	s26 =	simm.s32 $execute0_lowered;
	[smem:$0x3FD2] =	sst s25  }
0xa6: {  	s4 =	sshll.u32 s26, $0x1;
	_ =	strace $0x80000046;
	[dreg:$0x1] =	wrdreg $0xFFFFFFFF  }
0xa7: {  	s28 =	simm.s32 $_size_execute0_lowered;
	s2 =	sadd.s32 s2, s4;
	[dreg:$0x0] =	wrdreg $0x0  }
0xa8: {  	s4 =	sshll.u32 s28, $0x1;
	[dreg:$0x2] =	wrdreg s2  }
0xa9: {  	[dreg:$0x3] =	wrdreg s4  }
0xaa: {  	[dreg:$0x4] =	wrdreg $0xC0  }
0xab: {  	_ =	task [dreg:s6], $0x5FFFF  }
0xac: {  	[dreg:$0x1] =	wrdreg $0xFFFFFFFF  }
0xad: {  	[dreg:$0x0] =	wrdreg $0x60  }
0xae: {  	[dreg:$0x2] =	wrdreg s24  }
0xaf: {  	[dreg:$0x3] =	wrdreg $0x9  }
0xb0: {  	_ =	task.clear_ibuf [dreg:s6], $0x4FFFF;
	_ =	strace $0x90000046  }
0xb1: {  	s29 =	simm.s32 $0x9;
	_ =	strace $0x80000048  }
0xb2: {  	_ =	swait.ge [sflag:s29], $0x1  }
0xb3: {  	[sflag:s29] =	ssyncadd.s32 $0xFFFFFFFF  }
0xb4: {  	_ =	strace $0x90000048  }
0xb5: {  	_ =	sfence  }
0xb6: {  	s30 =	sld [smem:$0x0];
	_ =	sdelay $0x2  }
0xb7: {  	s31 =	sshll.u32 s1, $0xD;
	s1 =	sshrl.u32 s1, $0x2  }
0xb8: {  	s3 =	sand.u32 $0x4000, s31;
	s1 =	sadd.s32 s1, s30  }
0xb9: {  	s0 =	sor.u32 s3, s0;
	s1 =	sshll.u32 s1, $0x11  }
0xba: {  	s0 =	sor.u32 s1, s0  }
0xbb: {  	s0 =	sadd.s32 $0x8F2B, s0  }
0xbc: {  	[sflag:s0] =	ssyncadd.remote.s32 $0x1  }
0xbd: {  	_ =	sfence.sel $0xFFFF  }
0xbe: {  	[dreg:$0x0] =	wrdreg $0xFFFFFFFF;
	(pc) =	sbr.abs _section_cstart, $3  }
0xbf: {  	[dreg:$0x1] =	wrdreg $0xFFFFFFFF  }
0xc0: {  	_ =	task.clear_ibuf [dreg:s6], $0x2FFFF;
	_ =	strace $0x9FFFFFFF  }
0xc1: {  	(tm) =	ssettm $0x7FFFFFFF  }
tec
execute0_lowered:
.L_overlay_start_1:
0x0: {  	(tag) =	ssettag $0x1  }
0x1: {  	s0 =	rddreg [dreg:$0x0]  }
0x2: {  	s1 =	simm.s32 $0x0;
	s2 =	srdreg.scid;
	s10 =	stileid.u32  }
0x3: {  	s16 =	simm.s32 $0x1680;
	s17 =	simm.s32 $0x1E80;
	s18 =	simm.s32 $0x2680  }
0x4: {  	s19 =	simm.s32 $0x2E80;
	s20 =	simm.s32 $0x3680;
	s21 =	simm.s32 $0x3E80  }
0x5: {  	s28 =	simm.s32 $0x6680;
	s29 =	simm.s32 $0x6E80;
	s30 =	simm.s32 $0x7680  }
0x6: {  	s31 =	simm.s32 $0x7E80;
	[smem:$0x7FF] =	sst s1;
	s3 =	sadd.s32 $0x20600, s0  }
0x7: {  	s2 =	sand.u32 $0x1, s2;
	s4 =	sadd.s32 $0x1200, s0;
	s5 =	sshrl.u32 s10, $0x1  }
0x8: {  	s8 =	sand.u32 $0x1, s10;
	s9 =	sadd.s32 $0x20800, s0;
	s7 =	smul.u32 $0x320, s5  }
0x9: {  	s24 =	sshll.u32 s10, $0x1;
	_ =	strace $0x80000047;
	s23 =	smul.u32 $0x320000, s8  }
0xa: {  	[dreg:$0x3] =	wrdreg s3;
	s22 =	ssub.s32 $0x2, s2;
	s25 =	smul.u32 $0x190000, s2  }
0xb: {  	s8 =	sand.u32 $0x2, s24;
	s26 =	smul.u32 $0x32000, s5;
	s6 =	sshrl.u32 s22, $0x1  }
0xc: {  	s24 =	simm.s32 $0x5680;
	s2 =	sor.u32 s2, s8;
	s3 =	ssub.s32 s22, s6  }
0xd: {  	s7 =	sshrl.u32 s7, $0x3;
	s12 =	sadd.s32 s25, s23;
	s15 =	smul.u32 $0x3E8, s2  }
0xe: {  	p0 =	seq.s32 s2, $0x2;
	p1 =	seq.s32 s2, $0x1;
	p2 =	seq.s32 s2, $0x0  }
0xf: {  	s22 =	simm.s32 $0x4680;
	s23 =	simm.s32 $0x4E80;
	s2 =	simm.s32 $0x8E80  }
0x10: {  	s6 =	simm.s32 $0x0;
	s7 =	sadd.s32 s0, s7;
	s0 =	sadd.s32 s26, s12  }
0x11: {  	s3 =	smax.u32 s3, $0x1;
	s12 =	simm.s32 $0x9680;
	[dreg:$0x4] =	wrdreg s7  }
0x12: {  	s11 =	sadd.s32 $0xC00, s7;
	s13 =	sadd.s32 $0x800, s7;
	[dreg:$0x8] =	wrdreg s3  }
0x13: {  	s14 =	sadd.s32 $0x400, s7;
	s25 =	sshrl.u32 s0, $0x3;
	[dreg:$0x5] =	wrdreg s11  }
0x14: {  	s0 =	sadd.s32 $0x5000, s0;
	v0 =	vmov s15;
	s15 =	simm.s32 $0xAE80;
	[dreg:$0x6] =	wrdreg s13  }
0x15: {  	s3 =	simm.s32 $0x2;
	[dreg:$0x7] =	wrdreg s14;
	s26 =	sadd.s32 s25, s9  }
0x16: {  	v3 =	vlaneseq.u32;
	s0 =	sshrl.u32 s0, $0x3;
	s11 =	simm.s32 $0x3;
	s25 =	simm.s32 $0x5E80  }
0x17: {  	vm0 =	vmmov $0xffff;
	v2 =	vshrl.u32 v3, $0x3;
	s13 =	simm.s32 $0x9E80;
	s14 =	simm.s32 $0xA680;
	[dreg:$0x2] =	wrdreg s26  }
0x18: {  	v1 =	vand.u32 $0x7, v3;
	v3 =	vor.u32 $0x8, v3;
	v2 =	vmul.u32 $0x8, v2;
	s10 =	sadd.s32 s0, s9;
	s26 =	simm.s32 $0x1;
	s0 =	simm.s32 $0x8680  }
.LBB2_1:
0x19: {  	s5 =	rddreg [dreg:$0x5]  }
0x1a: {  	[tilespmem:s1], [sflag:$0x3] =	stream.linear.gather [hbm4b:s5+s1], $0x320, $0x38;
	[tilespmem:$0xB680] =	vst v63  }
0x1b: {  	_ =	swait.ge [sflag:s11], $0x320  }
0x1c: {  	[sflag:s11] =	ssyncset.done $0x0  }
0x1d: {  	s7 =	simm.s32 $0x380;
	s9 =	rddreg [dreg:$0x6];
	[sflag:s11] =	ssyncadd.s32 $0xFFFFFCE0  }
0x1e: {  	[tilespmem:s7], [sflag:$0x3] =	stream.linear.gather [hbm4b:s9+s1], $0x320, $0x38;
	[tilespmem:$0xB680] =	vst v63  }
0x1f: {  	_ =	swait.ge [sflag:s11], $0x320  }
0x20: {  	[sflag:s11] =	ssyncset.done $0x0  }
0x21: {  	s9 =	simm.s32 $0x700;
	s8 =	rddreg [dreg:$0x7];
	[sflag:s11] =	ssyncadd.s32 $0xFFFFFCE0  }
0x22: {  	[tilespmem:s9], [sflag:$0x3] =	stream.linear.gather [hbm4b:s8+s1], $0x320, $0x38;
	[tilespmem:$0xB680] =	vst v63  }
0x23: {  	_ =	swait.ge [sflag:s11], $0x320  }
0x24: {  	[sflag:s11] =	ssyncset.done $0x0  }
0x25: {  	s9 =	simm.s32 $0xA80;
	s8 =	rddreg [dreg:$0x4];
	[sflag:s11] =	ssyncadd.s32 $0xFFFFFCE0  }
0x26: {  	[tilespmem:s9], [sflag:$0x3] =	stream.linear.gather [hbm4b:s8+s1], $0x320, $0x38;
	[tilespmem:$0xB680] =	vst v63  }
0x27: {  	_ =	swait.ge [sflag:s11], $0x320  }
0x28: {  	[sflag:s11] =	ssyncset.done $0x0  }
0x29: {  	s9 =	simm.s32 $0xE00;
	s8 =	rddreg [dreg:$0x3];
	[sflag:s11] =	ssyncadd.s32 $0xFFFFFCE0  }
0x2a: {  	[tilespmem:s9], [sflag:$0x3] =	stream.linear.gather [hbm4b:s8+s1], $0x80, $0x38;
	[tilespmem:$0xB680] =	vst v63  }
0x2b: {  	_ =	swait.ge [sflag:s11], $0x80  }
0x2c: {  	[sflag:s11] =	ssyncset.done $0x0  }
0x2d: {  	[sflag:s11] =	ssyncadd.s32 $0xFFFFFF80  }
0x2e: {  	s8 =	simm.s32 $0x0;
	v4 =	vld [tilespmem:$0xE00]  }
0x2f: {  	v5 =	vld [tilespmem:s8+$0x700]  }
0x30: {  	v6 =	vld [tilespmem:s8+$0x0]  }
0x31: {  	v7 =	vld [tilespmem:s8+$0x380]  }
0x32: {  	v8 =	vld [tilespmem:s8+$0xA80];
	_ =	sdelay $0x3  }
0x33: {  	v5 =	vmul.f32 v5, v4;
	v6 =	vmul.f32 v6, v4  }
0x34: {  	v7 =	vmul.f32 v7, v4;
	v8 =	vmul.f32 v8, v4  }
0x35: {  	v5 =	vmax.f32 v5, $0.0e+00  }
0x36: {  	v6 =	vmax.f32 v6, $0.0e+00;
	v7 =	vmax.f32 v7, $0.0e+00;
	v8 =	vmax.f32 v8, $0.0e+00  }
0x37: {  	v5 =	vmin.f32 v5, $9.990000000e+02;
	v6 =	vmin.f32 v6, $9.990000000e+02;
	v7 =	vmin.f32 v7, $9.990000000e+02  }
0x38: {  	v8 =	vmin.f32 v8, $9.990000000e+02;
	v5 =	vtrunc.f32 v5;
	v6 =	vtrunc.f32 v6  }
0x39: {  	v8 =	vtrunc.f32 v8;
	v7 =	vtrunc.f32 v7  }
0x3a: {  	v5 =	vcvt.f32.s32 v5;
	v6 =	vcvt.f32.s32 v6  }
0x3b: {  	v8 =	vcvt.f32.s32 v8;
	v7 =	vcvt.f32.s32 v7;
	_ =	sdelay $0x1  }
0x3c: {  	v5 =	vsub.s32 v5, v6;
	v8 =	vsub.s32 v8, v7  }
0x3d: {  	v5 =	vpsel p0, v5, v8  }
0x3e: {  	vm1 =	vgt.s32 v5, $0x0  }
0x3f: {  	v5 =	vnsel vm1, $0x0, v5  }
0x40: {  	v5 =	vmin.u32 v5, $0x3E7  }
0x41: {  	v5 =	vpsel p1, v7, v5  }
0x42: {  	v5 =	vpsel p2, v6, v5  }
0x43: {  	s7 =	simm.s32 $0xEA0;
	v5 =	vadd.s32 v0, v5  }
0x44: {  	[tilespmem:s7+$0xFFFFFFE0] =	vst v5  }
0x45: {  	v5 =	vld [tilespmem:s8+$0x10]  }
0x46: {  	v6 =	vld [tilespmem:s8+$0x390]  }
0x47: {  	v7 =	vld [tilespmem:s8+$0x710]  }
0x48: {  	v8 =	vld [tilespmem:s8+$0xA90];
	_ =	sdelay $0x3  }
0x49: {  	v5 =	vmul.f32 v5, v4;
	v6 =	vmul.f32 v6, v4  }
0x4a: {  	v7 =	vmul.f32 v7, v4;
	v8 =	vmul.f32 v8, v4  }
0x4b: {  	v5 =	vmax.f32 v5, $0.0e+00  }
0x4c: {  	v6 =	vmax.f32 v6, $0.0e+00;
	v7 =	vmax.f32 v7, $0.0e+00;
	v8 =	vmax.f32 v8, $0.0e+00  }
0x4d: {  	v5 =	vmin.f32 v5, $9.990000000e+02;
	v6 =	vmin.f32 v6, $9.990000000e+02;
	v7 =	vmin.f32 v7, $9.990000000e+02  }
0x4e: {  	v8 =	vmin.f32 v8, $9.990000000e+02;
	v5 =	vtrunc.f32 v5;
	v6 =	vtrunc.f32 v6  }
0x4f: {  	v7 =	vtrunc.f32 v7;
	v8 =	vtrunc.f32 v8  }
0x50: {  	v5 =	vcvt.f32.s32 v5;
	v6 =	vcvt.f32.s32 v6  }
0x51: {  	v7 =	vcvt.f32.s32 v7;
	v8 =	vcvt.f32.s32 v8;
	_ =	sdelay $0x1  }
0x52: {  	v7 =	vsub.s32 v7, v5;
	v8 =	vsub.s32 v8, v6  }
0x53: {  	v7 =	vpsel p0, v7, v8  }
0x54: {  	vm1 =	vgt.s32 v7, $0x0  }
0x55: {  	v7 =	vnsel vm1, $0x0, v7  }
0x56: {  	v7 =	vmin.u32 v7, $0x3E7  }
0x57: {  	v6 =	vpsel p1, v6, v7  }
0x58: {  	v5 =	vpsel p2, v5, v6  }
0x59: {  	v5 =	vadd.s32 v0, v5  }
0x5a: {  	[tilespmem:s7+$0xFFFFFFF0] =	vst v5  }
0x5b: {  	v5 =	vld [tilespmem:s8+$0x20]  }
0x5c: {  	v6 =	vld [tilespmem:s8+$0x720]  }
0x5d: {  	v7 =	vld [tilespmem:s8+$0x3A0]  }
0x5e: {  	v8 =	vld [tilespmem:s8+$0xAA0];
	_ =	sdelay $0x3  }
0x5f: {  	v5 =	vmul.f32 v5, v4;
	v6 =	vmul.f32 v6, v4  }
0x60: {  	v7 =	vmul.f32 v7, v4;
	v8 =	vmul.f32 v8, v4  }
0x61: {  	v5 =	vmax.f32 v5, $0.0e+00  }
0x62: {  	v6 =	vmax.f32 v6, $0.0e+00;
	v7 =	vmax.f32 v7, $0.0e+00;
	v8 =	vmax.f32 v8, $0.0e+00  }
0x63: {  	v5 =	vmin.f32 v5, $9.990000000e+02;
	v6 =	vmin.f32 v6, $9.990000000e+02;
	v7 =	vmin.f32 v7, $9.990000000e+02  }
0x64: {  	v8 =	vmin.f32 v8, $9.990000000e+02;
	v5 =	vtrunc.f32 v5;
	v6 =	vtrunc.f32 v6  }
0x65: {  	v7 =	vtrunc.f32 v7;
	v8 =	vtrunc.f32 v8  }
0x66: {  	v5 =	vcvt.f32.s32 v5;
	v6 =	vcvt.f32.s32 v6  }
0x67: {  	v7 =	vcvt.f32.s32 v7;
	v8 =	vcvt.f32.s32 v8;
	_ =	sdelay $0x1  }
0x68: {  	v6 =	vsub.s32 v6, v5;
	v8 =	vsub.s32 v8, v7  }
0x69: {  	v6 =	vpsel p0, v6, v8  }
0x6a: {  	vm1 =	vgt.s32 v6, $0x0  }
0x6b: {  	v6 =	vnsel vm1, $0x0, v6  }
0x6c: {  	v6 =	vmin.u32 v6, $0x3E7  }
0x6d: {  	v6 =	vpsel p1, v7, v6  }
0x6e: {  	v5 =	vpsel p2, v5, v6  }
0x6f: {  	v5 =	vadd.s32 v0, v5  }
0x70: {  	[tilespmem:s7+$0x0] =	vst v5  }
0x71: {  	v5 =	vld [tilespmem:s8+$0x30]  }
0x72: {  	v6 =	vld [tilespmem:s8+$0x3B0]  }
0x73: {  	v7 =	vld [tilespmem:s8+$0xAB0]  }
0x74: {  	v8 =	vld [tilespmem:s8+$0x730];
	_ =	sdelay $0x3  }
0x75: {  	v5 =	vmul.f32 v5, v4;
	v6 =	vmul.f32 v6, v4  }
0x76: {  	v7 =	vmul.f32 v7, v4;
	v8 =	vmul.f32 v8, v4  }
0x77: {  	v5 =	vmax.f32 v5, $0.0e+00  }
0x78: {  	v6 =	vmax.f32 v6, $0.0e+00;
	v7 =	vmax.f32 v7, $0.0e+00;
	v8 =	vmax.f32 v8, $0.0e+00  }
0x79: {  	v5 =	vmin.f32 v5, $9.990000000e+02;
	v6 =	vmin.f32 v6, $9.990000000e+02;
	v7 =	vmin.f32 v7, $9.990000000e+02  }
0x7a: {  	v8 =	vmin.f32 v8, $9.990000000e+02;
	v5 =	vtrunc.f32 v5;
	v6 =	vtrunc.f32 v6  }
0x7b: {  	v7 =	vtrunc.f32 v7;
	v8 =	vtrunc.f32 v8  }
0x7c: {  	v5 =	vcvt.f32.s32 v5;
	v7 =	vcvt.f32.s32 v7  }
0x7d: {  	v6 =	vcvt.f32.s32 v6;
	v8 =	vcvt.f32.s32 v8;
	_ =	sdelay $0x1  }
0x7e: {  	v8 =	vsub.s32 v8, v5;
	v7 =	vsub.s32 v7, v6  }
0x7f: {  	v7 =	vpsel p0, v8, v7  }
0x80: {  	vm1 =	vgt.s32 v7, $0x0  }
0x81: {  	v7 =	vnsel vm1, $0x0, v7  }
0x82: {  	v7 =	vmin.u32 v7, $0x3E7  }
0x83: {  	v6 =	vpsel p1, v6, v7  }
0x84: {  	v5 =	vpsel p2, v5, v6  }
0x85: {  	v5 =	vadd.s32 v0, v5  }
0x86: {  	[tilespmem:s7+$0x10] =	vst v5  }
0x87: {  	v6 =	vld [tilespmem:s8+$0xAC0]  }
0x88: {  	v7 =	vld [tilespmem:s8+$0x40]  }
0x89: {  	v8 =	vld [tilespmem:s8+$0x740]  }
0x8a: {  	s9 =	simm.s32 $0x140;
	v5 =	vld [tilespmem:s8+$0x3C0];
	s8 =	simm.s32 $0xEA0  }
.LBB2_2:
0x8b: {  	p3 =	sne.s32 s9, $0xB40  }
0x8c: {  	s7 =	sadd.s32 $0x80, s7;
	s5 =	smov.u32 s9;
	s9 =	sadd.s32 $0x140, s9  }
0x8d: {  	v6 =	vmul.f32 v6, v4  }
0x8e: {  	v7 =	vmul.f32 v7, v4  }
0x8f: {  	v8 =	vmul.f32 v8, v4;
	v6 =	vmax.f32 v6, $0.0e+00  }
0x90: {  	v7 =	vmax.f32 v7, $0.0e+00;
	v5 =	vmul.f32 v5, v4;
	v6 =	vmin.f32 v6, $9.990000000e+02  }
0x91: {  	v7 =	vmin.f32 v7, $9.990000000e+02;
	v8 =	vmax.f32 v8, $0.0e+00;
	v6 =	vtrunc.f32 v6  }
0x92: {  	v7 =	vtrunc.f32 v7;
	v5 =	vmax.f32 v5, $0.0e+00;
	v8 =	vmin.f32 v8, $9.990000000e+02  }
0x93: {  	v7 =	vcvt.f32.s32 v7;
	v5 =	vmin.f32 v5, $9.990000000e+02;
	v8 =	vtrunc.f32 v8  }
0x94: {  	v5 =	vtrunc.f32 v5;
	v8 =	vcvt.f32.s32 v8  }
0x95: {  	v6 =	vcvt.f32.s32 v6;
	v5 =	vcvt.f32.s32 v5  }
0x96: {  	v8 =	vsub.s32 v8, v7  }
0x97: {  	v6 =	vsub.s32 v6, v5  }
0x98: {  	v6 =	vpsel p0, v8, v6  }
0x99: {  	vm1 =	vgt.s32 v6, $0x0  }
0x9a: {  	v6 =	vnsel vm1, $0x0, v6  }
0x9b: {  	v6 =	vmin.u32 v6, $0x3E7  }
0x9c: {  	v5 =	vpsel p1, v5, v6  }
0x9d: {  	v5 =	vpsel p2, v7, v5  }
0x9e: {  	s5 =	sshra.s32 s5, $0x2;
	v5 =	vadd.s32 v0, v5  }
0x9f: {  	[tilespmem:s8+$0x20] =	vst v5;
	s8 =	smov.u32 s7  }
0xa0: {  	v5 =	vld [tilespmem:s5+$0x700]  }
0xa1: {  	v6 =	vld [tilespmem:s5+$0x380]  }
0xa2: {  	v7 =	vld [tilespmem:s5+$0x0]  }
0xa3: {  	v8 =	vld [tilespmem:s5+$0xA80];
	_ =	sdelay $0x1  }
0xa4: {  	v5 =	vmul.f32 v5, v4  }
0xa5: {  	v6 =	vmul.f32 v6, v4  }
0xa6: {  	v7 =	vmul.f32 v7, v4;
	v5 =	vmax.f32 v5, $0.0e+00  }
0xa7: {  	v5 =	vmin.f32 v5, $9.990000000e+02;
	v8 =	vmul.f32 v8, v4  }
0xa8: {  	v6 =	vmax.f32 v6, $0.0e+00;
	v7 =	vmax.f32 v7, $0.0e+00;
	v5 =	vtrunc.f32 v5  }
0xa9: {  	v7 =	vmin.f32 v7, $9.990000000e+02;
	v5 =	vcvt.f32.s32 v5;
	v8 =	vmax.f32 v8, $0.0e+00  }
0xaa: {  	v6 =	vmin.f32 v6, $9.990000000e+02;
	v7 =	vtrunc.f32 v7;
	v8 =	vmin.f32 v8, $9.990000000e+02  }
0xab: {  	v7 =	vcvt.f32.s32 v7;
	v8 =	vtrunc.f32 v8  }
0xac: {  	v6 =	vtrunc.f32 v6;
	v8 =	vcvt.f32.s32 v8  }
0xad: {  	v6 =	vcvt.f32.s32 v6;
	v5 =	vsub.s32 v5, v7;
	_ =	sdelay $0x1  }
0xae: {  	v8 =	vsub.s32 v8, v6  }
0xaf: {  	v5 =	vpsel p0, v5, v8  }
0xb0: {  	vm1 =	vgt.s32 v5, $0x0  }
0xb1: {  	v5 =	vnsel vm1, $0x0, v5  }
0xb2: {  	v5 =	vmin.u32 v5, $0x3E7  }
0xb3: {  	v5 =	vpsel p1, v6, v5  }
0xb4: {  	v5 =	vpsel p2, v7, v5  }
0xb5: {  	v5 =	vadd.s32 v0, v5  }
0xb6: {  	[tilespmem:s7+$0xFFFFFFE0] =	vst v5  }
0xb7: {  	v5 =	vld [tilespmem:s5+$0x10]  }
0xb8: {  	v6 =	vld [tilespmem:s5+$0x390]  }
0xb9: {  	v7 =	vld [tilespmem:s5+$0x710]  }
0xba: {  	v8 =	vld [tilespmem:s5+$0xA90];
	_ =	sdelay $0x1  }
0xbb: {  	v5 =	vmul.f32 v5, v4  }
0xbc: {  	v6 =	vmul.f32 v6, v4  }
0xbd: {  	v5 =	vmax.f32 v5, $0.0e+00;
	v7 =	vmul.f32 v7, v4  }
0xbe: {  	v5 =	vmin.f32 v5, $9.990000000e+02;
	v6 =	vmax.f32 v6, $0.0e+00;
	v8 =	vmul.f32 v8, v4  }
0xbf: {  	v5 =	vtrunc.f32 v5;
	v6 =	vmin.f32 v6, $9.990000000e+02;
	v7 =	vmax.f32 v7, $0.0e+00  }
0xc0: {  	v5 =	vcvt.f32.s32 v5;
	v6 =	vtrunc.f32 v6;
	v8 =	vmax.f32 v8, $0.0e+00  }
0xc1: {  	v7 =	vmin.f32 v7, $9.990000000e+02;
	v6 =	vcvt.f32.s32 v6;
	v8 =	vmin.f32 v8, $9.990000000e+02  }
0xc2: {  	v7 =	vtrunc.f32 v7;
	v8 =	vtrunc.f32 v8  }
0xc3: {  	v7 =	vcvt.f32.s32 v7;
	v8 =	vcvt.f32.s32 v8;
	_ =	sdelay $0x1  }
0xc4: {  	v7 =	vsub.s32 v7, v5;
	v8 =	vsub.s32 v8, v6  }
0xc5: {  	v7 =	vpsel p0, v7, v8  }
0xc6: {  	vm1 =	vgt.s32 v7, $0x0  }
0xc7: {  	v7 =	vnsel vm1, $0x0, v7  }
0xc8: {  	v7 =	vmin.u32 v7, $0x3E7  }
0xc9: {  	v6 =	vpsel p1, v6, v7  }
0xca: {  	v5 =	vpsel p2, v5, v6  }
0xcb: {  	v5 =	vadd.s32 v0, v5  }
0xcc: {  	[tilespmem:s7+$0xFFFFFFF0] =	vst v5  }
0xcd: {  	v5 =	vld [tilespmem:s5+$0x20]  }
0xce: {  	v6 =	vld [tilespmem:s5+$0x720]  }
0xcf: {  	v7 =	vld [tilespmem:s5+$0x3A0]  }
0xd0: {  	v8 =	vld [tilespmem:s5+$0xAA0];
	_ =	sdelay $0x1  }
0xd1: {  	v5 =	vmul.f32 v5, v4  }
0xd2: {  	v6 =	vmul.f32 v6, v4  }
0xd3: {  	v5 =	vmax.f32 v5, $0.0e+00;
	v7 =	vmul.f32 v7, v4  }
0xd4: {  	v5 =	vmin.f32 v5, $9.990000000e+02;
	v6 =	vmax.f32 v6, $0.0e+00;
	v8 =	vmul.f32 v8, v4  }
0xd5: {  	v5 =	vtrunc.f32 v5;
	v7 =	vmax.f32 v7, $0.0e+00;
	v6 =	vmin.f32 v6, $9.990000000e+02  }
0xd6: {  	v7 =	vmin.f32 v7, $9.990000000e+02;
	v6 =	vtrunc.f32 v6;
	v8 =	vmax.f32 v8, $0.0e+00  }
0xd7: {  	v5 =	vcvt.f32.s32 v5;
	v6 =	vcvt.f32.s32 v6;
	v8 =	vmin.f32 v8, $9.990000000e+02  }
0xd8: {  	v7 =	vtrunc.f32 v7;
	v8 =	vtrunc.f32 v8  }
0xd9: {  	v7 =	vcvt.f32.s32 v7;
	v8 =	vcvt.f32.s32 v8;
	v6 =	vsub.s32 v6, v5;
	_ =	sdelay $0x1  }
0xda: {  	v8 =	vsub.s32 v8, v7  }
0xdb: {  	v6 =	vpsel p0, v6, v8  }
0xdc: {  	vm1 =	vgt.s32 v6, $0x0  }
0xdd: {  	v6 =	vnsel vm1, $0x0, v6  }
0xde: {  	v6 =	vmin.u32 v6, $0x3E7  }
0xdf: {  	v6 =	vpsel p1, v7, v6  }
0xe0: {  	v5 =	vpsel p2, v5, v6  }
0xe1: {  	v5 =	vadd.s32 v0, v5  }
0xe2: {  	[tilespmem:s7+$0x0] =	vst v5  }
0xe3: {  	v5 =	vld [tilespmem:s5+$0x30]  }
0xe4: {  	v6 =	vld [tilespmem:s5+$0x3B0]  }
0xe5: {  	v7 =	vld [tilespmem:s5+$0xAB0];
	_ =	sdelay $0x2  }
0xe6: {  	v5 =	vmul.f32 v5, v4;
	v8 =	vld [tilespmem:s5+$0x730]  }
0xe7: {  	v6 =	vmul.f32 v6, v4  }
0xe8: {  	v5 =	vmax.f32 v5, $0.0e+00;
	v7 =	vmul.f32 v7, v4  }
0xe9: {  	v5 =	vmin.f32 v5, $9.990000000e+02;
	v6 =	vmax.f32 v6, $0.0e+00  }
0xea: {  	v5 =	vtrunc.f32 v5;
	v6 =	vmin.f32 v6, $9.990000000e+02;
	v7 =	vmax.f32 v7, $0.0e+00  }
0xeb: {  	v6 =	vtrunc.f32 v6;
	v8 =	vmul.f32 v8, v4;
	v7 =	vmin.f32 v7, $9.990000000e+02  }
0xec: {  	v7 =	vtrunc.f32 v7  }
0xed: {  	v5 =	vcvt.f32.s32 v5;
	v8 =	vmax.f32 v8, $0.0e+00;
	v7 =	vcvt.f32.s32 v7  }
0xee: {  	v8 =	vmin.f32 v8, $9.990000000e+02  }
0xef: {  	v8 =	vtrunc.f32 v8  }
0xf0: {  	v6 =	vcvt.f32.s32 v6;
	v8 =	vcvt.f32.s32 v8;
	_ =	sdelay $0x1  }
0xf1: {  	v7 =	vsub.s32 v7, v6;
	v8 =	vsub.s32 v8, v5  }
0xf2: {  	v7 =	vpsel p0, v8, v7  }
0xf3: {  	vm1 =	vgt.s32 v7, $0x0  }
0xf4: {  	v7 =	vnsel vm1, $0x0, v7  }
0xf5: {  	v7 =	vmin.u32 v7, $0x3E7  }
0xf6: {  	v6 =	vpsel p1, v6, v7  }
0xf7: {  	v5 =	vpsel p2, v5, v6  }
0xf8: {  	v5 =	vadd.s32 v0, v5  }
.Ltmp0:
0xf9: {  	[tilespmem:s7+$0x10] =	vst v5;
	(pc) =	sbr.rel @p3 .LBB2_2-.Ltmp0, $4  }
0xfa: {  	v6 =	vld [tilespmem:s5+$0xAC0]  }
0xfb: {  	v7 =	vld [tilespmem:s5+$0x40]  }
0xfc: {  	v8 =	vld [tilespmem:s5+$0x740]  }
0xfd: {  	v5 =	vld [tilespmem:s5+$0x3C0]  }
0xfe: {  	_ = 	snop  }
0xff: {  	v6 =	vmul.f32 v6, v4  }
0x100: {  	v7 =	vmul.f32 v7, v4  }
0x101: {  	v8 =	vmul.f32 v8, v4;
	v6 =	vmax.f32 v6, $0.0e+00  }
0x102: {  	v7 =	vmax.f32 v7, $0.0e+00;
	v4 =	vmul.f32 v5, v4;
	v5 =	vmin.f32 v6, $9.990000000e+02  }
0x103: {  	v62 =	vmin.f32 v7, $9.990000000e+02;
	v63 =	vmax.f32 v8, $0.0e+00;
	v5 =	vtrunc.f32 v5  }
0x104: {  	v6 =	vtrunc.f32 v62;
	v4 =	vmax.f32 v4, $0.0e+00;
	v7 =	vmin.f32 v63, $9.990000000e+02  }
0x105: {  	v5 =	vcvt.f32.s32 v5;
	v6 =	vcvt.f32.s32 v6;
	v4 =	vmin.f32 v4, $9.990000000e+02  }
0x106: {  	v7 =	vtrunc.f32 v7;
	v4 =	vtrunc.f32 v4  }
0x107: {  	v7 =	vcvt.f32.s32 v7;
	v4 =	vcvt.f32.s32 v4;
	_ =	sdelay $0x1  }
0x108: {  	v7 =	vsub.s32 v7, v6;
	v5 =	vsub.s32 v5, v4  }
0x109: {  	v5 =	vpsel p0, v7, v5  }
0x10a: {  	vm1 =	vgt.s32 v5, $0x0  }
0x10b: {  	v5 =	vnsel vm1, $0x0, v5  }
0x10c: {  	v5 =	vmin.u32 v5, $0x3E7  }
0x10d: {  	v4 =	vpsel p1, v4, v5  }
0x10e: {  	v4 =	vpsel p2, v6, v4  }
0x10f: {  	v4 =	vadd.s32 v0, v4  }
0x110: {  	s5 =	simm.s32 $0x0;
	s7 =	simm.s32 $0xF00;
	[tilespmem:s8+$0x20] =	vst v4  }
.LBB2_4:
0x111: {  	p3 =	seq.s32 s5, $0x0  }
0x112: {  	s8 =	simm.s32 @!p3 $0x2  }
0x113: {  	_ =	swait.ge @!p3 [sflag:s8], $0x5000  }
0x114: {  	[sflag:s8] =	ssyncset.done @!p3 $0x0  }
0x115: {  	[sflag:s8] =	ssyncadd.s32 @!p3 $0xFFFFB000  }
0x116: {  	v4 =	vld [tilespmem:s7+$0xFFFFFF80];
	_ =	sdelay $0x4  }
0x117: {  	v5 =	vshll.u32 v4, $0x1  }
0x118: {  	v4 =	vand.u32 $0x7, v4;
	v5 =	vand.u32 $0xFFFFFFF0, v5  }
0x119: {  	v4 =	vor.u32 v4, v5  }
0x11a: {  	v5 =	vperm.xlane v4, v1;
	_ =	sdelay $0x1  }
0x11b: {  	v4 =	vperm.xlane v4, v3;
	v5 =	vadd.s32 v2, v5;
	_ =	sdelay $0x1  }
0x11c: {  	v4 =	vadd.s32 v2, v4;
	_ =	sdelay $0x2  }
0x11d: {  	[tilespmem:s16], [sflag:$0x1] =	stream.indirect_vreg.gather [hbm4b:s4+s1], $0x80, v5, vm0, $0xb8;
	[tilespmem:$0xB680] =	vst v63  }
0x11e: {  	_ = 	snop  }
0x11f: {  	[tilespmem:s17], [sflag:$0x1] =	stream.indirect_vreg.gather [hbm4b:s4+s1], $0x80, v4, vm0, $0xb8;
	[tilespmem:$0xB680] =	vst v63  }
0x120: {  	v4 =	vld [tilespmem:s7+$0xFFFFFF90];
	_ =	sdelay $0x4  }
0x121: {  	v5 =	vshll.u32 v4, $0x1  }
0x122: {  	v4 =	vand.u32 $0x7, v4;
	v5 =	vand.u32 $0xFFFFFFF0, v5  }
0x123: {  	v4 =	vor.u32 v4, v5  }
0x124: {  	v5 =	vperm.xlane v4, v1;
	_ =	sdelay $0x1  }
0x125: {  	v4 =	vperm.xlane v4, v3;
	v5 =	vadd.s32 v2, v5;
	_ =	sdelay $0x1  }
0x126: {  	v4 =	vadd.s32 v2, v4;
	_ =	sdelay $0x2  }
0x127: {  	[tilespmem:s18], [sflag:$0x1] =	stream.indirect_vreg.gather [hbm4b:s4+s1], $0x80, v5, vm0, $0xb8;
	[tilespmem:$0xB680] =	vst v63  }
0x128: {  	_ = 	snop  }
0x129: {  	[tilespmem:s19], [sflag:$0x1] =	stream.indirect_vreg.gather [hbm4b:s4+s1], $0x80, v4, vm0, $0xb8;
	[tilespmem:$0xB680] =	vst v63  }
0x12a: {  	v4 =	vld [tilespmem:s7+$0xFFFFFFA0];
	_ =	sdelay $0x4  }
0x12b: {  	v5 =	vshll.u32 v4, $0x1  }
0x12c: {  	v4 =	vand.u32 $0x7, v4;
	v5 =	vand.u32 $0xFFFFFFF0, v5  }
0x12d: {  	v4 =	vor.u32 v4, v5  }
0x12e: {  	v5 =	vperm.xlane v4, v1;
	_ =	sdelay $0x1  }
0x12f: {  	v4 =	vperm.xlane v4, v3;
	v5 =	vadd.s32 v2, v5;
	_ =	sdelay $0x1  }
0x130: {  	v4 =	vadd.s32 v2, v4;
	_ =	sdelay $0x2  }
0x131: {  	[tilespmem:s20], [sflag:$0x1] =	stream.indirect_vreg.gather [hbm4b:s4+s1], $0x80, v5, vm0, $0xb8;
	[tilespmem:$0xB680] =	vst v63  }
0x132: {  	_ = 	snop  }
0x133: {  	[tilespmem:s21], [sflag:$0x1] =	stream.indirect_vreg.gather [hbm4b:s4+s1], $0x80, v4, vm0, $0xb8;
	[tilespmem:$0xB680] =	vst v63  }
0x134: {  	v4 =	vld [tilespmem:s7+$0xFFFFFFB0];
	_ =	sdelay $0x4  }
0x135: {  	v5 =	vshll.u32 v4, $0x1  }
0x136: {  	v4 =	vand.u32 $0x7, v4;
	v5 =	vand.u32 $0xFFFFFFF0, v5  }
0x137: {  	v4 =	vor.u32 v4, v5  }
0x138: {  	v5 =	vperm.xlane v4, v1;
	_ =	sdelay $0x1  }
0x139: {  	v4 =	vperm.xlane v4, v3;
	v5 =	vadd.s32 v2, v5;
	_ =	sdelay $0x1  }
0x13a: {  	v4 =	vadd.s32 v2, v4;
	_ =	sdelay $0x2  }
0x13b: {  	[tilespmem:s22], [sflag:$0x1] =	stream.indirect_vreg.gather [hbm4b:s4+s1], $0x80, v5, vm0, $0xb8;
	[tilespmem:$0xB680] =	vst v63  }
0x13c: {  	_ = 	snop  }
0x13d: {  	[tilespmem:s23], [sflag:$0x1] =	stream.indirect_vreg.gather [hbm4b:s4+s1], $0x80, v4, vm0, $0xb8;
	[tilespmem:$0xB680] =	vst v63  }
0x13e: {  	v4 =	vld [tilespmem:s7+$0xFFFFFFC0];
	_ =	sdelay $0x4  }
0x13f: {  	v5 =	vshll.u32 v4, $0x1  }
0x140: {  	v4 =	vand.u32 $0x7, v4;
	v5 =	vand.u32 $0xFFFFFFF0, v5  }
0x141: {  	v4 =	vor.u32 v4, v5  }
0x142: {  	v5 =	vperm.xlane v4, v1;
	_ =	sdelay $0x1  }
0x143: {  	v4 =	vperm.xlane v4, v3;
	v5 =	vadd.s32 v2, v5;
	_ =	sdelay $0x1  }
0x144: {  	v4 =	vadd.s32 v2, v4;
	_ =	sdelay $0x2  }
0x145: {  	[tilespmem:s24], [sflag:$0x1] =	stream.indirect_vreg.gather [hbm4b:s4+s1], $0x80, v5, vm0, $0xb8;
	[tilespmem:$0xB680] =	vst v63  }
0x146: {  	_ = 	snop  }
0x147: {  	[tilespmem:s25], [sflag:$0x1] =	stream.indirect_vreg.gather [hbm4b:s4+s1], $0x80, v4, vm0, $0xb8;
	[tilespmem:$0xB680] =	vst v63  }
0x148: {  	_ =	swait.ge [sflag:s26], $0x5000  }
0x149: {  	s9 =	rddreg [dreg:$0x2];
	[sflag:s26] =	ssyncset.done $0x0  }
0x14a: {  	[sflag:s26] =	ssyncadd.s32 $0xFFFFB000;
	s9 =	sadd.s32 s5, s9  }
0x14b: {  	[hbm4b:s9+s1] =	stream.linear.scatter [tilespmem:s16], [sflag:$0x2], $0x5000, $0x38;
	[tilespmem:$0xB680] =	vst v63  }
0x14c: {  	_ =	swait.ge @!p3 [sflag:s8], $0x5000  }
0x14d: {  	[sflag:s8] =	ssyncset.done @!p3 $0x0  }
0x14e: {  	[sflag:s8] =	ssyncadd.s32 @!p3 $0xFFFFB000  }
0x14f: {  	v4 =	vld [tilespmem:s7+$0x0];
	_ =	sdelay $0x4  }
0x150: {  	v5 =	vshll.u32 v4, $0x1  }
0x151: {  	v4 =	vand.u32 $0x7, v4;
	v5 =	vand.u32 $0xFFFFFFF0, v5  }
0x152: {  	v4 =	vor.u32 v4, v5  }
0x153: {  	v5 =	vperm.xlane v4, v1;
	_ =	sdelay $0x1  }
0x154: {  	v4 =	vperm.xlane v4, v3;
	v5 =	vadd.s32 v2, v5;
	_ =	sdelay $0x1  }
0x155: {  	v4 =	vadd.s32 v2, v4;
	_ =	sdelay $0x2  }
0x156: {  	[tilespmem:s28], [sflag:$0x1] =	stream.indirect_vreg.gather [hbm4b:s4+s1], $0x80, v5, vm0, $0xb8;
	[tilespmem:$0xB680] =	vst v63  }
0x157: {  	_ = 	snop  }
0x158: {  	[tilespmem:s29], [sflag:$0x1] =	stream.indirect_vreg.gather [hbm4b:s4+s1], $0x80, v4, vm0, $0xb8;
	[tilespmem:$0xB680] =	vst v63  }
0x159: {  	v4 =	vld [tilespmem:s7+$0x10];
	_ =	sdelay $0x4  }
0x15a: {  	v5 =	vshll.u32 v4, $0x1  }
0x15b: {  	v4 =	vand.u32 $0x7, v4;
	v5 =	vand.u32 $0xFFFFFFF0, v5  }
0x15c: {  	v4 =	vor.u32 v4, v5  }
0x15d: {  	v5 =	vperm.xlane v4, v1;
	_ =	sdelay $0x1  }
0x15e: {  	v4 =	vperm.xlane v4, v3;
	v5 =	vadd.s32 v2, v5;
	_ =	sdelay $0x1  }
0x15f: {  	v4 =	vadd.s32 v2, v4;
	_ =	sdelay $0x2  }
0x160: {  	[tilespmem:s30], [sflag:$0x1] =	stream.indirect_vreg.gather [hbm4b:s4+s1], $0x80, v5, vm0, $0xb8;
	[tilespmem:$0xB680] =	vst v63  }
0x161: {  	_ = 	snop  }
0x162: {  	[tilespmem:s31], [sflag:$0x1] =	stream.indirect_vreg.gather [hbm4b:s4+s1], $0x80, v4, vm0, $0xb8;
	[tilespmem:$0xB680] =	vst v63  }
0x163: {  	v4 =	vld [tilespmem:s7+$0x20];
	_ =	sdelay $0x4  }
0x164: {  	v5 =	vshll.u32 v4, $0x1  }
0x165: {  	v4 =	vand.u32 $0x7, v4;
	v5 =	vand.u32 $0xFFFFFFF0, v5  }
0x166: {  	v4 =	vor.u32 v4, v5  }
0x167: {  	v5 =	vperm.xlane v4, v1;
	_ =	sdelay $0x1  }
0x168: {  	v4 =	vperm.xlane v4, v3;
	v5 =	vadd.s32 v2, v5;
	_ =	sdelay $0x1  }
0x169: {  	v4 =	vadd.s32 v2, v4;
	_ =	sdelay $0x2  }
0x16a: {  	[tilespmem:s0], [sflag:$0x1] =	stream.indirect_vreg.gather [hbm4b:s4+s1], $0x80, v5, vm0, $0xb8;
	[tilespmem:$0xB680] =	vst v63  }
0x16b: {  	_ = 	snop  }
0x16c: {  	[tilespmem:s2], [sflag:$0x1] =	stream.indirect_vreg.gather [hbm4b:s4+s1], $0x80, v4, vm0, $0xb8;
	[tilespmem:$0xB680] =	vst v63  }
0x16d: {  	v4 =	vld [tilespmem:s7+$0x30];
	_ =	sdelay $0x4  }
0x16e: {  	v5 =	vshll.u32 v4, $0x1  }
0x16f: {  	v4 =	vand.u32 $0x7, v4;
	v5 =	vand.u32 $0xFFFFFFF0, v5  }
0x170: {  	v4 =	vor.u32 v4, v5  }
0x171: {  	v5 =	vperm.xlane v4, v1;
	_ =	sdelay $0x1  }
0x172: {  	v4 =	vperm.xlane v4, v3;
	v5 =	vadd.s32 v2, v5;
	_ =	sdelay $0x1  }
0x173: {  	v4 =	vadd.s32 v2, v4;
	_ =	sdelay $0x2  }
0x174: {  	[tilespmem:s12], [sflag:$0x1] =	stream.indirect_vreg.gather [hbm4b:s4+s1], $0x80, v5, vm0, $0xb8;
	[tilespmem:$0xB680] =	vst v63  }
0x175: {  	_ = 	snop  }
0x176: {  	[tilespmem:s13], [sflag:$0x1] =	stream.indirect_vreg.gather [hbm4b:s4+s1], $0x80, v4, vm0, $0xb8;
	[tilespmem:$0xB680] =	vst v63  }
0x177: {  	v4 =	vld [tilespmem:s7+$0x40];
	_ =	sdelay $0x4  }
0x178: {  	v5 =	vshll.u32 v4, $0x1  }
0x179: {  	v4 =	vand.u32 $0x7, v4;
	v5 =	vand.u32 $0xFFFFFFF0, v5  }
0x17a: {  	v4 =	vor.u32 v4, v5  }
0x17b: {  	v5 =	vperm.xlane v4, v1;
	_ =	sdelay $0x1  }
0x17c: {  	v4 =	vperm.xlane v4, v3;
	v5 =	vadd.s32 v2, v5;
	_ =	sdelay $0x1  }
0x17d: {  	v4 =	vadd.s32 v2, v4;
	_ =	sdelay $0x1  }
0x17e: {  	s9 =	sadd.s32 s5, s10;
	s5 =	sadd.s32 $0x1400, s5  }
0x17f: {  	[tilespmem:s14], [sflag:$0x1] =	stream.indirect_vreg.gather [hbm4b:s4+s1], $0x80, v5, vm0, $0xb8;
	[tilespmem:$0xB680] =	vst v63  }
0x180: {  	p3 =	sne.s32 s5, $0x6400  }
0x181: {  	[tilespmem:s15], [sflag:$0x1] =	stream.indirect_vreg.gather [hbm4b:s4+s1], $0x80, v4, vm0, $0xb8;
	[tilespmem:$0xB680] =	vst v63  }
.Ltmp1:
0x182: {  	_ = 	snop;
	(pc) =	sbr.rel @p3 .LBB2_4-.Ltmp1, $4  }
0x183: {  	_ =	swait.ge [sflag:s26], $0x5000  }
0x184: {  	[sflag:s26] =	ssyncset.done $0x0  }
0x185: {  	s7 =	sadd.s32 $0x100, s7;
	[sflag:s26] =	ssyncadd.s32 $0xFFFFB000  }
0x186: {  	[hbm4b:s9+s1] =	stream.linear.scatter [tilespmem:s28], [sflag:$0x2], $0x5000, $0x38;
	[tilespmem:$0xB680] =	vst v63  }
0x187: {  	_ =	swait.ge [sflag:s3], $0x5000  }
0x188: {  	[sflag:s3] =	ssyncset.done $0x0  }
0x189: {  	[sflag:s3] =	ssyncadd.s32 $0xFFFFB000  }
0x18a: {  	_ =	swait.ge [sflag:s3], $0x5000  }
0x18b: {  	s6 =	sadd.s32 $0x1, s6;
	s5 =	rddreg [dreg:$0x8]  }
0x18c: {  	p3 =	sne.s32 s6, s5  }
.Ltmp2:
0x18d: {  	_ = 	snop;
	(pc) =	sbr.rel @p3 .LBB2_1-.Ltmp2, $3  }
0x18e: {  	_ =	sdelay $0x1  }
0x18f: {  	[sflag:s3] =	ssyncset.done $0x0  }
0x190: {  	[sflag:s3] =	ssyncadd.s32 $0xFFFFB000  }
0x191: {  	_ =	sfence.sel $0x180000  }
0x192: {  	[bflag:$0x0] =	sbarrier.arrive $0xFFFF  }
0x193: {  	_ =	strace $0x90000047  }
0x194: {  	s0 =	stileid.u32;
	[bflag:$0x2] =	sbarrier.arrive $0xFFFF  }
0x195: {  	p0 =	sne.s32 s0, $0x0;
	s0 =	rddreg [dreg:$0x1]  }
0x196: {  	s0 =	sadd.s32 @!p0 $0x100000, s0  }
0x197: {  	[sflag:s0] =	ssyncadd.tile.s32 @!p0 $0x1;
	_ =	shalt  }
.Lfunc_end2:
_tile_overlayer_lowered:
.L_overlay_start_2:
0x198: {  	(tag) =	ssettag $0x2  }
0x199: {  	s0 =	rddreg [dreg:$0x0];
	s2 =	stileid.u32  }
0x19a: {  	s1 =	rddreg [dreg:$0x1];
	p0 =	sne.s32 s2, $0x0  }
0x19b: {  	s3 =	rddreg [dreg:$0x2];
	[bflag:$0x3] =	sbarrier.arrive $0xFFFF;
	s2 =	simm.s32 @!p0 $0x1C03  }
0x19c: {  	[timem:s3], [sflag:s2] =	dma.local @!p0 [hbm:s0], s1  }
0x19d: {  	s0 =	simm.s32 @!p0 $0x3  }
0x19e: {  	_ =	swait.ge @!p0 [sflag:s0], s1  }
0x19f: {  	s1 =	ssub.s32 @!p0 $0x0, s1;
	[sflag:s0] =	ssyncset.done @!p0 $0x0  }
0x1a0: {  	[sflag:s0] =	ssyncadd.s32 @!p0 s1  }
0x1a1: {  	[bflag:$0x3] =	sbarrier.arrive $0xFFFF  }
0x1a2: {  	_ =	shalt  }

</sc_bundles>
